<compile_context>
chip_gen: v7x
topology: tpu7x:2x2x1
jax: 0.10.2.dev20260603
libtpu: 0.0.44.dev20260713+nightly
codegen_flags: <defaults>
</compile_context>

<pallas_src>
import functools

import jax
import jax.numpy as jnp
from jax import lax
from jax.experimental import pallas as pl
from jax.experimental.pallas import tpu as pltpu
from jax.experimental.pallas import tpu_sc as plsc

ROWS = 16384
J = 128
LANES = 16
NSUB = 8
NW = 32
RPW = ROWS // NW
CHUNK = 128
NCHUNK = RPW // CHUNK

_GATHER_DNUMS = lax.GatherDimensionNumbers(
    offset_dims=(), collapsed_slice_dims=(0,), start_index_map=(0,))


def _lane_shuffle(x, perm):
    return lax.gather(x, perm[:, None], _GATHER_DNUMS, slice_sizes=(1,),
                      mode=lax.GatherScatterMode.PROMISE_IN_BOUNDS)


def _fast_chunk(ib, ob):
    iota = lax.iota(jnp.int32, LANES)
    perms = [iota ^ (1 << b) for b in (3, 2, 1, 0)]
    one = jnp.full((LANES,), 1.0, jnp.float32)
    zero = jnp.zeros((LANES,), jnp.float32)

    def _row(r, accs):
        v = [ib[r, pl.ds(k * LANES, LANES)] for k in range(NSUB)]
        m = v[0]
        for k in range(1, NSUB):
            m = jnp.maximum(m, v[k])
        for p in perms:
            m = jnp.maximum(m, _lane_shuffle(m, p))
        hits = None
        for k in range(NSUB):
            out_k = jnp.where(v[k] == m, one, zero)
            ob[r, pl.ds(k * LANES, LANES)] = out_k
            hits = out_k if hits is None else hits + out_k
        return accs + hits

    init = jnp.zeros((LANES,), jnp.float32)
    acc = plsc.parallel_loop(0, CHUNK, unroll=4, carry=init)(_row)
    for p in perms:
        acc = acc + _lane_shuffle(acc, p)
    return acc


def _exact_chunk(ib, ob):
    iota = lax.iota(jnp.int32, LANES)
    perms = [iota ^ (1 << b) for b in (3, 2, 1, 0)]
    fiota = iota.astype(jnp.float32)
    one = jnp.full((LANES,), 1.0, jnp.float32)
    zero = jnp.zeros((LANES,), jnp.float32)
    fbig = jnp.full((LANES,), float(J), jnp.float32)

    @plsc.parallel_loop(0, CHUNK)
    def _row(r):
        v = [ib[r, pl.ds(k * LANES, LANES)] for k in range(NSUB)]
        m = v[0]
        for k in range(1, NSUB):
            m = jnp.maximum(m, v[k])
        for p in perms:
            m = jnp.maximum(m, _lane_shuffle(m, p))
        cand = jnp.where(v[0] == m, fiota, fbig)
        for k in range(1, NSUB):
            ck = jnp.where(v[k] == m, fiota + float(k * LANES), fbig)
            cand = jnp.minimum(cand, ck)
        for p in perms:
            cand = jnp.minimum(cand, _lane_shuffle(cand, p))
        for k in range(NSUB):
            hit = (fiota + float(k * LANES)) == cand
            ob[r, pl.ds(k * LANES, LANES)] = jnp.where(hit, one, zero)


@functools.partial(
    pl.kernel,
    out_type=jax.ShapeDtypeStruct((ROWS, J), jnp.float32),
    mesh=plsc.VectorSubcoreMesh(core_axis_name="c", subcore_axis_name="s"),
    scratch_types=[
        pltpu.VMEM((2, CHUNK, J), jnp.float32),
        pltpu.VMEM((2, CHUNK, J), jnp.float32),
        pltpu.SemaphoreType.DMA,
        pltpu.SemaphoreType.DMA,
        pltpu.SemaphoreType.DMA,
        pltpu.SemaphoreType.DMA,
    ],
)
def _auto_sgt_sc(in_hbm, out_hbm, ibuf, obuf, isem0, isem1, osem0, osem1):
    wid = lax.axis_index("s") * 2 + lax.axis_index("c")
    base = wid * RPW
    isems = (isem0, isem1)
    osems = (osem0, osem1)

    def in_cp(c, slot):
        return pltpu.make_async_copy(
            in_hbm.at[pl.ds(base + c * CHUNK, CHUNK)], ibuf.at[slot],
            isems[slot])

    def out_cp(c, slot):
        return pltpu.make_async_copy(
            obuf.at[slot], out_hbm.at[pl.ds(base + c * CHUNK, CHUNK)],
            osems[slot])

    in_cp(0, 0).start()
    in_cp(1, 1).start()

    def pair(i, carry):
        for slot in range(2):
            c = 2 * i + slot
            in_cp(c, slot).wait()

            @pl.when(i > 0)
            def _drain():
                out_cp(c, slot).wait()

            total = _fast_chunk(ibuf.at[slot], obuf.at[slot])

            @pl.when(total[0] != float(CHUNK))
            def _fixup():
                _exact_chunk(ibuf.at[slot], obuf.at[slot])

            out_cp(c, slot).start()

            @pl.when(i + 1 < NCHUNK // 2)
            def _prefetch():
                in_cp(c + 2, slot).start()
        return carry

    lax.fori_loop(0, NCHUNK // 2, pair, 0)
    out_cp(0, 0).wait()
    out_cp(1, 1).wait()


def kernel(sgt_trans_mat, use_gumbel_noise, gumbel_temp, is_training):
    del use_gumbel_noise, gumbel_temp, is_training
    m2d = sgt_trans_mat.reshape(ROWS, J)
    out = _auto_sgt_sc(m2d)
    return out.reshape(sgt_trans_mat.shape)

# --- scband reference (transcript-rebuilt; emitter-appended) ---
"""Pipeline reference for scband-auto-sgt-77000173682940 (READ-ONLY COPY).

The authoritative reference and input builder live on the scoring server;
editing this copy changes nothing except your own understanding.
"""

import jax, jax.numpy as jnp
import numpy as np

NUM_JTS = 128
GRID_SHAPE = (128, 128)
HW = int(np.prod(GRID_SHAPE))


def _gumbel_softmax_soft(key, logits, tau):
    # torch F.gumbel_softmax(hard=False): softmax((logits + gumbel_noise)/tau, dim=-1)
    u = jax.random.uniform(key, logits.shape, dtype=logits.dtype, minval=1e-10, maxval=1.0)
    gumbels = -jnp.log(-jnp.log(u))
    return jax.nn.softmax((logits + gumbels) / tau, axis=-1)


def setup_inputs(seed: int = 0) -> dict:
    key = jax.random.key(seed)
    # torch.rand -> uniform [0, 1)
    sgt_trans_mat = jax.random.uniform(key, (1, HW, NUM_JTS), dtype=jnp.float32)
    return {
        "sgt_trans_mat": sgt_trans_mat,
        "use_gumbel_noise": 0,
        "gumbel_temp": 1,
        "is_training": 1,
    }


def reference(sgt_trans_mat, use_gumbel_noise, gumbel_temp, is_training):
    m = sgt_trans_mat
    J = m.shape[-1]
    tau = jnp.asarray(gumbel_temp).astype(m.dtype)
    gumbel_out = _gumbel_softmax_soft(jax.random.key(1), m, tau)
    idx = jnp.argmax(m, axis=-1)
    y_hard = jax.nn.one_hot(idx, J, dtype=m.dtype)
    st_out = y_hard - jax.lax.stop_gradient(m) + m
    eval_out = jax.nn.one_hot(idx, J, dtype=jnp.float32)
    train_out = jnp.where(use_gumbel_noise != 0, gumbel_out, st_out)
    out = jnp.where(is_training != 0, train_out, eval_out)
    return out

if __name__ == "__main__":
    import jax
    _d = setup_inputs()
    print(jax.jit(kernel)(*tuple(_d.values())))

</pallas_src>

<mosaic_0001>
#map = affine_map<(d0, d1) -> (0, 0)>
module attributes {stable_mosaic.version = 14 : i64} {
  func.func @_auto_sgt_sc(%arg0: i32, %arg1: i32, %arg2: memref<16384x128xf32, #tpu.memory_space<hbm>>, %arg3: memref<16384x128xf32, #tpu.memory_space<hbm>>, %arg4: memref<2x128x128xf32, #tpu.memory_space<vmem>>, %arg5: memref<2x128x128xf32, #tpu.memory_space<vmem>>, %arg6: memref<!tpu.dma_semaphore, #tpu.memory_space<semaphore_mem>>, %arg7: memref<!tpu.dma_semaphore, #tpu.memory_space<semaphore_mem>>, %arg8: memref<!tpu.dma_semaphore, #tpu.memory_space<semaphore_mem>>, %arg9: memref<!tpu.dma_semaphore, #tpu.memory_space<semaphore_mem>>) attributes {dimension_semantics = [#tpu.dimension_semantics<core_parallel>, #tpu.dimension_semantics<subcore_parallel>], iteration_bounds = array<i64: 2, 16>, scalar_prefetch = 0 : i64, scratch_operands = 6 : i64, tpu.core_type = #tpu.core_type<sc_vector_subcore>, window_params = [{transform_indices = #map}, {transform_indices = #map}]} {
    %mul3A = arith.constant 2 : i32
    %mul3A_0 = arith.muli %arg1, %mul3A : i32
    %add3A = arith.addi %mul3A_0, %arg0 : i32
    %mul3A_1 = arith.constant 512 : i32
    %mul3A_2 = arith.muli %add3A, %mul3A_1 : i32
    %add3A_3 = arith.constant 0 : i32
    %add3A_4 = arith.addi %mul3A_2, %add3A_3 : i32
    %dma_start3A = arith.constant 0 : i32
    %dma_start3A_5 = arith.constant 0 : i32
    %dma_start3A_6 = arith.constant 0 : i32
    %dma_start3A_7 = tpu.memref_slice %arg4[%dma_start3A, %dma_start3A_5, %dma_start3A_6] : memref<2x128x128xf32, #tpu.memory_space<vmem>> -> memref<1x128x128xf32, #tpu.memory_space<vmem>>
    %dma_start3A_8 = tpu.memref_squeeze %dma_start3A_7 : memref<1x128x128xf32, #tpu.memory_space<vmem>> -> memref<128x128xf32, #tpu.memory_space<vmem>>
    %dma_start3A_9 = arith.constant 0 : i32
    %dma_start3A_10 = tpu.memref_slice %arg2[%add3A_4, %dma_start3A_9] : memref<16384x128xf32, #tpu.memory_space<hbm>> -> memref<128x128xf32, #tpu.memory_space<hbm>>
    %dma_start3A_11 = arith.constant 0 : i32
    %dma_start3A_12 = arith.constant 0 : i32
    %dma_start3A_13 = tpu.memref_slice %arg4[%dma_start3A, %dma_start3A_11, %dma_start3A_12] : memref<2x128x128xf32, #tpu.memory_space<vmem>> -> memref<1x128x128xf32, #tpu.memory_space<vmem>>
    %dma_start3A_14 = tpu.memref_squeeze %dma_start3A_13 : memref<1x128x128xf32, #tpu.memory_space<vmem>> -> memref<128x128xf32, #tpu.memory_space<vmem>>
    %dma_start3A_15 = arith.constant 0 : i32
    %dma_start3A_16 = tpu.memref_slice %arg2[%add3A_4, %dma_start3A_15] : memref<16384x128xf32, #tpu.memory_space<hbm>> -> memref<128x128xf32, #tpu.memory_space<hbm>>
    tpu.enqueue_dma source(%dma_start3A_16 : memref<128x128xf32, #tpu.memory_space<hbm>>) target(%dma_start3A_14 : memref<128x128xf32, #tpu.memory_space<vmem>>) target_semaphore(%arg6 : memref<!tpu.dma_semaphore, #tpu.memory_space<semaphore_mem>>)
    %add3A_17 = arith.constant 128 : i32
    %add3A_18 = arith.addi %mul3A_2, %add3A_17 : i32
    %dma_start3A_19 = arith.constant 1 : i32
    %dma_start3A_20 = arith.constant 0 : i32
    %dma_start3A_21 = arith.constant 0 : i32
    %dma_start3A_22 = tpu.memref_slice %arg4[%dma_start3A_19, %dma_start3A_20, %dma_start3A_21] : memref<2x128x128xf32, #tpu.memory_space<vmem>> -> memref<1x128x128xf32, #tpu.memory_space<vmem>>
    %dma_start3A_23 = tpu.memref_squeeze %dma_start3A_22 : memref<1x128x128xf32, #tpu.memory_space<vmem>> -> memref<128x128xf32, #tpu.memory_space<vmem>>
    %dma_start3A_24 = arith.constant 0 : i32
    %dma_start3A_25 = tpu.memref_slice %arg2[%add3A_18, %dma_start3A_24] : memref<16384x128xf32, #tpu.memory_space<hbm>> -> memref<128x128xf32, #tpu.memory_space<hbm>>
    %dma_start3A_26 = arith.constant 0 : i32
    %dma_start3A_27 = arith.constant 0 : i32
    %dma_start3A_28 = tpu.memref_slice %arg4[%dma_start3A_19, %dma_start3A_26, %dma_start3A_27] : memref<2x128x128xf32, #tpu.memory_space<vmem>> -> memref<1x128x128xf32, #tpu.memory_space<vmem>>
    %dma_start3A_29 = tpu.memref_squeeze %dma_start3A_28 : memref<1x128x128xf32, #tpu.memory_space<vmem>> -> memref<128x128xf32, #tpu.memory_space<vmem>>
    %dma_start3A_30 = arith.constant 0 : i32
    %dma_start3A_31 = tpu.memref_slice %arg2[%add3A_18, %dma_start3A_30] : memref<16384x128xf32, #tpu.memory_space<hbm>> -> memref<128x128xf32, #tpu.memory_space<hbm>>
    tpu.enqueue_dma source(%dma_start3A_31 : memref<128x128xf32, #tpu.memory_space<hbm>>) target(%dma_start3A_29 : memref<128x128xf32, #tpu.memory_space<vmem>>) target_semaphore(%arg7 : memref<!tpu.dma_semaphore, #tpu.memory_space<semaphore_mem>>)
    %scan3A = arith.constant 0 : i32
    %scan3A_32 = arith.constant 0 : i32
    %scan3A_33 = arith.constant 2 : i32
    %scan3A_34 = arith.addi %scan3A_32, %scan3A_33 : i32
    %scan3A_35 = arith.constant 1 : i32
    scf.for %scan3A_66 = %scan3A_32 to %scan3A_34 step %scan3A_35  : i32 {
      %mul3A_67 = arith.constant 2 : i32
      %mul3A_68 = arith.muli %mul3A_67, %scan3A_66 : i32
      %add3A_69 = arith.constant 0 : i32
      %add3A_70 = arith.addi %mul3A_68, %add3A_69 : i32
      %mul3A_71 = arith.constant 128 : i32
      %mul3A_72 = arith.muli %add3A_70, %mul3A_71 : i32
      %add3A_73 = arith.addi %mul3A_2, %mul3A_72 : i32
      %dma_wait3A_74 = arith.constant 0 : i32
      %dma_wait3A_75 = arith.constant 0 : i32
      %dma_wait3A_76 = arith.constant 0 : i32
      %dma_wait3A_77 = tpu.memref_slice %arg4[%dma_wait3A_74, %dma_wait3A_75, %dma_wait3A_76] : memref<2x128x128xf32, #tpu.memory_space<vmem>> -> memref<1x128x128xf32, #tpu.memory_space<vmem>>
      %dma_wait3A_78 = tpu.memref_squeeze %dma_wait3A_77 : memref<1x128x128xf32, #tpu.memory_space<vmem>> -> memref<128x128xf32, #tpu.memory_space<vmem>>
      %dma_wait3A_79 = arith.constant 0 : i32
      %dma_wait3A_80 = tpu.memref_slice %arg2[%add3A_73, %dma_wait3A_79] : memref<16384x128xf32, #tpu.memory_space<hbm>> -> memref<128x128xf32, #tpu.memory_space<hbm>>
      %dma_wait3A_81 = arith.constant 0 : i32
      %dma_wait3A_82 = arith.constant 0 : i32
      %dma_wait3A_83 = tpu.memref_slice %arg4[%dma_wait3A_74, %dma_wait3A_81, %dma_wait3A_82] : memref<2x128x128xf32, #tpu.memory_space<vmem>> -> memref<1x128x128xf32, #tpu.memory_space<vmem>>
      %dma_wait3A_84 = tpu.memref_squeeze %dma_wait3A_83 : memref<1x128x128xf32, #tpu.memory_space<vmem>> -> memref<128x128xf32, #tpu.memory_space<vmem>>
      %dma_wait3A_85 = arith.constant 0 : i32
      %dma_wait3A_86 = tpu.memref_slice %arg2[%add3A_73, %dma_wait3A_85] : memref<16384x128xf32, #tpu.memory_space<hbm>> -> memref<128x128xf32, #tpu.memory_space<hbm>>
      tpu.wait_dma2 semaphore(%arg6 : memref<!tpu.dma_semaphore, #tpu.memory_space<semaphore_mem>>) src(%dma_wait3A_86 : memref<128x128xf32, #tpu.memory_space<hbm>>) dst(%dma_wait3A_84 : memref<128x128xf32, #tpu.memory_space<vmem>>)
      %gt3A = arith.constant 0 : i32
      %gt3A_87 = arith.cmpi sgt, %scan3A_66, %gt3A : i32
      %convert_element_type3A = arith.extui %gt3A_87 : i1 to i32
      %cond3A = arith.constant 0 : i32
      %cond3A_88 = arith.cmpi ne, %convert_element_type3A, %cond3A : i32
      scf.if %cond3A_88 {
        %mul3A_247 = arith.constant 128 : i32
        %mul3A_248 = arith.muli %add3A_70, %mul3A_247 : i32
        %add3A_249 = arith.addi %mul3A_2, %mul3A_248 : i32
        %dma_wait3A_250 = arith.constant 0 : i32
        %dma_wait3A_251 = arith.constant 0 : i32
        %dma_wait3A_252 = arith.constant 0 : i32
        %dma_wait3A_253 = tpu.memref_slice %arg5[%dma_wait3A_250, %dma_wait3A_251, %dma_wait3A_252] : memref<2x128x128xf32, #tpu.memory_space<vmem>> -> memref<1x128x128xf32, #tpu.memory_space<vmem>>
        %dma_wait3A_254 = tpu.memref_squeeze %dma_wait3A_253 : memref<1x128x128xf32, #tpu.memory_space<vmem>> -> memref<128x128xf32, #tpu.memory_space<vmem>>
        %dma_wait3A_255 = arith.constant 0 : i32
        %dma_wait3A_256 = tpu.memref_slice %arg3[%add3A_249, %dma_wait3A_255] : memref<16384x128xf32, #tpu.memory_space<hbm>> -> memref<128x128xf32, #tpu.memory_space<hbm>>
        %dma_wait3A_257 = arith.constant 0 : i32
        %dma_wait3A_258 = tpu.memref_slice %arg3[%add3A_249, %dma_wait3A_257] : memref<16384x128xf32, #tpu.memory_space<hbm>> -> memref<128x128xf32, #tpu.memory_space<hbm>>
        %dma_wait3A_259 = arith.constant 0 : i32
        %dma_wait3A_260 = arith.constant 0 : i32
        %dma_wait3A_261 = tpu.memref_slice %arg5[%dma_wait3A_250, %dma_wait3A_259, %dma_wait3A_260] : memref<2x128x128xf32, #tpu.memory_space<vmem>> -> memref<1x128x128xf32, #tpu.memory_space<vmem>>
        %dma_wait3A_262 = tpu.memref_squeeze %dma_wait3A_261 : memref<1x128x128xf32, #tpu.memory_space<vmem>> -> memref<128x128xf32, #tpu.memory_space<vmem>>
        tpu.wait_dma2 semaphore(%arg8 : memref<!tpu.dma_semaphore, #tpu.memory_space<semaphore_mem>>) src(%dma_wait3A_262 : memref<128x128xf32, #tpu.memory_space<vmem>>) dst(%dma_wait3A_258 : memref<128x128xf32, #tpu.memory_space<hbm>>)
      } else {
      }
      %iota3A = tpu.iota {dimensions = array<i32: 0>} : vector<16xi32>
      %xor3A = arith.constant 8 : i32
      %xor3A_89 = vector.broadcast %xor3A : i32 to vector<16xi32>
      %xor3A_90 = arith.xori %iota3A, %xor3A_89 : vector<16xi32>
      %xor3A_91 = arith.constant 4 : i32
      %xor3A_92 = vector.broadcast %xor3A_91 : i32 to vector<16xi32>
      %xor3A_93 = arith.xori %iota3A, %xor3A_92 : vector<16xi32>
      %xor3A_94 = arith.constant 2 : i32
      %xor3A_95 = vector.broadcast %xor3A_94 : i32 to vector<16xi32>
      %xor3A_96 = arith.xori %iota3A, %xor3A_95 : vector<16xi32>
      %xor3A_97 = arith.constant 1 : i32
      %xor3A_98 = vector.broadcast %xor3A_97 : i32 to vector<16xi32>
      %xor3A_99 = arith.xori %iota3A, %xor3A_98 : vector<16xi32>
      %broadcast_in_dim3A = arith.constant 1.000000e+00 : f32
      %broadcast_in_dim3A_100 = vector.broadcast %broadcast_in_dim3A : f32 to vector<16xf32>
      %broadcast_in_dim3A_101 = arith.constant 0.000000e+00 : f32
      %broadcast_in_dim3A_102 = vector.broadcast %broadcast_in_dim3A_101 : f32 to vector<16xf32>
      %broadcast_in_dim3A_103 = arith.constant 0.000000e+00 : f32
      %broadcast_in_dim3A_104 = vector.broadcast %broadcast_in_dim3A_103 : f32 to vector<16xf32>
      %parallel_loop3A = arith.constant 0 : i32
      %parallel_loop3A_105 = arith.constant 128 : i32
      %parallel_loop3A_106 = arith.constant 1 : i32
      %parallel_loop3A_107 = arith.constant 0 : i32
      %parallel_loop3A_108 = arith.constant 0 : i32
      %parallel_loop3A_109 = scf.for %parallel_loop3A_247 = %parallel_loop3A to %parallel_loop3A_105 step %parallel_loop3A_106 iter_args(%parallel_loop3A_248 = %broadcast_in_dim3A_104) -> (vector<16xf32>)  : i32 {
        %parallel_loop3A_249 = arith.constant 0 : i32
        %parallel_loop3A_250 = arith.constant 0 : i32
        %parallel_loop3A_251 = tpu.memref_slice %arg4[%parallel_loop3A_107, %parallel_loop3A_249, %parallel_loop3A_250] : memref<2x128x128xf32, #tpu.memory_space<vmem>> -> memref<1x128x128xf32, #tpu.memory_space<vmem>>
        %parallel_loop3A_252 = tpu.memref_squeeze %parallel_loop3A_251 : memref<1x128x128xf32, #tpu.memory_space<vmem>> -> memref<128x128xf32, #tpu.memory_space<vmem>>
        %parallel_loop3A_253 = arith.index_cast %parallel_loop3A_247 : i32 to index
        %parallel_loop3A_254 = arith.constant 0 : index
        %parallel_loop3A_255 = tpu.vector_load %parallel_loop3A_252[%parallel_loop3A_253, %parallel_loop3A_254] {strides = array<i32>} : memref<128x128xf32, #tpu.memory_space<vmem>>, vector<1x16xf32>,
        %parallel_loop3A_256 = vector.shape_cast %parallel_loop3A_255 : vector<1x16xf32> to vector<16xf32>
        %parallel_loop3A_257 = arith.constant 0 : i32
        %parallel_loop3A_258 = arith.constant 0 : i32
        %parallel_loop3A_259 = tpu.memref_slice %arg4[%parallel_loop3A_107, %parallel_loop3A_257, %parallel_loop3A_258] : memref<2x128x128xf32, #tpu.memory_space<vmem>> -> memref<1x128x128xf32, #tpu.memory_space<vmem>>
        %parallel_loop3A_260 = tpu.memref_squeeze %parallel_loop3A_259 : memref<1x128x128xf32, #tpu.memory_space<vmem>> -> memref<128x128xf32, #tpu.memory_space<vmem>>
        %parallel_loop3A_261 = arith.index_cast %parallel_loop3A_247 : i32 to index
        %parallel_loop3A_262 = arith.constant 16 : index
        %parallel_loop3A_263 = tpu.vector_load %parallel_loop3A_260[%parallel_loop3A_261, %parallel_loop3A_262] {strides = array<i32>} : memref<128x128xf32, #tpu.memory_space<vmem>>, vector<1x16xf32>,
        %parallel_loop3A_264 = vector.shape_cast %parallel_loop3A_263 : vector<1x16xf32> to vector<16xf32>
        %parallel_loop3A_265 = arith.constant 0 : i32
        %parallel_loop3A_266 = arith.constant 0 : i32
        %parallel_loop3A_267 = tpu.memref_slice %arg4[%parallel_loop3A_107, %parallel_loop3A_265, %parallel_loop3A_266] : memref<2x128x128xf32, #tpu.memory_space<vmem>> -> memref<1x128x128xf32, #tpu.memory_space<vmem>>
        %parallel_loop3A_268 = tpu.memref_squeeze %parallel_loop3A_267 : memref<1x128x128xf32, #tpu.memory_space<vmem>> -> memref<128x128xf32, #tpu.memory_space<vmem>>
        %parallel_loop3A_269 = arith.index_cast %parallel_loop3A_247 : i32 to index
        %parallel_loop3A_270 = arith.constant 32 : index
        %parallel_loop3A_271 = tpu.vector_load %parallel_loop3A_268[%parallel_loop3A_269, %parallel_loop3A_270] {strides = array<i32>} : memref<128x128xf32, #tpu.memory_space<vmem>>, vector<1x16xf32>,
        %parallel_loop3A_272 = vector.shape_cast %parallel_loop3A_271 : vector<1x16xf32> to vector<16xf32>
        %parallel_loop3A_273 = arith.constant 0 : i32
        %parallel_loop3A_274 = arith.constant 0 : i32
        %parallel_loop3A_275 = tpu.memref_slice %arg4[%parallel_loop3A_107, %parallel_loop3A_273, %parallel_loop3A_274] : memref<2x128x128xf32, #tpu.memory_space<vmem>> -> memref<1x128x128xf32, #tpu.memory_space<vmem>>
        %parallel_loop3A_276 = tpu.memref_squeeze %parallel_loop3A_275 : memref<1x128x128xf32, #tpu.memory_space<vmem>> -> memref<128x128xf32, #tpu.memory_space<vmem>>
        %parallel_loop3A_277 = arith.index_cast %parallel_loop3A_247 : i32 to index
        %parallel_loop3A_278 = arith.constant 48 : index
        %parallel_loop3A_279 = tpu.vector_load %parallel_loop3A_276[%parallel_loop3A_277, %parallel_loop3A_278] {strides = array<i32>} : memref<128x128xf32, #tpu.memory_space<vmem>>, vector<1x16xf32>,
        %parallel_loop3A_280 = vector.shape_cast %parallel_loop3A_279 : vector<1x16xf32> to vector<16xf32>
        %parallel_loop3A_281 = arith.constant 0 : i32
        %parallel_loop3A_282 = arith.constant 0 : i32
        %parallel_loop3A_283 = tpu.memref_slice %arg4[%parallel_loop3A_107, %parallel_loop3A_281, %parallel_loop3A_282] : memref<2x128x128xf32, #tpu.memory_space<vmem>> -> memref<1x128x128xf32, #tpu.memory_space<vmem>>
        %parallel_loop3A_284 = tpu.memref_squeeze %parallel_loop3A_283 : memref<1x128x128xf32, #tpu.memory_space<vmem>> -> memref<128x128xf32, #tpu.memory_space<vmem>>
        %parallel_loop3A_285 = arith.index_cast %parallel_loop3A_247 : i32 to index
        %parallel_loop3A_286 = arith.constant 64 : index
        %parallel_loop3A_287 = tpu.vector_load %parallel_loop3A_284[%parallel_loop3A_285, %parallel_loop3A_286] {strides = array<i32>} : memref<128x128xf32, #tpu.memory_space<vmem>>, vector<1x16xf32>,
        %parallel_loop3A_288 = vector.shape_cast %parallel_loop3A_287 : vector<1x16xf32> to vector<16xf32>
        %parallel_loop3A_289 = arith.constant 0 : i32
        %parallel_loop3A_290 = arith.constant 0 : i32
        %parallel_loop3A_291 = tpu.memref_slice %arg4[%parallel_loop3A_107, %parallel_loop3A_289, %parallel_loop3A_290] : memref<2x128x128xf32, #tpu.memory_space<vmem>> -> memref<1x128x128xf32, #tpu.memory_space<vmem>>
        %parallel_loop3A_292 = tpu.memref_squeeze %parallel_loop3A_291 : memref<1x128x128xf32, #tpu.memory_space<vmem>> -> memref<128x128xf32, #tpu.memory_space<vmem>>
        %parallel_loop3A_293 = arith.index_cast %parallel_loop3A_247 : i32 to index
        %parallel_loop3A_294 = arith.constant 80 : index
        %parallel_loop3A_295 = tpu.vector_load %parallel_loop3A_292[%parallel_loop3A_293, %parallel_loop3A_294] {strides = array<i32>} : memref<128x128xf32, #tpu.memory_space<vmem>>, vector<1x16xf32>,
        %parallel_loop3A_296 = vector.shape_cast %parallel_loop3A_295 : vector<1x16xf32> to vector<16xf32>
        %parallel_loop3A_297 = arith.constant 0 : i32
        %parallel_loop3A_298 = arith.constant 0 : i32
        %parallel_loop3A_299 = tpu.memref_slice %arg4[%parallel_loop3A_107, %parallel_loop3A_297, %parallel_loop3A_298] : memref<2x128x128xf32, #tpu.memory_space<vmem>> -> memref<1x128x128xf32, #tpu.memory_space<vmem>>
        %parallel_loop3A_300 = tpu.memref_squeeze %parallel_loop3A_299 : memref<1x128x128xf32, #tpu.memory_space<vmem>> -> memref<128x128xf32, #tpu.memory_space<vmem>>
        %parallel_loop3A_301 = arith.index_cast %parallel_loop3A_247 : i32 to index
        %parallel_loop3A_302 = arith.constant 96 : index
        %parallel_loop3A_303 = tpu.vector_load %parallel_loop3A_300[%parallel_loop3A_301, %parallel_loop3A_302] {strides = array<i32>} : memref<128x128xf32, #tpu.memory_space<vmem>>, vector<1x16xf32>,
        %parallel_loop3A_304 = vector.shape_cast %parallel_loop3A_303 : vector<1x16xf32> to vector<16xf32>
        %parallel_loop3A_305 = arith.constant 0 : i32
        %parallel_loop3A_306 = arith.constant 0 : i32
        %parallel_loop3A_307 = tpu.memref_slice %arg4[%parallel_loop3A_107, %parallel_loop3A_305, %parallel_loop3A_306] : memref<2x128x128xf32, #tpu.memory_space<vmem>> -> memref<1x128x128xf32, #tpu.memory_space<vmem>>
        %parallel_loop3A_308 = tpu.memref_squeeze %parallel_loop3A_307 : memref<1x128x128xf32, #tpu.memory_space<vmem>> -> memref<128x128xf32, #tpu.memory_space<vmem>>
        %parallel_loop3A_309 = arith.index_cast %parallel_loop3A_247 : i32 to index
        %parallel_loop3A_310 = arith.constant 112 : index
        %parallel_loop3A_311 = tpu.vector_load %parallel_loop3A_308[%parallel_loop3A_309, %parallel_loop3A_310] {strides = array<i32>} : memref<128x128xf32, #tpu.memory_space<vmem>>, vector<1x16xf32>,
        %parallel_loop3A_312 = vector.shape_cast %parallel_loop3A_311 : vector<1x16xf32> to vector<16xf32>
        %parallel_loop3A_313 = arith.maximumf %parallel_loop3A_256, %parallel_loop3A_264 : vector<16xf32>
        %parallel_loop3A_314 = arith.maximumf %parallel_loop3A_313, %parallel_loop3A_272 : vector<16xf32>
        %parallel_loop3A_315 = arith.maximumf %parallel_loop3A_314, %parallel_loop3A_280 : vector<16xf32>
        %parallel_loop3A_316 = arith.maximumf %parallel_loop3A_315, %parallel_loop3A_288 : vector<16xf32>
        %parallel_loop3A_317 = arith.maximumf %parallel_loop3A_316, %parallel_loop3A_296 : vector<16xf32>
        %parallel_loop3A_318 = arith.maximumf %parallel_loop3A_317, %parallel_loop3A_304 : vector<16xf32>
        %parallel_loop3A_319 = arith.maximumf %parallel_loop3A_318, %parallel_loop3A_312 : vector<16xf32>
        %parallel_loop3A_320 = vector.shape_cast %xor3A_90 : vector<16xi32> to vector<16x1xi32>
        %parallel_loop3A_321 = vector.shape_cast %parallel_loop3A_320 : vector<16x1xi32> to vector<16xi32>
        %parallel_loop3A_322 = tpu.dynamic_gather %parallel_loop3A_319[%parallel_loop3A_321] in [0] : vector<16xf32>, vector<16xi32> -> vector<16xf32>
        %parallel_loop3A_323 = arith.maximumf %parallel_loop3A_319, %parallel_loop3A_322 : vector<16xf32>
        %parallel_loop3A_324 = vector.shape_cast %xor3A_93 : vector<16xi32> to vector<16x1xi32>
        %parallel_loop3A_325 = vector.shape_cast %parallel_loop3A_324 : vector<16x1xi32> to vector<16xi32>
        %parallel_loop3A_326 = tpu.dynamic_gather %parallel_loop3A_323[%parallel_loop3A_325] in [0] : vector<16xf32>, vector<16xi32> -> vector<16xf32>
        %parallel_loop3A_327 = arith.maximumf %parallel_loop3A_323, %parallel_loop3A_326 : vector<16xf32>
        %parallel_loop3A_328 = vector.shape_cast %xor3A_96 : vector<16xi32> to vector<16x1xi32>
        %parallel_loop3A_329 = vector.shape_cast %parallel_loop3A_328 : vector<16x1xi32> to vector<16xi32>
        %parallel_loop3A_330 = tpu.dynamic_gather %parallel_loop3A_327[%parallel_loop3A_329] in [0] : vector<16xf32>, vector<16xi32> -> vector<16xf32>
        %parallel_loop3A_331 = arith.maximumf %parallel_loop3A_327, %parallel_loop3A_330 : vector<16xf32>
        %parallel_loop3A_332 = vector.shape_cast %xor3A_99 : vector<16xi32> to vector<16x1xi32>
        %parallel_loop3A_333 = vector.shape_cast %parallel_loop3A_332 : vector<16x1xi32> to vector<16xi32>
        %parallel_loop3A_334 = tpu.dynamic_gather %parallel_loop3A_331[%parallel_loop3A_333] in [0] : vector<16xf32>, vector<16xi32> -> vector<16xf32>
        %parallel_loop3A_335 = arith.maximumf %parallel_loop3A_331, %parallel_loop3A_334 : vector<16xf32>
        %parallel_loop3A_336 = arith.cmpf oeq, %parallel_loop3A_256, %parallel_loop3A_335 : vector<16xf32>
        %parallel_loop3A_337 = arith.select %parallel_loop3A_336, %broadcast_in_dim3A_100, %broadcast_in_dim3A_102 : vector<16xi1>, vector<16xf32>
        %parallel_loop3A_338 = arith.constant 0 : i32
        %parallel_loop3A_339 = arith.constant 0 : i32
        %parallel_loop3A_340 = tpu.memref_slice %arg5[%parallel_loop3A_108, %parallel_loop3A_338, %parallel_loop3A_339] : memref<2x128x128xf32, #tpu.memory_space<vmem>> -> memref<1x128x128xf32, #tpu.memory_space<vmem>>
        %parallel_loop3A_341 = tpu.memref_squeeze %parallel_loop3A_340 : memref<1x128x128xf32, #tpu.memory_space<vmem>> -> memref<128x128xf32, #tpu.memory_space<vmem>>
        %parallel_loop3A_342 = arith.index_cast %parallel_loop3A_247 : i32 to index
        %parallel_loop3A_343 = arith.constant 0 : index
        %parallel_loop3A_344 = tpu.vector_load %parallel_loop3A_341[%parallel_loop3A_342, %parallel_loop3A_343] {strides = array<i32>} : memref<128x128xf32, #tpu.memory_space<vmem>>, vector<1x16xf32>,
        %parallel_loop3A_345 = vector.shape_cast %parallel_loop3A_344 : vector<1x16xf32> to vector<16xf32>
        %parallel_loop3A_346 = vector.shape_cast %parallel_loop3A_337 : vector<16xf32> to vector<1x16xf32>
        tpu.vector_store %parallel_loop3A_341[%parallel_loop3A_342, %parallel_loop3A_343], %parallel_loop3A_346 {strides = array<i32>} : memref<128x128xf32, #tpu.memory_space<vmem>>, vector<1x16xf32>,
        %parallel_loop3A_347 = arith.cmpf oeq, %parallel_loop3A_264, %parallel_loop3A_335 : vector<16xf32>
        %parallel_loop3A_348 = arith.select %parallel_loop3A_347, %broadcast_in_dim3A_100, %broadcast_in_dim3A_102 : vector<16xi1>, vector<16xf32>
        %parallel_loop3A_349 = arith.constant 0 : i32
        %parallel_loop3A_350 = arith.constant 0 : i32
        %parallel_loop3A_351 = tpu.memref_slice %arg5[%parallel_loop3A_108, %parallel_loop3A_349, %parallel_loop3A_350] : memref<2x128x128xf32, #tpu.memory_space<vmem>> -> memref<1x128x128xf32, #tpu.memory_space<vmem>>
        %parallel_loop3A_352 = tpu.memref_squeeze %parallel_loop3A_351 : memref<1x128x128xf32, #tpu.memory_space<vmem>> -> memref<128x128xf32, #tpu.memory_space<vmem>>
        %parallel_loop3A_353 = arith.index_cast %parallel_loop3A_247 : i32 to index
        %parallel_loop3A_354 = arith.constant 16 : index
        %parallel_loop3A_355 = tpu.vector_load %parallel_loop3A_352[%parallel_loop3A_353, %parallel_loop3A_354] {strides = array<i32>} : memref<128x128xf32, #tpu.memory_space<vmem>>, vector<1x16xf32>,
        %parallel_loop3A_356 = vector.shape_cast %parallel_loop3A_355 : vector<1x16xf32> to vector<16xf32>
        %parallel_loop3A_357 = vector.shape_cast %parallel_loop3A_348 : vector<16xf32> to vector<1x16xf32>
        tpu.vector_store %parallel_loop3A_352[%parallel_loop3A_353, %parallel_loop3A_354], %parallel_loop3A_357 {strides = array<i32>} : memref<128x128xf32, #tpu.memory_space<vmem>>, vector<1x16xf32>,
        %parallel_loop3A_358 = arith.addf %parallel_loop3A_337, %parallel_loop3A_348 : vector<16xf32>
        %parallel_loop3A_359 = arith.cmpf oeq, %parallel_loop3A_272, %parallel_loop3A_335 : vector<16xf32>
        %parallel_loop3A_360 = arith.select %parallel_loop3A_359, %broadcast_in_dim3A_100, %broadcast_in_dim3A_102 : vector<16xi1>, vector<16xf32>
        %parallel_loop3A_361 = arith.constant 0 : i32
        %parallel_loop3A_362 = arith.constant 0 : i32
        %parallel_loop3A_363 = tpu.memref_slice %arg5[%parallel_loop3A_108, %parallel_loop3A_361, %parallel_loop3A_362] : memref<2x128x128xf32, #tpu.memory_space<vmem>> -> memref<1x128x128xf32, #tpu.memory_space<vmem>>
        %parallel_loop3A_364 = tpu.memref_squeeze %parallel_loop3A_363 : memref<1x128x128xf32, #tpu.memory_space<vmem>> -> memref<128x128xf32, #tpu.memory_space<vmem>>
        %parallel_loop3A_365 = arith.index_cast %parallel_loop3A_247 : i32 to index
        %parallel_loop3A_366 = arith.constant 32 : index
        %parallel_loop3A_367 = tpu.vector_load %parallel_loop3A_364[%parallel_loop3A_365, %parallel_loop3A_366] {strides = array<i32>} : memref<128x128xf32, #tpu.memory_space<vmem>>, vector<1x16xf32>,
        %parallel_loop3A_368 = vector.shape_cast %parallel_loop3A_367 : vector<1x16xf32> to vector<16xf32>
        %parallel_loop3A_369 = vector.shape_cast %parallel_loop3A_360 : vector<16xf32> to vector<1x16xf32>
        tpu.vector_store %parallel_loop3A_364[%parallel_loop3A_365, %parallel_loop3A_366], %parallel_loop3A_369 {strides = array<i32>} : memref<128x128xf32, #tpu.memory_space<vmem>>, vector<1x16xf32>,
        %parallel_loop3A_370 = arith.addf %parallel_loop3A_358, %parallel_loop3A_360 : vector<16xf32>
        %parallel_loop3A_371 = arith.cmpf oeq, %parallel_loop3A_280, %parallel_loop3A_335 : vector<16xf32>
        %parallel_loop3A_372 = arith.select %parallel_loop3A_371, %broadcast_in_dim3A_100, %broadcast_in_dim3A_102 : vector<16xi1>, vector<16xf32>
        %parallel_loop3A_373 = arith.constant 0 : i32
        %parallel_loop3A_374 = arith.constant 0 : i32
        %parallel_loop3A_375 = tpu.memref_slice %arg5[%parallel_loop3A_108, %parallel_loop3A_373, %parallel_loop3A_374] : memref<2x128x128xf32, #tpu.memory_space<vmem>> -> memref<1x128x128xf32, #tpu.memory_space<vmem>>
        %parallel_loop3A_376 = tpu.memref_squeeze %parallel_loop3A_375 : memref<1x128x128xf32, #tpu.memory_space<vmem>> -> memref<128x128xf32, #tpu.memory_space<vmem>>
        %parallel_loop3A_377 = arith.index_cast %parallel_loop3A_247 : i32 to index
        %parallel_loop3A_378 = arith.constant 48 : index
        %parallel_loop3A_379 = tpu.vector_load %parallel_loop3A_376[%parallel_loop3A_377, %parallel_loop3A_378] {strides = array<i32>} : memref<128x128xf32, #tpu.memory_space<vmem>>, vector<1x16xf32>,
        %parallel_loop3A_380 = vector.shape_cast %parallel_loop3A_379 : vector<1x16xf32> to vector<16xf32>
        %parallel_loop3A_381 = vector.shape_cast %parallel_loop3A_372 : vector<16xf32> to vector<1x16xf32>
        tpu.vector_store %parallel_loop3A_376[%parallel_loop3A_377, %parallel_loop3A_378], %parallel_loop3A_381 {strides = array<i32>} : memref<128x128xf32, #tpu.memory_space<vmem>>, vector<1x16xf32>,
        %parallel_loop3A_382 = arith.addf %parallel_loop3A_370, %parallel_loop3A_372 : vector<16xf32>
        %parallel_loop3A_383 = arith.cmpf oeq, %parallel_loop3A_288, %parallel_loop3A_335 : vector<16xf32>
        %parallel_loop3A_384 = arith.select %parallel_loop3A_383, %broadcast_in_dim3A_100, %broadcast_in_dim3A_102 : vector<16xi1>, vector<16xf32>
        %parallel_loop3A_385 = arith.constant 0 : i32
        %parallel_loop3A_386 = arith.constant 0 : i32
        %parallel_loop3A_387 = tpu.memref_slice %arg5[%parallel_loop3A_108, %parallel_loop3A_385, %parallel_loop3A_386] : memref<2x128x128xf32, #tpu.memory_space<vmem>> -> memref<1x128x128xf32, #tpu.memory_space<vmem>>
        %parallel_loop3A_388 = tpu.memref_squeeze %parallel_loop3A_387 : memref<1x128x128xf32, #tpu.memory_space<vmem>> -> memref<128x128xf32, #tpu.memory_space<vmem>>
        %parallel_loop3A_389 = arith.index_cast %parallel_loop3A_247 : i32 to index
        %parallel_loop3A_390 = arith.constant 64 : index
        %parallel_loop3A_391 = tpu.vector_load %parallel_loop3A_388[%parallel_loop3A_389, %parallel_loop3A_390] {strides = array<i32>} : memref<128x128xf32, #tpu.memory_space<vmem>>, vector<1x16xf32>,
        %parallel_loop3A_392 = vector.shape_cast %parallel_loop3A_391 : vector<1x16xf32> to vector<16xf32>
        %parallel_loop3A_393 = vector.shape_cast %parallel_loop3A_384 : vector<16xf32> to vector<1x16xf32>
        tpu.vector_store %parallel_loop3A_388[%parallel_loop3A_389, %parallel_loop3A_390], %parallel_loop3A_393 {strides = array<i32>} : memref<128x128xf32, #tpu.memory_space<vmem>>, vector<1x16xf32>,
        %parallel_loop3A_394 = arith.addf %parallel_loop3A_382, %parallel_loop3A_384 : vector<16xf32>
        %parallel_loop3A_395 = arith.cmpf oeq, %parallel_loop3A_296, %parallel_loop3A_335 : vector<16xf32>
        %parallel_loop3A_396 = arith.select %parallel_loop3A_395, %broadcast_in_dim3A_100, %broadcast_in_dim3A_102 : vector<16xi1>, vector<16xf32>
        %parallel_loop3A_397 = arith.constant 0 : i32
        %parallel_loop3A_398 = arith.constant 0 : i32
        %parallel_loop3A_399 = tpu.memref_slice %arg5[%parallel_loop3A_108, %parallel_loop3A_397, %parallel_loop3A_398] : memref<2x128x128xf32, #tpu.memory_space<vmem>> -> memref<1x128x128xf32, #tpu.memory_space<vmem>>
        %parallel_loop3A_400 = tpu.memref_squeeze %parallel_loop3A_399 : memref<1x128x128xf32, #tpu.memory_space<vmem>> -> memref<128x128xf32, #tpu.memory_space<vmem>>
        %parallel_loop3A_401 = arith.index_cast %parallel_loop3A_247 : i32 to index
        %parallel_loop3A_402 = arith.constant 80 : index
        %parallel_loop3A_403 = tpu.vector_load %parallel_loop3A_400[%parallel_loop3A_401, %parallel_loop3A_402] {strides = array<i32>} : memref<128x128xf32, #tpu.memory_space<vmem>>, vector<1x16xf32>,
        %parallel_loop3A_404 = vector.shape_cast %parallel_loop3A_403 : vector<1x16xf32> to vector<16xf32>
        %parallel_loop3A_405 = vector.shape_cast %parallel_loop3A_396 : vector<16xf32> to vector<1x16xf32>
        tpu.vector_store %parallel_loop3A_400[%parallel_loop3A_401, %parallel_loop3A_402], %parallel_loop3A_405 {strides = array<i32>} : memref<128x128xf32, #tpu.memory_space<vmem>>, vector<1x16xf32>,
        %parallel_loop3A_406 = arith.addf %parallel_loop3A_394, %parallel_loop3A_396 : vector<16xf32>
        %parallel_loop3A_407 = arith.cmpf oeq, %parallel_loop3A_304, %parallel_loop3A_335 : vector<16xf32>
        %parallel_loop3A_408 = arith.select %parallel_loop3A_407, %broadcast_in_dim3A_100, %broadcast_in_dim3A_102 : vector<16xi1>, vector<16xf32>
        %parallel_loop3A_409 = arith.constant 0 : i32
        %parallel_loop3A_410 = arith.constant 0 : i32
        %parallel_loop3A_411 = tpu.memref_slice %arg5[%parallel_loop3A_108, %parallel_loop3A_409, %parallel_loop3A_410] : memref<2x128x128xf32, #tpu.memory_space<vmem>> -> memref<1x128x128xf32, #tpu.memory_space<vmem>>
        %parallel_loop3A_412 = tpu.memref_squeeze %parallel_loop3A_411 : memref<1x128x128xf32, #tpu.memory_space<vmem>> -> memref<128x128xf32, #tpu.memory_space<vmem>>
        %parallel_loop3A_413 = arith.index_cast %parallel_loop3A_247 : i32 to index
        %parallel_loop3A_414 = arith.constant 96 : index
        %parallel_loop3A_415 = tpu.vector_load %parallel_loop3A_412[%parallel_loop3A_413, %parallel_loop3A_414] {strides = array<i32>} : memref<128x128xf32, #tpu.memory_space<vmem>>, vector<1x16xf32>,
        %parallel_loop3A_416 = vector.shape_cast %parallel_loop3A_415 : vector<1x16xf32> to vector<16xf32>
        %parallel_loop3A_417 = vector.shape_cast %parallel_loop3A_408 : vector<16xf32> to vector<1x16xf32>
        tpu.vector_store %parallel_loop3A_412[%parallel_loop3A_413, %parallel_loop3A_414], %parallel_loop3A_417 {strides = array<i32>} : memref<128x128xf32, #tpu.memory_space<vmem>>, vector<1x16xf32>,
        %parallel_loop3A_418 = arith.addf %parallel_loop3A_406, %parallel_loop3A_408 : vector<16xf32>
        %parallel_loop3A_419 = arith.cmpf oeq, %parallel_loop3A_312, %parallel_loop3A_335 : vector<16xf32>
        %parallel_loop3A_420 = arith.select %parallel_loop3A_419, %broadcast_in_dim3A_100, %broadcast_in_dim3A_102 : vector<16xi1>, vector<16xf32>
        %parallel_loop3A_421 = arith.constant 0 : i32
        %parallel_loop3A_422 = arith.constant 0 : i32
        %parallel_loop3A_423 = tpu.memref_slice %arg5[%parallel_loop3A_108, %parallel_loop3A_421, %parallel_loop3A_422] : memref<2x128x128xf32, #tpu.memory_space<vmem>> -> memref<1x128x128xf32, #tpu.memory_space<vmem>>
        %parallel_loop3A_424 = tpu.memref_squeeze %parallel_loop3A_423 : memref<1x128x128xf32, #tpu.memory_space<vmem>> -> memref<128x128xf32, #tpu.memory_space<vmem>>
        %parallel_loop3A_425 = arith.index_cast %parallel_loop3A_247 : i32 to index
        %parallel_loop3A_426 = arith.constant 112 : index
        %parallel_loop3A_427 = tpu.vector_load %parallel_loop3A_424[%parallel_loop3A_425, %parallel_loop3A_426] {strides = array<i32>} : memref<128x128xf32, #tpu.memory_space<vmem>>, vector<1x16xf32>,
        %parallel_loop3A_428 = vector.shape_cast %parallel_loop3A_427 : vector<1x16xf32> to vector<16xf32>
        %parallel_loop3A_429 = vector.shape_cast %parallel_loop3A_420 : vector<16xf32> to vector<1x16xf32>
        tpu.vector_store %parallel_loop3A_424[%parallel_loop3A_425, %parallel_loop3A_426], %parallel_loop3A_429 {strides = array<i32>} : memref<128x128xf32, #tpu.memory_space<vmem>>, vector<1x16xf32>,
        %parallel_loop3A_430 = arith.addf %parallel_loop3A_418, %parallel_loop3A_420 : vector<16xf32>
        %parallel_loop3A_431 = arith.addf %parallel_loop3A_248, %parallel_loop3A_430 : vector<16xf32>
        scf.yield %parallel_loop3A_431 : vector<16xf32>
      } {sc.loop_unroll_factor = 4 : i64, sc.parallel_access}
      %broadcast_in_dim3A_110 = vector.shape_cast %xor3A_90 : vector<16xi32> to vector<16x1xi32>
      %gather3A = vector.shape_cast %broadcast_in_dim3A_110 : vector<16x1xi32> to vector<16xi32>
      %gather3A_111 = tpu.dynamic_gather %parallel_loop3A_109[%gather3A] in [0] : vector<16xf32>, vector<16xi32> -> vector<16xf32>
      %add3A_112 = arith.addf %parallel_loop3A_109, %gather3A_111 : vector<16xf32>
      %broadcast_in_dim3A_113 = vector.shape_cast %xor3A_93 : vector<16xi32> to vector<16x1xi32>
      %gather3A_114 = vector.shape_cast %broadcast_in_dim3A_113 : vector<16x1xi32> to vector<16xi32>
      %gather3A_115 = tpu.dynamic_gather %add3A_112[%gather3A_114] in [0] : vector<16xf32>, vector<16xi32> -> vector<16xf32>
      %add3A_116 = arith.addf %add3A_112, %gather3A_115 : vector<16xf32>
      %broadcast_in_dim3A_117 = vector.shape_cast %xor3A_96 : vector<16xi32> to vector<16x1xi32>
      %gather3A_118 = vector.shape_cast %broadcast_in_dim3A_117 : vector<16x1xi32> to vector<16xi32>
      %gather3A_119 = tpu.dynamic_gather %add3A_116[%gather3A_118] in [0] : vector<16xf32>, vector<16xi32> -> vector<16xf32>
      %add3A_120 = arith.addf %add3A_116, %gather3A_119 : vector<16xf32>
      %broadcast_in_dim3A_121 = vector.shape_cast %xor3A_99 : vector<16xi32> to vector<16x1xi32>
      %gather3A_122 = vector.shape_cast %broadcast_in_dim3A_121 : vector<16x1xi32> to vector<16xi32>
      %gather3A_123 = tpu.dynamic_gather %add3A_120[%gather3A_122] in [0] : vector<16xf32>, vector<16xi32> -> vector<16xf32>
      %add3A_124 = arith.addf %add3A_120, %gather3A_123 : vector<16xf32>
      %slice3A = vector.extract_strided_slice %add3A_124 {offsets = [0], sizes = [1], strides = [1]} : vector<16xf32> to vector<1xf32>
      %squeeze3A = vector.extract %slice3A[0] : f32 from vector<1xf32>
      %ne3A = arith.constant 1.280000e+02 : f32
      %ne3A_125 = arith.cmpf one, %squeeze3A, %ne3A : f32
      %convert_element_type3A_126 = arith.extui %ne3A_125 : i1 to i32
      %cond3A_127 = arith.constant 0 : i32
      %cond3A_128 = arith.cmpi ne, %convert_element_type3A_126, %cond3A_127 : i32
      scf.if %cond3A_128 {
        %iota3A_247 = tpu.iota {dimensions = array<i32: 0>} : vector<16xi32>
        %xor3A_248 = arith.constant 8 : i32
        %xor3A_249 = vector.broadcast %xor3A_248 : i32 to vector<16xi32>
        %xor3A_250 = arith.xori %iota3A_247, %xor3A_249 : vector<16xi32>
        %xor3A_251 = arith.constant 4 : i32
        %xor3A_252 = vector.broadcast %xor3A_251 : i32 to vector<16xi32>
        %xor3A_253 = arith.xori %iota3A_247, %xor3A_252 : vector<16xi32>
        %xor3A_254 = arith.constant 2 : i32
        %xor3A_255 = vector.broadcast %xor3A_254 : i32 to vector<16xi32>
        %xor3A_256 = arith.xori %iota3A_247, %xor3A_255 : vector<16xi32>
        %xor3A_257 = arith.constant 1 : i32
        %xor3A_258 = vector.broadcast %xor3A_257 : i32 to vector<16xi32>
        %xor3A_259 = arith.xori %iota3A_247, %xor3A_258 : vector<16xi32>
        %convert_element_type3A_260 = arith.sitofp %iota3A_247 : vector<16xi32> to vector<16xf32>
        %broadcast_in_dim3A_261 = arith.constant 1.000000e+00 : f32
        %broadcast_in_dim3A_262 = vector.broadcast %broadcast_in_dim3A_261 : f32 to vector<16xf32>
        %broadcast_in_dim3A_263 = arith.constant 0.000000e+00 : f32
        %broadcast_in_dim3A_264 = vector.broadcast %broadcast_in_dim3A_263 : f32 to vector<16xf32>
        %broadcast_in_dim3A_265 = arith.constant 1.280000e+02 : f32
        %broadcast_in_dim3A_266 = vector.broadcast %broadcast_in_dim3A_265 : f32 to vector<16xf32>
        %parallel_loop3A_267 = arith.constant 0 : i32
        %parallel_loop3A_268 = arith.constant 128 : i32
        %parallel_loop3A_269 = arith.constant 1 : i32
        %parallel_loop3A_270 = arith.constant 0 : i32
        %parallel_loop3A_271 = arith.constant 0 : i32
        scf.for %parallel_loop3A_272 = %parallel_loop3A_267 to %parallel_loop3A_268 step %parallel_loop3A_269  : i32 {
          %parallel_loop3A_273 = arith.constant 0 : i32
          %parallel_loop3A_274 = arith.constant 0 : i32
          %parallel_loop3A_275 = tpu.memref_slice %arg4[%parallel_loop3A_270, %parallel_loop3A_273, %parallel_loop3A_274] : memref<2x128x128xf32, #tpu.memory_space<vmem>> -> memref<1x128x128xf32, #tpu.memory_space<vmem>>
          %parallel_loop3A_276 = tpu.memref_squeeze %parallel_loop3A_275 : memref<1x128x128xf32, #tpu.memory_space<vmem>> -> memref<128x128xf32, #tpu.memory_space<vmem>>
          %parallel_loop3A_277 = arith.index_cast %parallel_loop3A_272 : i32 to index
          %parallel_loop3A_278 = arith.constant 0 : index
          %parallel_loop3A_279 = tpu.vector_load %parallel_loop3A_276[%parallel_loop3A_277, %parallel_loop3A_278] {strides = array<i32>} : memref<128x128xf32, #tpu.memory_space<vmem>>, vector<1x16xf32>,
          %parallel_loop3A_280 = vector.shape_cast %parallel_loop3A_279 : vector<1x16xf32> to vector<16xf32>
          %parallel_loop3A_281 = arith.constant 0 : i32
          %parallel_loop3A_282 = arith.constant 0 : i32
          %parallel_loop3A_283 = tpu.memref_slice %arg4[%parallel_loop3A_270, %parallel_loop3A_281, %parallel_loop3A_282] : memref<2x128x128xf32, #tpu.memory_space<vmem>> -> memref<1x128x128xf32, #tpu.memory_space<vmem>>
          %parallel_loop3A_284 = tpu.memref_squeeze %parallel_loop3A_283 : memref<1x128x128xf32, #tpu.memory_space<vmem>> -> memref<128x128xf32, #tpu.memory_space<vmem>>
          %parallel_loop3A_285 = arith.index_cast %parallel_loop3A_272 : i32 to index
          %parallel_loop3A_286 = arith.constant 16 : index
          %parallel_loop3A_287 = tpu.vector_load %parallel_loop3A_284[%parallel_loop3A_285, %parallel_loop3A_286] {strides = array<i32>} : memref<128x128xf32, #tpu.memory_space<vmem>>, vector<1x16xf32>,
          %parallel_loop3A_288 = vector.shape_cast %parallel_loop3A_287 : vector<1x16xf32> to vector<16xf32>
          %parallel_loop3A_289 = arith.constant 0 : i32
          %parallel_loop3A_290 = arith.constant 0 : i32
          %parallel_loop3A_291 = tpu.memref_slice %arg4[%parallel_loop3A_270, %parallel_loop3A_289, %parallel_loop3A_290] : memref<2x128x128xf32, #tpu.memory_space<vmem>> -> memref<1x128x128xf32, #tpu.memory_space<vmem>>
          %parallel_loop3A_292 = tpu.memref_squeeze %parallel_loop3A_291 : memref<1x128x128xf32, #tpu.memory_space<vmem>> -> memref<128x128xf32, #tpu.memory_space<vmem>>
          %parallel_loop3A_293 = arith.index_cast %parallel_loop3A_272 : i32 to index
          %parallel_loop3A_294 = arith.constant 32 : index
          %parallel_loop3A_295 = tpu.vector_load %parallel_loop3A_292[%parallel_loop3A_293, %parallel_loop3A_294] {strides = array<i32>} : memref<128x128xf32, #tpu.memory_space<vmem>>, vector<1x16xf32>,
          %parallel_loop3A_296 = vector.shape_cast %parallel_loop3A_295 : vector<1x16xf32> to vector<16xf32>
          %parallel_loop3A_297 = arith.constant 0 : i32
          %parallel_loop3A_298 = arith.constant 0 : i32
          %parallel_loop3A_299 = tpu.memref_slice %arg4[%parallel_loop3A_270, %parallel_loop3A_297, %parallel_loop3A_298] : memref<2x128x128xf32, #tpu.memory_space<vmem>> -> memref<1x128x128xf32, #tpu.memory_space<vmem>>
          %parallel_loop3A_300 = tpu.memref_squeeze %parallel_loop3A_299 : memref<1x128x128xf32, #tpu.memory_space<vmem>> -> memref<128x128xf32, #tpu.memory_space<vmem>>
          %parallel_loop3A_301 = arith.index_cast %parallel_loop3A_272 : i32 to index
          %parallel_loop3A_302 = arith.constant 48 : index
          %parallel_loop3A_303 = tpu.vector_load %parallel_loop3A_300[%parallel_loop3A_301, %parallel_loop3A_302] {strides = array<i32>} : memref<128x128xf32, #tpu.memory_space<vmem>>, vector<1x16xf32>,
          %parallel_loop3A_304 = vector.shape_cast %parallel_loop3A_303 : vector<1x16xf32> to vector<16xf32>
          %parallel_loop3A_305 = arith.constant 0 : i32
          %parallel_loop3A_306 = arith.constant 0 : i32
          %parallel_loop3A_307 = tpu.memref_slice %arg4[%parallel_loop3A_270, %parallel_loop3A_305, %parallel_loop3A_306] : memref<2x128x128xf32, #tpu.memory_space<vmem>> -> memref<1x128x128xf32, #tpu.memory_space<vmem>>
          %parallel_loop3A_308 = tpu.memref_squeeze %parallel_loop3A_307 : memref<1x128x128xf32, #tpu.memory_space<vmem>> -> memref<128x128xf32, #tpu.memory_space<vmem>>
          %parallel_loop3A_309 = arith.index_cast %parallel_loop3A_272 : i32 to index
          %parallel_loop3A_310 = arith.constant 64 : index
          %parallel_loop3A_311 = tpu.vector_load %parallel_loop3A_308[%parallel_loop3A_309, %parallel_loop3A_310] {strides = array<i32>} : memref<128x128xf32, #tpu.memory_space<vmem>>, vector<1x16xf32>,
          %parallel_loop3A_312 = vector.shape_cast %parallel_loop3A_311 : vector<1x16xf32> to vector<16xf32>
          %parallel_loop3A_313 = arith.constant 0 : i32
          %parallel_loop3A_314 = arith.constant 0 : i32
          %parallel_loop3A_315 = tpu.memref_slice %arg4[%parallel_loop3A_270, %parallel_loop3A_313, %parallel_loop3A_314] : memref<2x128x128xf32, #tpu.memory_space<vmem>> -> memref<1x128x128xf32, #tpu.memory_space<vmem>>
          %parallel_loop3A_316 = tpu.memref_squeeze %parallel_loop3A_315 : memref<1x128x128xf32, #tpu.memory_space<vmem>> -> memref<128x128xf32, #tpu.memory_space<vmem>>
          %parallel_loop3A_317 = arith.index_cast %parallel_loop3A_272 : i32 to index
          %parallel_loop3A_318 = arith.constant 80 : index
          %parallel_loop3A_319 = tpu.vector_load %parallel_loop3A_316[%parallel_loop3A_317, %parallel_loop3A_318] {strides = array<i32>} : memref<128x128xf32, #tpu.memory_space<vmem>>, vector<1x16xf32>,
          %parallel_loop3A_320 = vector.shape_cast %parallel_loop3A_319 : vector<1x16xf32> to vector<16xf32>
          %parallel_loop3A_321 = arith.constant 0 : i32
          %parallel_loop3A_322 = arith.constant 0 : i32
          %parallel_loop3A_323 = tpu.memref_slice %arg4[%parallel_loop3A_270, %parallel_loop3A_321, %parallel_loop3A_322] : memref<2x128x128xf32, #tpu.memory_space<vmem>> -> memref<1x128x128xf32, #tpu.memory_space<vmem>>
          %parallel_loop3A_324 = tpu.memref_squeeze %parallel_loop3A_323 : memref<1x128x128xf32, #tpu.memory_space<vmem>> -> memref<128x128xf32, #tpu.memory_space<vmem>>
          %parallel_loop3A_325 = arith.index_cast %parallel_loop3A_272 : i32 to index
          %parallel_loop3A_326 = arith.constant 96 : index
          %parallel_loop3A_327 = tpu.vector_load %parallel_loop3A_324[%parallel_loop3A_325, %parallel_loop3A_326] {strides = array<i32>} : memref<128x128xf32, #tpu.memory_space<vmem>>, vector<1x16xf32>,
          %parallel_loop3A_328 = vector.shape_cast %parallel_loop3A_327 : vector<1x16xf32> to vector<16xf32>
          %parallel_loop3A_329 = arith.constant 0 : i32
          %parallel_loop3A_330 = arith.constant 0 : i32
          %parallel_loop3A_331 = tpu.memref_slice %arg4[%parallel_loop3A_270, %parallel_loop3A_329, %parallel_loop3A_330] : memref<2x128x128xf32, #tpu.memory_space<vmem>> -> memref<1x128x128xf32, #tpu.memory_space<vmem>>
          %parallel_loop3A_332 = tpu.memref_squeeze %parallel_loop3A_331 : memref<1x128x128xf32, #tpu.memory_space<vmem>> -> memref<128x128xf32, #tpu.memory_space<vmem>>
          %parallel_loop3A_333 = arith.index_cast %parallel_loop3A_272 : i32 to index
          %parallel_loop3A_334 = arith.constant 112 : index
          %parallel_loop3A_335 = tpu.vector_load %parallel_loop3A_332[%parallel_loop3A_333, %parallel_loop3A_334] {strides = array<i32>} : memref<128x128xf32, #tpu.memory_space<vmem>>, vector<1x16xf32>,
          %parallel_loop3A_336 = vector.shape_cast %parallel_loop3A_335 : vector<1x16xf32> to vector<16xf32>
          %parallel_loop3A_337 = arith.maximumf %parallel_loop3A_280, %parallel_loop3A_288 : vector<16xf32>
          %parallel_loop3A_338 = arith.maximumf %parallel_loop3A_337, %parallel_loop3A_296 : vector<16xf32>
          %parallel_loop3A_339 = arith.maximumf %parallel_loop3A_338, %parallel_loop3A_304 : vector<16xf32>
          %parallel_loop3A_340 = arith.maximumf %parallel_loop3A_339, %parallel_loop3A_312 : vector<16xf32>
          %parallel_loop3A_341 = arith.maximumf %parallel_loop3A_340, %parallel_loop3A_320 : vector<16xf32>
          %parallel_loop3A_342 = arith.maximumf %parallel_loop3A_341, %parallel_loop3A_328 : vector<16xf32>
          %parallel_loop3A_343 = arith.maximumf %parallel_loop3A_342, %parallel_loop3A_336 : vector<16xf32>
          %parallel_loop3A_344 = vector.shape_cast %xor3A_250 : vector<16xi32> to vector<16x1xi32>
          %parallel_loop3A_345 = vector.shape_cast %parallel_loop3A_344 : vector<16x1xi32> to vector<16xi32>
          %parallel_loop3A_346 = tpu.dynamic_gather %parallel_loop3A_343[%parallel_loop3A_345] in [0] : vector<16xf32>, vector<16xi32> -> vector<16xf32>
          %parallel_loop3A_347 = arith.maximumf %parallel_loop3A_343, %parallel_loop3A_346 : vector<16xf32>
          %parallel_loop3A_348 = vector.shape_cast %xor3A_253 : vector<16xi32> to vector<16x1xi32>
          %parallel_loop3A_349 = vector.shape_cast %parallel_loop3A_348 : vector<16x1xi32> to vector<16xi32>
          %parallel_loop3A_350 = tpu.dynamic_gather %parallel_loop3A_347[%parallel_loop3A_349] in [0] : vector<16xf32>, vector<16xi32> -> vector<16xf32>
          %parallel_loop3A_351 = arith.maximumf %parallel_loop3A_347, %parallel_loop3A_350 : vector<16xf32>
          %parallel_loop3A_352 = vector.shape_cast %xor3A_256 : vector<16xi32> to vector<16x1xi32>
          %parallel_loop3A_353 = vector.shape_cast %parallel_loop3A_352 : vector<16x1xi32> to vector<16xi32>
          %parallel_loop3A_354 = tpu.dynamic_gather %parallel_loop3A_351[%parallel_loop3A_353] in [0] : vector<16xf32>, vector<16xi32> -> vector<16xf32>
          %parallel_loop3A_355 = arith.maximumf %parallel_loop3A_351, %parallel_loop3A_354 : vector<16xf32>
          %parallel_loop3A_356 = vector.shape_cast %xor3A_259 : vector<16xi32> to vector<16x1xi32>
          %parallel_loop3A_357 = vector.shape_cast %parallel_loop3A_356 : vector<16x1xi32> to vector<16xi32>
          %parallel_loop3A_358 = tpu.dynamic_gather %parallel_loop3A_355[%parallel_loop3A_357] in [0] : vector<16xf32>, vector<16xi32> -> vector<16xf32>
          %parallel_loop3A_359 = arith.maximumf %parallel_loop3A_355, %parallel_loop3A_358 : vector<16xf32>
          %parallel_loop3A_360 = arith.cmpf oeq, %parallel_loop3A_280, %parallel_loop3A_359 : vector<16xf32>
          %parallel_loop3A_361 = arith.select %parallel_loop3A_360, %convert_element_type3A_260, %broadcast_in_dim3A_266 : vector<16xi1>, vector<16xf32>
          %parallel_loop3A_362 = arith.cmpf oeq, %parallel_loop3A_288, %parallel_loop3A_359 : vector<16xf32>
          %parallel_loop3A_363 = arith.constant 1.600000e+01 : f32
          %parallel_loop3A_364 = vector.broadcast %parallel_loop3A_363 : f32 to vector<16xf32>
          %parallel_loop3A_365 = arith.addf %convert_element_type3A_260, %parallel_loop3A_364 : vector<16xf32>
          %parallel_loop3A_366 = arith.select %parallel_loop3A_362, %parallel_loop3A_365, %broadcast_in_dim3A_266 : vector<16xi1>, vector<16xf32>
          %parallel_loop3A_367 = arith.minimumf %parallel_loop3A_361, %parallel_loop3A_366 : vector<16xf32>
          %parallel_loop3A_368 = arith.cmpf oeq, %parallel_loop3A_296, %parallel_loop3A_359 : vector<16xf32>
          %parallel_loop3A_369 = arith.constant 3.200000e+01 : f32
          %parallel_loop3A_370 = vector.broadcast %parallel_loop3A_369 : f32 to vector<16xf32>
          %parallel_loop3A_371 = arith.addf %convert_element_type3A_260, %parallel_loop3A_370 : vector<16xf32>
          %parallel_loop3A_372 = arith.select %parallel_loop3A_368, %parallel_loop3A_371, %broadcast_in_dim3A_266 : vector<16xi1>, vector<16xf32>
          %parallel_loop3A_373 = arith.minimumf %parallel_loop3A_367, %parallel_loop3A_372 : vector<16xf32>
          %parallel_loop3A_374 = arith.cmpf oeq, %parallel_loop3A_304, %parallel_loop3A_359 : vector<16xf32>
          %parallel_loop3A_375 = arith.constant 4.800000e+01 : f32
          %parallel_loop3A_376 = vector.broadcast %parallel_loop3A_375 : f32 to vector<16xf32>
          %parallel_loop3A_377 = arith.addf %convert_element_type3A_260, %parallel_loop3A_376 : vector<16xf32>
          %parallel_loop3A_378 = arith.select %parallel_loop3A_374, %parallel_loop3A_377, %broadcast_in_dim3A_266 : vector<16xi1>, vector<16xf32>
          %parallel_loop3A_379 = arith.minimumf %parallel_loop3A_373, %parallel_loop3A_378 : vector<16xf32>
          %parallel_loop3A_380 = arith.cmpf oeq, %parallel_loop3A_312, %parallel_loop3A_359 : vector<16xf32>
          %parallel_loop3A_381 = arith.constant 6.400000e+01 : f32
          %parallel_loop3A_382 = vector.broadcast %parallel_loop3A_381 : f32 to vector<16xf32>
          %parallel_loop3A_383 = arith.addf %convert_element_type3A_260, %parallel_loop3A_382 : vector<16xf32>
          %parallel_loop3A_384 = arith.select %parallel_loop3A_380, %parallel_loop3A_383, %broadcast_in_dim3A_266 : vector<16xi1>, vector<16xf32>
          %parallel_loop3A_385 = arith.minimumf %parallel_loop3A_379, %parallel_loop3A_384 : vector<16xf32>
          %parallel_loop3A_386 = arith.cmpf oeq, %parallel_loop3A_320, %parallel_loop3A_359 : vector<16xf32>
          %parallel_loop3A_387 = arith.constant 8.000000e+01 : f32
          %parallel_loop3A_388 = vector.broadcast %parallel_loop3A_387 : f32 to vector<16xf32>
          %parallel_loop3A_389 = arith.addf %convert_element_type3A_260, %parallel_loop3A_388 : vector<16xf32>
          %parallel_loop3A_390 = arith.select %parallel_loop3A_386, %parallel_loop3A_389, %broadcast_in_dim3A_266 : vector<16xi1>, vector<16xf32>
          %parallel_loop3A_391 = arith.minimumf %parallel_loop3A_385, %parallel_loop3A_390 : vector<16xf32>
          %parallel_loop3A_392 = arith.cmpf oeq, %parallel_loop3A_328, %parallel_loop3A_359 : vector<16xf32>
          %parallel_loop3A_393 = arith.constant 9.600000e+01 : f32
          %parallel_loop3A_394 = vector.broadcast %parallel_loop3A_393 : f32 to vector<16xf32>
          %parallel_loop3A_395 = arith.addf %convert_element_type3A_260, %parallel_loop3A_394 : vector<16xf32>
          %parallel_loop3A_396 = arith.select %parallel_loop3A_392, %parallel_loop3A_395, %broadcast_in_dim3A_266 : vector<16xi1>, vector<16xf32>
          %parallel_loop3A_397 = arith.minimumf %parallel_loop3A_391, %parallel_loop3A_396 : vector<16xf32>
          %parallel_loop3A_398 = arith.cmpf oeq, %parallel_loop3A_336, %parallel_loop3A_359 : vector<16xf32>
          %parallel_loop3A_399 = arith.constant 1.120000e+02 : f32
          %parallel_loop3A_400 = vector.broadcast %parallel_loop3A_399 : f32 to vector<16xf32>
          %parallel_loop3A_401 = arith.addf %convert_element_type3A_260, %parallel_loop3A_400 : vector<16xf32>
          %parallel_loop3A_402 = arith.select %parallel_loop3A_398, %parallel_loop3A_401, %broadcast_in_dim3A_266 : vector<16xi1>, vector<16xf32>
          %parallel_loop3A_403 = arith.minimumf %parallel_loop3A_397, %parallel_loop3A_402 : vector<16xf32>
          %parallel_loop3A_404 = vector.shape_cast %xor3A_250 : vector<16xi32> to vector<16x1xi32>
          %parallel_loop3A_405 = vector.shape_cast %parallel_loop3A_404 : vector<16x1xi32> to vector<16xi32>
          %parallel_loop3A_406 = tpu.dynamic_gather %parallel_loop3A_403[%parallel_loop3A_405] in [0] : vector<16xf32>, vector<16xi32> -> vector<16xf32>
          %parallel_loop3A_407 = arith.minimumf %parallel_loop3A_403, %parallel_loop3A_406 : vector<16xf32>
          %parallel_loop3A_408 = vector.shape_cast %xor3A_253 : vector<16xi32> to vector<16x1xi32>
          %parallel_loop3A_409 = vector.shape_cast %parallel_loop3A_408 : vector<16x1xi32> to vector<16xi32>
          %parallel_loop3A_410 = tpu.dynamic_gather %parallel_loop3A_407[%parallel_loop3A_409] in [0] : vector<16xf32>, vector<16xi32> -> vector<16xf32>
          %parallel_loop3A_411 = arith.minimumf %parallel_loop3A_407, %parallel_loop3A_410 : vector<16xf32>
          %parallel_loop3A_412 = vector.shape_cast %xor3A_256 : vector<16xi32> to vector<16x1xi32>
          %parallel_loop3A_413 = vector.shape_cast %parallel_loop3A_412 : vector<16x1xi32> to vector<16xi32>
          %parallel_loop3A_414 = tpu.dynamic_gather %parallel_loop3A_411[%parallel_loop3A_413] in [0] : vector<16xf32>, vector<16xi32> -> vector<16xf32>
          %parallel_loop3A_415 = arith.minimumf %parallel_loop3A_411, %parallel_loop3A_414 : vector<16xf32>
          %parallel_loop3A_416 = vector.shape_cast %xor3A_259 : vector<16xi32> to vector<16x1xi32>
          %parallel_loop3A_417 = vector.shape_cast %parallel_loop3A_416 : vector<16x1xi32> to vector<16xi32>
          %parallel_loop3A_418 = tpu.dynamic_gather %parallel_loop3A_415[%parallel_loop3A_417] in [0] : vector<16xf32>, vector<16xi32> -> vector<16xf32>
          %parallel_loop3A_419 = arith.minimumf %parallel_loop3A_415, %parallel_loop3A_418 : vector<16xf32>
          %parallel_loop3A_420 = arith.constant 0.000000e+00 : f32
          %parallel_loop3A_421 = vector.broadcast %parallel_loop3A_420 : f32 to vector<16xf32>
          %parallel_loop3A_422 = arith.addf %convert_element_type3A_260, %parallel_loop3A_421 : vector<16xf32>
          %parallel_loop3A_423 = arith.cmpf oeq, %parallel_loop3A_422, %parallel_loop3A_419 : vector<16xf32>
          %parallel_loop3A_424 = arith.select %parallel_loop3A_423, %broadcast_in_dim3A_262, %broadcast_in_dim3A_264 : vector<16xi1>, vector<16xf32>
          %parallel_loop3A_425 = arith.constant 0 : i32
          %parallel_loop3A_426 = arith.constant 0 : i32
          %parallel_loop3A_427 = tpu.memref_slice %arg5[%parallel_loop3A_271, %parallel_loop3A_425, %parallel_loop3A_426] : memref<2x128x128xf32, #tpu.memory_space<vmem>> -> memref<1x128x128xf32, #tpu.memory_space<vmem>>
          %parallel_loop3A_428 = tpu.memref_squeeze %parallel_loop3A_427 : memref<1x128x128xf32, #tpu.memory_space<vmem>> -> memref<128x128xf32, #tpu.memory_space<vmem>>
          %parallel_loop3A_429 = arith.index_cast %parallel_loop3A_272 : i32 to index
          %parallel_loop3A_430 = arith.constant 0 : index
          %parallel_loop3A_431 = tpu.vector_load %parallel_loop3A_428[%parallel_loop3A_429, %parallel_loop3A_430] {strides = array<i32>} : memref<128x128xf32, #tpu.memory_space<vmem>>, vector<1x16xf32>,
          %parallel_loop3A_432 = vector.shape_cast %parallel_loop3A_431 : vector<1x16xf32> to vector<16xf32>
          %parallel_loop3A_433 = vector.shape_cast %parallel_loop3A_424 : vector<16xf32> to vector<1x16xf32>
          tpu.vector_store %parallel_loop3A_428[%parallel_loop3A_429, %parallel_loop3A_430], %parallel_loop3A_433 {strides = array<i32>} : memref<128x128xf32, #tpu.memory_space<vmem>>, vector<1x16xf32>,
          %parallel_loop3A_434 = arith.constant 1.600000e+01 : f32
          %parallel_loop3A_435 = vector.broadcast %parallel_loop3A_434 : f32 to vector<16xf32>
          %parallel_loop3A_436 = arith.addf %convert_element_type3A_260, %parallel_loop3A_435 : vector<16xf32>
          %parallel_loop3A_437 = arith.cmpf oeq, %parallel_loop3A_436, %parallel_loop3A_419 : vector<16xf32>
          %parallel_loop3A_438 = arith.select %parallel_loop3A_437, %broadcast_in_dim3A_262, %broadcast_in_dim3A_264 : vector<16xi1>, vector<16xf32>
          %parallel_loop3A_439 = arith.constant 0 : i32
          %parallel_loop3A_440 = arith.constant 0 : i32
          %parallel_loop3A_441 = tpu.memref_slice %arg5[%parallel_loop3A_271, %parallel_loop3A_439, %parallel_loop3A_440] : memref<2x128x128xf32, #tpu.memory_space<vmem>> -> memref<1x128x128xf32, #tpu.memory_space<vmem>>
          %parallel_loop3A_442 = tpu.memref_squeeze %parallel_loop3A_441 : memref<1x128x128xf32, #tpu.memory_space<vmem>> -> memref<128x128xf32, #tpu.memory_space<vmem>>
          %parallel_loop3A_443 = arith.index_cast %parallel_loop3A_272 : i32 to index
          %parallel_loop3A_444 = arith.constant 16 : index
          %parallel_loop3A_445 = tpu.vector_load %parallel_loop3A_442[%parallel_loop3A_443, %parallel_loop3A_444] {strides = array<i32>} : memref<128x128xf32, #tpu.memory_space<vmem>>, vector<1x16xf32>,
          %parallel_loop3A_446 = vector.shape_cast %parallel_loop3A_445 : vector<1x16xf32> to vector<16xf32>
          %parallel_loop3A_447 = vector.shape_cast %parallel_loop3A_438 : vector<16xf32> to vector<1x16xf32>
          tpu.vector_store %parallel_loop3A_442[%parallel_loop3A_443, %parallel_loop3A_444], %parallel_loop3A_447 {strides = array<i32>} : memref<128x128xf32, #tpu.memory_space<vmem>>, vector<1x16xf32>,
          %parallel_loop3A_448 = arith.constant 3.200000e+01 : f32
          %parallel_loop3A_449 = vector.broadcast %parallel_loop3A_448 : f32 to vector<16xf32>
          %parallel_loop3A_450 = arith.addf %convert_element_type3A_260, %parallel_loop3A_449 : vector<16xf32>
          %parallel_loop3A_451 = arith.cmpf oeq, %parallel_loop3A_450, %parallel_loop3A_419 : vector<16xf32>
          %parallel_loop3A_452 = arith.select %parallel_loop3A_451, %broadcast_in_dim3A_262, %broadcast_in_dim3A_264 : vector<16xi1>, vector<16xf32>
          %parallel_loop3A_453 = arith.constant 0 : i32
          %parallel_loop3A_454 = arith.constant 0 : i32
          %parallel_loop3A_455 = tpu.memref_slice %arg5[%parallel_loop3A_271, %parallel_loop3A_453, %parallel_loop3A_454] : memref<2x128x128xf32, #tpu.memory_space<vmem>> -> memref<1x128x128xf32, #tpu.memory_space<vmem>>
          %parallel_loop3A_456 = tpu.memref_squeeze %parallel_loop3A_455 : memref<1x128x128xf32, #tpu.memory_space<vmem>> -> memref<128x128xf32, #tpu.memory_space<vmem>>
          %parallel_loop3A_457 = arith.index_cast %parallel_loop3A_272 : i32 to index
          %parallel_loop3A_458 = arith.constant 32 : index
          %parallel_loop3A_459 = tpu.vector_load %parallel_loop3A_456[%parallel_loop3A_457, %parallel_loop3A_458] {strides = array<i32>} : memref<128x128xf32, #tpu.memory_space<vmem>>, vector<1x16xf32>,
          %parallel_loop3A_460 = vector.shape_cast %parallel_loop3A_459 : vector<1x16xf32> to vector<16xf32>
          %parallel_loop3A_461 = vector.shape_cast %parallel_loop3A_452 : vector<16xf32> to vector<1x16xf32>
          tpu.vector_store %parallel_loop3A_456[%parallel_loop3A_457, %parallel_loop3A_458], %parallel_loop3A_461 {strides = array<i32>} : memref<128x128xf32, #tpu.memory_space<vmem>>, vector<1x16xf32>,
          %parallel_loop3A_462 = arith.constant 4.800000e+01 : f32
          %parallel_loop3A_463 = vector.broadcast %parallel_loop3A_462 : f32 to vector<16xf32>
          %parallel_loop3A_464 = arith.addf %convert_element_type3A_260, %parallel_loop3A_463 : vector<16xf32>
          %parallel_loop3A_465 = arith.cmpf oeq, %parallel_loop3A_464, %parallel_loop3A_419 : vector<16xf32>
          %parallel_loop3A_466 = arith.select %parallel_loop3A_465, %broadcast_in_dim3A_262, %broadcast_in_dim3A_264 : vector<16xi1>, vector<16xf32>
          %parallel_loop3A_467 = arith.constant 0 : i32
          %parallel_loop3A_468 = arith.constant 0 : i32
          %parallel_loop3A_469 = tpu.memref_slice %arg5[%parallel_loop3A_271, %parallel_loop3A_467, %parallel_loop3A_468] : memref<2x128x128xf32, #tpu.memory_space<vmem>> -> memref<1x128x128xf32, #tpu.memory_space<vmem>>
          %parallel_loop3A_470 = tpu.memref_squeeze %parallel_loop3A_469 : memref<1x128x128xf32, #tpu.memory_space<vmem>> -> memref<128x128xf32, #tpu.memory_space<vmem>>
          %parallel_loop3A_471 = arith.index_cast %parallel_loop3A_272 : i32 to index
          %parallel_loop3A_472 = arith.constant 48 : index
          %parallel_loop3A_473 = tpu.vector_load %parallel_loop3A_470[%parallel_loop3A_471, %parallel_loop3A_472] {strides = array<i32>} : memref<128x128xf32, #tpu.memory_space<vmem>>, vector<1x16xf32>,
          %parallel_loop3A_474 = vector.shape_cast %parallel_loop3A_473 : vector<1x16xf32> to vector<16xf32>
          %parallel_loop3A_475 = vector.shape_cast %parallel_loop3A_466 : vector<16xf32> to vector<1x16xf32>
          tpu.vector_store %parallel_loop3A_470[%parallel_loop3A_471, %parallel_loop3A_472], %parallel_loop3A_475 {strides = array<i32>} : memref<128x128xf32, #tpu.memory_space<vmem>>, vector<1x16xf32>,
          %parallel_loop3A_476 = arith.constant 6.400000e+01 : f32
          %parallel_loop3A_477 = vector.broadcast %parallel_loop3A_476 : f32 to vector<16xf32>
          %parallel_loop3A_478 = arith.addf %convert_element_type3A_260, %parallel_loop3A_477 : vector<16xf32>
          %parallel_loop3A_479 = arith.cmpf oeq, %parallel_loop3A_478, %parallel_loop3A_419 : vector<16xf32>
          %parallel_loop3A_480 = arith.select %parallel_loop3A_479, %broadcast_in_dim3A_262, %broadcast_in_dim3A_264 : vector<16xi1>, vector<16xf32>
          %parallel_loop3A_481 = arith.constant 0 : i32
          %parallel_loop3A_482 = arith.constant 0 : i32
          %parallel_loop3A_483 = tpu.memref_slice %arg5[%parallel_loop3A_271, %parallel_loop3A_481, %parallel_loop3A_482] : memref<2x128x128xf32, #tpu.memory_space<vmem>> -> memref<1x128x128xf32, #tpu.memory_space<vmem>>
          %parallel_loop3A_484 = tpu.memref_squeeze %parallel_loop3A_483 : memref<1x128x128xf32, #tpu.memory_space<vmem>> -> memref<128x128xf32, #tpu.memory_space<vmem>>
          %parallel_loop3A_485 = arith.index_cast %parallel_loop3A_272 : i32 to index
          %parallel_loop3A_486 = arith.constant 64 : index
          %parallel_loop3A_487 = tpu.vector_load %parallel_loop3A_484[%parallel_loop3A_485, %parallel_loop3A_486] {strides = array<i32>} : memref<128x128xf32, #tpu.memory_space<vmem>>, vector<1x16xf32>,
          %parallel_loop3A_488 = vector.shape_cast %parallel_loop3A_487 : vector<1x16xf32> to vector<16xf32>
          %parallel_loop3A_489 = vector.shape_cast %parallel_loop3A_480 : vector<16xf32> to vector<1x16xf32>
          tpu.vector_store %parallel_loop3A_484[%parallel_loop3A_485, %parallel_loop3A_486], %parallel_loop3A_489 {strides = array<i32>} : memref<128x128xf32, #tpu.memory_space<vmem>>, vector<1x16xf32>,
          %parallel_loop3A_490 = arith.constant 8.000000e+01 : f32
          %parallel_loop3A_491 = vector.broadcast %parallel_loop3A_490 : f32 to vector<16xf32>
          %parallel_loop3A_492 = arith.addf %convert_element_type3A_260, %parallel_loop3A_491 : vector<16xf32>
          %parallel_loop3A_493 = arith.cmpf oeq, %parallel_loop3A_492, %parallel_loop3A_419 : vector<16xf32>
          %parallel_loop3A_494 = arith.select %parallel_loop3A_493, %broadcast_in_dim3A_262, %broadcast_in_dim3A_264 : vector<16xi1>, vector<16xf32>
          %parallel_loop3A_495 = arith.constant 0 : i32
          %parallel_loop3A_496 = arith.constant 0 : i32
          %parallel_loop3A_497 = tpu.memref_slice %arg5[%parallel_loop3A_271, %parallel_loop3A_495, %parallel_loop3A_496] : memref<2x128x128xf32, #tpu.memory_space<vmem>> -> memref<1x128x128xf32, #tpu.memory_space<vmem>>
          %parallel_loop3A_498 = tpu.memref_squeeze %parallel_loop3A_497 : memref<1x128x128xf32, #tpu.memory_space<vmem>> -> memref<128x128xf32, #tpu.memory_space<vmem>>
          %parallel_loop3A_499 = arith.index_cast %parallel_loop3A_272 : i32 to index
          %parallel_loop3A_500 = arith.constant 80 : index
          %parallel_loop3A_501 = tpu.vector_load %parallel_loop3A_498[%parallel_loop3A_499, %parallel_loop3A_500] {strides = array<i32>} : memref<128x128xf32, #tpu.memory_space<vmem>>, vector<1x16xf32>,
          %parallel_loop3A_502 = vector.shape_cast %parallel_loop3A_501 : vector<1x16xf32> to vector<16xf32>
          %parallel_loop3A_503 = vector.shape_cast %parallel_loop3A_494 : vector<16xf32> to vector<1x16xf32>
          tpu.vector_store %parallel_loop3A_498[%parallel_loop3A_499, %parallel_loop3A_500], %parallel_loop3A_503 {strides = array<i32>} : memref<128x128xf32, #tpu.memory_space<vmem>>, vector<1x16xf32>,
          %parallel_loop3A_504 = arith.constant 9.600000e+01 : f32
          %parallel_loop3A_505 = vector.broadcast %parallel_loop3A_504 : f32 to vector<16xf32>
          %parallel_loop3A_506 = arith.addf %convert_element_type3A_260, %parallel_loop3A_505 : vector<16xf32>
          %parallel_loop3A_507 = arith.cmpf oeq, %parallel_loop3A_506, %parallel_loop3A_419 : vector<16xf32>
          %parallel_loop3A_508 = arith.select %parallel_loop3A_507, %broadcast_in_dim3A_262, %broadcast_in_dim3A_264 : vector<16xi1>, vector<16xf32>
          %parallel_loop3A_509 = arith.constant 0 : i32
          %parallel_loop3A_510 = arith.constant 0 : i32
          %parallel_loop3A_511 = tpu.memref_slice %arg5[%parallel_loop3A_271, %parallel_loop3A_509, %parallel_loop3A_510] : memref<2x128x128xf32, #tpu.memory_space<vmem>> -> memref<1x128x128xf32, #tpu.memory_space<vmem>>
          %parallel_loop3A_512 = tpu.memref_squeeze %parallel_loop3A_511 : memref<1x128x128xf32, #tpu.memory_space<vmem>> -> memref<128x128xf32, #tpu.memory_space<vmem>>
          %parallel_loop3A_513 = arith.index_cast %parallel_loop3A_272 : i32 to index
          %parallel_loop3A_514 = arith.constant 96 : index
          %parallel_loop3A_515 = tpu.vector_load %parallel_loop3A_512[%parallel_loop3A_513, %parallel_loop3A_514] {strides = array<i32>} : memref<128x128xf32, #tpu.memory_space<vmem>>, vector<1x16xf32>,
          %parallel_loop3A_516 = vector.shape_cast %parallel_loop3A_515 : vector<1x16xf32> to vector<16xf32>
          %parallel_loop3A_517 = vector.shape_cast %parallel_loop3A_508 : vector<16xf32> to vector<1x16xf32>
          tpu.vector_store %parallel_loop3A_512[%parallel_loop3A_513, %parallel_loop3A_514], %parallel_loop3A_517 {strides = array<i32>} : memref<128x128xf32, #tpu.memory_space<vmem>>, vector<1x16xf32>,
          %parallel_loop3A_518 = arith.constant 1.120000e+02 : f32
          %parallel_loop3A_519 = vector.broadcast %parallel_loop3A_518 : f32 to vector<16xf32>
          %parallel_loop3A_520 = arith.addf %convert_element_type3A_260, %parallel_loop3A_519 : vector<16xf32>
          %parallel_loop3A_521 = arith.cmpf oeq, %parallel_loop3A_520, %parallel_loop3A_419 : vector<16xf32>
          %parallel_loop3A_522 = arith.select %parallel_loop3A_521, %broadcast_in_dim3A_262, %broadcast_in_dim3A_264 : vector<16xi1>, vector<16xf32>
          %parallel_loop3A_523 = arith.constant 0 : i32
          %parallel_loop3A_524 = arith.constant 0 : i32
          %parallel_loop3A_525 = tpu.memref_slice %arg5[%parallel_loop3A_271, %parallel_loop3A_523, %parallel_loop3A_524] : memref<2x128x128xf32, #tpu.memory_space<vmem>> -> memref<1x128x128xf32, #tpu.memory_space<vmem>>
          %parallel_loop3A_526 = tpu.memref_squeeze %parallel_loop3A_525 : memref<1x128x128xf32, #tpu.memory_space<vmem>> -> memref<128x128xf32, #tpu.memory_space<vmem>>
          %parallel_loop3A_527 = arith.index_cast %parallel_loop3A_272 : i32 to index
          %parallel_loop3A_528 = arith.constant 112 : index
          %parallel_loop3A_529 = tpu.vector_load %parallel_loop3A_526[%parallel_loop3A_527, %parallel_loop3A_528] {strides = array<i32>} : memref<128x128xf32, #tpu.memory_space<vmem>>, vector<1x16xf32>,
          %parallel_loop3A_530 = vector.shape_cast %parallel_loop3A_529 : vector<1x16xf32> to vector<16xf32>
          %parallel_loop3A_531 = vector.shape_cast %parallel_loop3A_522 : vector<16xf32> to vector<1x16xf32>
          tpu.vector_store %parallel_loop3A_526[%parallel_loop3A_527, %parallel_loop3A_528], %parallel_loop3A_531 {strides = array<i32>} : memref<128x128xf32, #tpu.memory_space<vmem>>, vector<1x16xf32>,
        } {sc.loop_unroll_factor = 1 : i64, sc.parallel_access}
      } else {
      }
      %mul3A_129 = arith.constant 128 : i32
      %mul3A_130 = arith.muli %add3A_70, %mul3A_129 : i32
      %add3A_131 = arith.addi %mul3A_2, %mul3A_130 : i32
      %dma_start3A_132 = arith.constant 0 : i32
      %dma_start3A_133 = arith.constant 0 : i32
      %dma_start3A_134 = arith.constant 0 : i32
      %dma_start3A_135 = tpu.memref_slice %arg5[%dma_start3A_132, %dma_start3A_133, %dma_start3A_134] : memref<2x128x128xf32, #tpu.memory_space<vmem>> -> memref<1x128x128xf32, #tpu.memory_space<vmem>>
      %dma_start3A_136 = tpu.memref_squeeze %dma_start3A_135 : memref<1x128x128xf32, #tpu.memory_space<vmem>> -> memref<128x128xf32, #tpu.memory_space<vmem>>
      %dma_start3A_137 = arith.constant 0 : i32
      %dma_start3A_138 = tpu.memref_slice %arg3[%add3A_131, %dma_start3A_137] : memref<16384x128xf32, #tpu.memory_space<hbm>> -> memref<128x128xf32, #tpu.memory_space<hbm>>
      %dma_start3A_139 = arith.constant 0 : i32
      %dma_start3A_140 = tpu.memref_slice %arg3[%add3A_131, %dma_start3A_139] : memref<16384x128xf32, #tpu.memory_space<hbm>> -> memref<128x128xf32, #tpu.memory_space<hbm>>
      %dma_start3A_141 = arith.constant 0 : i32
      %dma_start3A_142 = arith.constant 0 : i32
      %dma_start3A_143 = tpu.memref_slice %arg5[%dma_start3A_132, %dma_start3A_141, %dma_start3A_142] : memref<2x128x128xf32, #tpu.memory_space<vmem>> -> memref<1x128x128xf32, #tpu.memory_space<vmem>>
      %dma_start3A_144 = tpu.memref_squeeze %dma_start3A_143 : memref<1x128x128xf32, #tpu.memory_space<vmem>> -> memref<128x128xf32, #tpu.memory_space<vmem>>
      tpu.enqueue_dma source(%dma_start3A_144 : memref<128x128xf32, #tpu.memory_space<vmem>>) target(%dma_start3A_140 : memref<128x128xf32, #tpu.memory_space<hbm>>) target_semaphore(%arg8 : memref<!tpu.dma_semaphore, #tpu.memory_space<semaphore_mem>>)
      %add3A_145 = arith.constant 1 : i32
      %add3A_146 = arith.addi %scan3A_66, %add3A_145 : i32
      %lt3A = arith.constant 2 : i32
      %lt3A_147 = arith.cmpi slt, %add3A_146, %lt3A : i32
      %convert_element_type3A_148 = arith.extui %lt3A_147 : i1 to i32
      %cond3A_149 = arith.constant 0 : i32
      %cond3A_150 = arith.cmpi ne, %convert_element_type3A_148, %cond3A_149 : i32
      scf.if %cond3A_150 {
        %add3A_247 = arith.constant 2 : i32
        %add3A_248 = arith.addi %add3A_70, %add3A_247 : i32
        %mul3A_249 = arith.constant 128 : i32
        %mul3A_250 = arith.muli %add3A_248, %mul3A_249 : i32
        %add3A_251 = arith.addi %mul3A_2, %mul3A_250 : i32
        %dma_start3A_252 = arith.constant 0 : i32
        %dma_start3A_253 = arith.constant 0 : i32
        %dma_start3A_254 = arith.constant 0 : i32
        %dma_start3A_255 = tpu.memref_slice %arg4[%dma_start3A_252, %dma_start3A_253, %dma_start3A_254] : memref<2x128x128xf32, #tpu.memory_space<vmem>> -> memref<1x128x128xf32, #tpu.memory_space<vmem>>
        %dma_start3A_256 = tpu.memref_squeeze %dma_start3A_255 : memref<1x128x128xf32, #tpu.memory_space<vmem>> -> memref<128x128xf32, #tpu.memory_space<vmem>>
        %dma_start3A_257 = arith.constant 0 : i32
        %dma_start3A_258 = tpu.memref_slice %arg2[%add3A_251, %dma_start3A_257] : memref<16384x128xf32, #tpu.memory_space<hbm>> -> memref<128x128xf32, #tpu.memory_space<hbm>>
        %dma_start3A_259 = arith.constant 0 : i32
        %dma_start3A_260 = arith.constant 0 : i32
        %dma_start3A_261 = tpu.memref_slice %arg4[%dma_start3A_252, %dma_start3A_259, %dma_start3A_260] : memref<2x128x128xf32, #tpu.memory_space<vmem>> -> memref<1x128x128xf32, #tpu.memory_space<vmem>>
        %dma_start3A_262 = tpu.memref_squeeze %dma_start3A_261 : memref<1x128x128xf32, #tpu.memory_space<vmem>> -> memref<128x128xf32, #tpu.memory_space<vmem>>
        %dma_start3A_263 = arith.constant 0 : i32
        %dma_start3A_264 = tpu.memref_slice %arg2[%add3A_251, %dma_start3A_263] : memref<16384x128xf32, #tpu.memory_space<hbm>> -> memref<128x128xf32, #tpu.memory_space<hbm>>
        tpu.enqueue_dma source(%dma_start3A_264 : memref<128x128xf32, #tpu.memory_space<hbm>>) target(%dma_start3A_262 : memref<128x128xf32, #tpu.memory_space<vmem>>) target_semaphore(%arg6 : memref<!tpu.dma_semaphore, #tpu.memory_space<semaphore_mem>>)
      } else {
      }
      %mul3A_151 = arith.constant 2 : i32
      %mul3A_152 = arith.muli %mul3A_151, %scan3A_66 : i32
      %add3A_153 = arith.constant 1 : i32
      %add3A_154 = arith.addi %mul3A_152, %add3A_153 : i32
      %mul3A_155 = arith.constant 128 : i32
      %mul3A_156 = arith.muli %add3A_154, %mul3A_155 : i32
      %add3A_157 = arith.addi %mul3A_2, %mul3A_156 : i32
      %dma_wait3A_158 = arith.constant 1 : i32
      %dma_wait3A_159 = arith.constant 0 : i32
      %dma_wait3A_160 = arith.constant 0 : i32
      %dma_wait3A_161 = tpu.memref_slice %arg4[%dma_wait3A_158, %dma_wait3A_159, %dma_wait3A_160] : memref<2x128x128xf32, #tpu.memory_space<vmem>> -> memref<1x128x128xf32, #tpu.memory_space<vmem>>
      %dma_wait3A_162 = tpu.memref_squeeze %dma_wait3A_161 : memref<1x128x128xf32, #tpu.memory_space<vmem>> -> memref<128x128xf32, #tpu.memory_space<vmem>>
      %dma_wait3A_163 = arith.constant 0 : i32
      %dma_wait3A_164 = tpu.memref_slice %arg2[%add3A_157, %dma_wait3A_163] : memref<16384x128xf32, #tpu.memory_space<hbm>> -> memref<128x128xf32, #tpu.memory_space<hbm>>
      %dma_wait3A_165 = arith.constant 0 : i32
      %dma_wait3A_166 = arith.constant 0 : i32
      %dma_wait3A_167 = tpu.memref_slice %arg4[%dma_wait3A_158, %dma_wait3A_165, %dma_wait3A_166] : memref<2x128x128xf32, #tpu.memory_space<vmem>> -> memref<1x128x128xf32, #tpu.memory_space<vmem>>
      %dma_wait3A_168 = tpu.memref_squeeze %dma_wait3A_167 : memref<1x128x128xf32, #tpu.memory_space<vmem>> -> memref<128x128xf32, #tpu.memory_space<vmem>>
      %dma_wait3A_169 = arith.constant 0 : i32
      %dma_wait3A_170 = tpu.memref_slice %arg2[%add3A_157, %dma_wait3A_169] : memref<16384x128xf32, #tpu.memory_space<hbm>> -> memref<128x128xf32, #tpu.memory_space<hbm>>
      tpu.wait_dma2 semaphore(%arg7 : memref<!tpu.dma_semaphore, #tpu.memory_space<semaphore_mem>>) src(%dma_wait3A_170 : memref<128x128xf32, #tpu.memory_space<hbm>>) dst(%dma_wait3A_168 : memref<128x128xf32, #tpu.memory_space<vmem>>)
      %gt3A_171 = arith.constant 0 : i32
      %gt3A_172 = arith.cmpi sgt, %scan3A_66, %gt3A_171 : i32
      %convert_element_type3A_173 = arith.extui %gt3A_172 : i1 to i32
      %cond3A_174 = arith.constant 0 : i32
      %cond3A_175 = arith.cmpi ne, %convert_element_type3A_173, %cond3A_174 : i32
      scf.if %cond3A_175 {
        %mul3A_247 = arith.constant 128 : i32
        %mul3A_248 = arith.muli %add3A_154, %mul3A_247 : i32
        %add3A_249 = arith.addi %mul3A_2, %mul3A_248 : i32
        %dma_wait3A_250 = arith.constant 1 : i32
        %dma_wait3A_251 = arith.constant 0 : i32
        %dma_wait3A_252 = arith.constant 0 : i32
        %dma_wait3A_253 = tpu.memref_slice %arg5[%dma_wait3A_250, %dma_wait3A_251, %dma_wait3A_252] : memref<2x128x128xf32, #tpu.memory_space<vmem>> -> memref<1x128x128xf32, #tpu.memory_space<vmem>>
        %dma_wait3A_254 = tpu.memref_squeeze %dma_wait3A_253 : memref<1x128x128xf32, #tpu.memory_space<vmem>> -> memref<128x128xf32, #tpu.memory_space<vmem>>
        %dma_wait3A_255 = arith.constant 0 : i32
        %dma_wait3A_256 = tpu.memref_slice %arg3[%add3A_249, %dma_wait3A_255] : memref<16384x128xf32, #tpu.memory_space<hbm>> -> memref<128x128xf32, #tpu.memory_space<hbm>>
        %dma_wait3A_257 = arith.constant 0 : i32
        %dma_wait3A_258 = tpu.memref_slice %arg3[%add3A_249, %dma_wait3A_257] : memref<16384x128xf32, #tpu.memory_space<hbm>> -> memref<128x128xf32, #tpu.memory_space<hbm>>
        %dma_wait3A_259 = arith.constant 0 : i32
        %dma_wait3A_260 = arith.constant 0 : i32
        %dma_wait3A_261 = tpu.memref_slice %arg5[%dma_wait3A_250, %dma_wait3A_259, %dma_wait3A_260] : memref<2x128x128xf32, #tpu.memory_space<vmem>> -> memref<1x128x128xf32, #tpu.memory_space<vmem>>
        %dma_wait3A_262 = tpu.memref_squeeze %dma_wait3A_261 : memref<1x128x128xf32, #tpu.memory_space<vmem>> -> memref<128x128xf32, #tpu.memory_space<vmem>>
        tpu.wait_dma2 semaphore(%arg9 : memref<!tpu.dma_semaphore, #tpu.memory_space<semaphore_mem>>) src(%dma_wait3A_262 : memref<128x128xf32, #tpu.memory_space<vmem>>) dst(%dma_wait3A_258 : memref<128x128xf32, #tpu.memory_space<hbm>>)
      } else {
      }
      %iota3A_176 = tpu.iota {dimensions = array<i32: 0>} : vector<16xi32>
      %xor3A_177 = arith.constant 8 : i32
      %xor3A_178 = vector.broadcast %xor3A_177 : i32 to vector<16xi32>
      %xor3A_179 = arith.xori %iota3A_176, %xor3A_178 : vector<16xi32>
      %xor3A_180 = arith.constant 4 : i32
      %xor3A_181 = vector.broadcast %xor3A_180 : i32 to vector<16xi32>
      %xor3A_182 = arith.xori %iota3A_176, %xor3A_181 : vector<16xi32>
      %xor3A_183 = arith.constant 2 : i32
      %xor3A_184 = vector.broadcast %xor3A_183 : i32 to vector<16xi32>
      %xor3A_185 = arith.xori %iota3A_176, %xor3A_184 : vector<16xi32>
      %xor3A_186 = arith.constant 1 : i32
      %xor3A_187 = vector.broadcast %xor3A_186 : i32 to vector<16xi32>
      %xor3A_188 = arith.xori %iota3A_176, %xor3A_187 : vector<16xi32>
      %broadcast_in_dim3A_189 = arith.constant 1.000000e+00 : f32
      %broadcast_in_dim3A_190 = vector.broadcast %broadcast_in_dim3A_189 : f32 to vector<16xf32>
      %broadcast_in_dim3A_191 = arith.constant 0.000000e+00 : f32
      %broadcast_in_dim3A_192 = vector.broadcast %broadcast_in_dim3A_191 : f32 to vector<16xf32>
      %broadcast_in_dim3A_193 = arith.constant 0.000000e+00 : f32
      %broadcast_in_dim3A_194 = vector.broadcast %broadcast_in_dim3A_193 : f32 to vector<16xf32>
      %parallel_loop3A_195 = arith.constant 0 : i32
      %parallel_loop3A_196 = arith.constant 128 : i32
      %parallel_loop3A_197 = arith.constant 1 : i32
      %parallel_loop3A_198 = arith.constant 1 : i32
      %parallel_loop3A_199 = arith.constant 1 : i32
      %parallel_loop3A_200 = scf.for %parallel_loop3A_247 = %parallel_loop3A_195 to %parallel_loop3A_196 step %parallel_loop3A_197 iter_args(%parallel_loop3A_248 = %broadcast_in_dim3A_194) -> (vector<16xf32>)  : i32 {
        %parallel_loop3A_249 = arith.constant 0 : i32
        %parallel_loop3A_250 = arith.constant 0 : i32
        %parallel_loop3A_251 = tpu.memref_slice %arg4[%parallel_loop3A_198, %parallel_loop3A_249, %parallel_loop3A_250] : memref<2x128x128xf32, #tpu.memory_space<vmem>> -> memref<1x128x128xf32, #tpu.memory_space<vmem>>
        %parallel_loop3A_252 = tpu.memref_squeeze %parallel_loop3A_251 : memref<1x128x128xf32, #tpu.memory_space<vmem>> -> memref<128x128xf32, #tpu.memory_space<vmem>>
        %parallel_loop3A_253 = arith.index_cast %parallel_loop3A_247 : i32 to index
        %parallel_loop3A_254 = arith.constant 0 : index
        %parallel_loop3A_255 = tpu.vector_load %parallel_loop3A_252[%parallel_loop3A_253, %parallel_loop3A_254] {strides = array<i32>} : memref<128x128xf32, #tpu.memory_space<vmem>>, vector<1x16xf32>,
        %parallel_loop3A_256 = vector.shape_cast %parallel_loop3A_255 : vector<1x16xf32> to vector<16xf32>
        %parallel_loop3A_257 = arith.constant 0 : i32
        %parallel_loop3A_258 = arith.constant 0 : i32
        %parallel_loop3A_259 = tpu.memref_slice %arg4[%parallel_loop3A_198, %parallel_loop3A_257, %parallel_loop3A_258] : memref<2x128x128xf32, #tpu.memory_space<vmem>> -> memref<1x128x128xf32, #tpu.memory_space<vmem>>
        %parallel_loop3A_260 = tpu.memref_squeeze %parallel_loop3A_259 : memref<1x128x128xf32, #tpu.memory_space<vmem>> -> memref<128x128xf32, #tpu.memory_space<vmem>>
        %parallel_loop3A_261 = arith.index_cast %parallel_loop3A_247 : i32 to index
        %parallel_loop3A_262 = arith.constant 16 : index
        %parallel_loop3A_263 = tpu.vector_load %parallel_loop3A_260[%parallel_loop3A_261, %parallel_loop3A_262] {strides = array<i32>} : memref<128x128xf32, #tpu.memory_space<vmem>>, vector<1x16xf32>,
        %parallel_loop3A_264 = vector.shape_cast %parallel_loop3A_263 : vector<1x16xf32> to vector<16xf32>
        %parallel_loop3A_265 = arith.constant 0 : i32
        %parallel_loop3A_266 = arith.constant 0 : i32
        %parallel_loop3A_267 = tpu.memref_slice %arg4[%parallel_loop3A_198, %parallel_loop3A_265, %parallel_loop3A_266] : memref<2x128x128xf32, #tpu.memory_space<vmem>> -> memref<1x128x128xf32, #tpu.memory_space<vmem>>
        %parallel_loop3A_268 = tpu.memref_squeeze %parallel_loop3A_267 : memref<1x128x128xf32, #tpu.memory_space<vmem>> -> memref<128x128xf32, #tpu.memory_space<vmem>>
        %parallel_loop3A_269 = arith.index_cast %parallel_loop3A_247 : i32 to index
        %parallel_loop3A_270 = arith.constant 32 : index
        %parallel_loop3A_271 = tpu.vector_load %parallel_loop3A_268[%parallel_loop3A_269, %parallel_loop3A_270] {strides = array<i32>} : memref<128x128xf32, #tpu.memory_space<vmem>>, vector<1x16xf32>,
        %parallel_loop3A_272 = vector.shape_cast %parallel_loop3A_271 : vector<1x16xf32> to vector<16xf32>
        %parallel_loop3A_273 = arith.constant 0 : i32
        %parallel_loop3A_274 = arith.constant 0 : i32
        %parallel_loop3A_275 = tpu.memref_slice %arg4[%parallel_loop3A_198, %parallel_loop3A_273, %parallel_loop3A_274] : memref<2x128x128xf32, #tpu.memory_space<vmem>> -> memref<1x128x128xf32, #tpu.memory_space<vmem>>
        %parallel_loop3A_276 = tpu.memref_squeeze %parallel_loop3A_275 : memref<1x128x128xf32, #tpu.memory_space<vmem>> -> memref<128x128xf32, #tpu.memory_space<vmem>>
        %parallel_loop3A_277 = arith.index_cast %parallel_loop3A_247 : i32 to index
        %parallel_loop3A_278 = arith.constant 48 : index
        %parallel_loop3A_279 = tpu.vector_load %parallel_loop3A_276[%parallel_loop3A_277, %parallel_loop3A_278] {strides = array<i32>} : memref<128x128xf32, #tpu.memory_space<vmem>>, vector<1x16xf32>,
        %parallel_loop3A_280 = vector.shape_cast %parallel_loop3A_279 : vector<1x16xf32> to vector<16xf32>
        %parallel_loop3A_281 = arith.constant 0 : i32
        %parallel_loop3A_282 = arith.constant 0 : i32
        %parallel_loop3A_283 = tpu.memref_slice %arg4[%parallel_loop3A_198, %parallel_loop3A_281, %parallel_loop3A_282] : memref<2x128x128xf32, #tpu.memory_space<vmem>> -> memref<1x128x128xf32, #tpu.memory_space<vmem>>
        %parallel_loop3A_284 = tpu.memref_squeeze %parallel_loop3A_283 : memref<1x128x128xf32, #tpu.memory_space<vmem>> -> memref<128x128xf32, #tpu.memory_space<vmem>>
        %parallel_loop3A_285 = arith.index_cast %parallel_loop3A_247 : i32 to index
        %parallel_loop3A_286 = arith.constant 64 : index
        %parallel_loop3A_287 = tpu.vector_load %parallel_loop3A_284[%parallel_loop3A_285, %parallel_loop3A_286] {strides = array<i32>} : memref<128x128xf32, #tpu.memory_space<vmem>>, vector<1x16xf32>,
        %parallel_loop3A_288 = vector.shape_cast %parallel_loop3A_287 : vector<1x16xf32> to vector<16xf32>
        %parallel_loop3A_289 = arith.constant 0 : i32
        %parallel_loop3A_290 = arith.constant 0 : i32
        %parallel_loop3A_291 = tpu.memref_slice %arg4[%parallel_loop3A_198, %parallel_loop3A_289, %parallel_loop3A_290] : memref<2x128x128xf32, #tpu.memory_space<vmem>> -> memref<1x128x128xf32, #tpu.memory_space<vmem>>
        %parallel_loop3A_292 = tpu.memref_squeeze %parallel_loop3A_291 : memref<1x128x128xf32, #tpu.memory_space<vmem>> -> memref<128x128xf32, #tpu.memory_space<vmem>>
        %parallel_loop3A_293 = arith.index_cast %parallel_loop3A_247 : i32 to index
        %parallel_loop3A_294 = arith.constant 80 : index
        %parallel_loop3A_295 = tpu.vector_load %parallel_loop3A_292[%parallel_loop3A_293, %parallel_loop3A_294] {strides = array<i32>} : memref<128x128xf32, #tpu.memory_space<vmem>>, vector<1x16xf32>,
        %parallel_loop3A_296 = vector.shape_cast %parallel_loop3A_295 : vector<1x16xf32> to vector<16xf32>
        %parallel_loop3A_297 = arith.constant 0 : i32
        %parallel_loop3A_298 = arith.constant 0 : i32
        %parallel_loop3A_299 = tpu.memref_slice %arg4[%parallel_loop3A_198, %parallel_loop3A_297, %parallel_loop3A_298] : memref<2x128x128xf32, #tpu.memory_space<vmem>> -> memref<1x128x128xf32, #tpu.memory_space<vmem>>
        %parallel_loop3A_300 = tpu.memref_squeeze %parallel_loop3A_299 : memref<1x128x128xf32, #tpu.memory_space<vmem>> -> memref<128x128xf32, #tpu.memory_space<vmem>>
        %parallel_loop3A_301 = arith.index_cast %parallel_loop3A_247 : i32 to index
        %parallel_loop3A_302 = arith.constant 96 : index
        %parallel_loop3A_303 = tpu.vector_load %parallel_loop3A_300[%parallel_loop3A_301, %parallel_loop3A_302] {strides = array<i32>} : memref<128x128xf32, #tpu.memory_space<vmem>>, vector<1x16xf32>,
        %parallel_loop3A_304 = vector.shape_cast %parallel_loop3A_303 : vector<1x16xf32> to vector<16xf32>
        %parallel_loop3A_305 = arith.constant 0 : i32
        %parallel_loop3A_306 = arith.constant 0 : i32
        %parallel_loop3A_307 = tpu.memref_slice %arg4[%parallel_loop3A_198, %parallel_loop3A_305, %parallel_loop3A_306] : memref<2x128x128xf32, #tpu.memory_space<vmem>> -> memref<1x128x128xf32, #tpu.memory_space<vmem>>
        %parallel_loop3A_308 = tpu.memref_squeeze %parallel_loop3A_307 : memref<1x128x128xf32, #tpu.memory_space<vmem>> -> memref<128x128xf32, #tpu.memory_space<vmem>>
        %parallel_loop3A_309 = arith.index_cast %parallel_loop3A_247 : i32 to index
        %parallel_loop3A_310 = arith.constant 112 : index
        %parallel_loop3A_311 = tpu.vector_load %parallel_loop3A_308[%parallel_loop3A_309, %parallel_loop3A_310] {strides = array<i32>} : memref<128x128xf32, #tpu.memory_space<vmem>>, vector<1x16xf32>,
        %parallel_loop3A_312 = vector.shape_cast %parallel_loop3A_311 : vector<1x16xf32> to vector<16xf32>
        %parallel_loop3A_313 = arith.maximumf %parallel_loop3A_256, %parallel_loop3A_264 : vector<16xf32>
        %parallel_loop3A_314 = arith.maximumf %parallel_loop3A_313, %parallel_loop3A_272 : vector<16xf32>
        %parallel_loop3A_315 = arith.maximumf %parallel_loop3A_314, %parallel_loop3A_280 : vector<16xf32>
        %parallel_loop3A_316 = arith.maximumf %parallel_loop3A_315, %parallel_loop3A_288 : vector<16xf32>
        %parallel_loop3A_317 = arith.maximumf %parallel_loop3A_316, %parallel_loop3A_296 : vector<16xf32>
        %parallel_loop3A_318 = arith.maximumf %parallel_loop3A_317, %parallel_loop3A_304 : vector<16xf32>
        %parallel_loop3A_319 = arith.maximumf %parallel_loop3A_318, %parallel_loop3A_312 : vector<16xf32>
        %parallel_loop3A_320 = vector.shape_cast %xor3A_179 : vector<16xi32> to vector<16x1xi32>
        %parallel_loop3A_321 = vector.shape_cast %parallel_loop3A_320 : vector<16x1xi32> to vector<16xi32>
        %parallel_loop3A_322 = tpu.dynamic_gather %parallel_loop3A_319[%parallel_loop3A_321] in [0] : vector<16xf32>, vector<16xi32> -> vector<16xf32>
        %parallel_loop3A_323 = arith.maximumf %parallel_loop3A_319, %parallel_loop3A_322 : vector<16xf32>
        %parallel_loop3A_324 = vector.shape_cast %xor3A_182 : vector<16xi32> to vector<16x1xi32>
        %parallel_loop3A_325 = vector.shape_cast %parallel_loop3A_324 : vector<16x1xi32> to vector<16xi32>
        %parallel_loop3A_326 = tpu.dynamic_gather %parallel_loop3A_323[%parallel_loop3A_325] in [0] : vector<16xf32>, vector<16xi32> -> vector<16xf32>
        %parallel_loop3A_327 = arith.maximumf %parallel_loop3A_323, %parallel_loop3A_326 : vector<16xf32>
        %parallel_loop3A_328 = vector.shape_cast %xor3A_185 : vector<16xi32> to vector<16x1xi32>
        %parallel_loop3A_329 = vector.shape_cast %parallel_loop3A_328 : vector<16x1xi32> to vector<16xi32>
        %parallel_loop3A_330 = tpu.dynamic_gather %parallel_loop3A_327[%parallel_loop3A_329] in [0] : vector<16xf32>, vector<16xi32> -> vector<16xf32>
        %parallel_loop3A_331 = arith.maximumf %parallel_loop3A_327, %parallel_loop3A_330 : vector<16xf32>
        %parallel_loop3A_332 = vector.shape_cast %xor3A_188 : vector<16xi32> to vector<16x1xi32>
        %parallel_loop3A_333 = vector.shape_cast %parallel_loop3A_332 : vector<16x1xi32> to vector<16xi32>
        %parallel_loop3A_334 = tpu.dynamic_gather %parallel_loop3A_331[%parallel_loop3A_333] in [0] : vector<16xf32>, vector<16xi32> -> vector<16xf32>
        %parallel_loop3A_335 = arith.maximumf %parallel_loop3A_331, %parallel_loop3A_334 : vector<16xf32>
        %parallel_loop3A_336 = arith.cmpf oeq, %parallel_loop3A_256, %parallel_loop3A_335 : vector<16xf32>
        %parallel_loop3A_337 = arith.select %parallel_loop3A_336, %broadcast_in_dim3A_190, %broadcast_in_dim3A_192 : vector<16xi1>, vector<16xf32>
        %parallel_loop3A_338 = arith.constant 0 : i32
        %parallel_loop3A_339 = arith.constant 0 : i32
        %parallel_loop3A_340 = tpu.memref_slice %arg5[%parallel_loop3A_199, %parallel_loop3A_338, %parallel_loop3A_339] : memref<2x128x128xf32, #tpu.memory_space<vmem>> -> memref<1x128x128xf32, #tpu.memory_space<vmem>>
        %parallel_loop3A_341 = tpu.memref_squeeze %parallel_loop3A_340 : memref<1x128x128xf32, #tpu.memory_space<vmem>> -> memref<128x128xf32, #tpu.memory_space<vmem>>
        %parallel_loop3A_342 = arith.index_cast %parallel_loop3A_247 : i32 to index
        %parallel_loop3A_343 = arith.constant 0 : index
        %parallel_loop3A_344 = tpu.vector_load %parallel_loop3A_341[%parallel_loop3A_342, %parallel_loop3A_343] {strides = array<i32>} : memref<128x128xf32, #tpu.memory_space<vmem>>, vector<1x16xf32>,
        %parallel_loop3A_345 = vector.shape_cast %parallel_loop3A_344 : vector<1x16xf32> to vector<16xf32>
        %parallel_loop3A_346 = vector.shape_cast %parallel_loop3A_337 : vector<16xf32> to vector<1x16xf32>
        tpu.vector_store %parallel_loop3A_341[%parallel_loop3A_342, %parallel_loop3A_343], %parallel_loop3A_346 {strides = array<i32>} : memref<128x128xf32, #tpu.memory_space<vmem>>, vector<1x16xf32>,
        %parallel_loop3A_347 = arith.cmpf oeq, %parallel_loop3A_264, %parallel_loop3A_335 : vector<16xf32>
        %parallel_loop3A_348 = arith.select %parallel_loop3A_347, %broadcast_in_dim3A_190, %broadcast_in_dim3A_192 : vector<16xi1>, vector<16xf32>
        %parallel_loop3A_349 = arith.constant 0 : i32
        %parallel_loop3A_350 = arith.constant 0 : i32
        %parallel_loop3A_351 = tpu.memref_slice %arg5[%parallel_loop3A_199, %parallel_loop3A_349, %parallel_loop3A_350] : memref<2x128x128xf32, #tpu.memory_space<vmem>> -> memref<1x128x128xf32, #tpu.memory_space<vmem>>
        %parallel_loop3A_352 = tpu.memref_squeeze %parallel_loop3A_351 : memref<1x128x128xf32, #tpu.memory_space<vmem>> -> memref<128x128xf32, #tpu.memory_space<vmem>>
        %parallel_loop3A_353 = arith.index_cast %parallel_loop3A_247 : i32 to index
        %parallel_loop3A_354 = arith.constant 16 : index
        %parallel_loop3A_355 = tpu.vector_load %parallel_loop3A_352[%parallel_loop3A_353, %parallel_loop3A_354] {strides = array<i32>} : memref<128x128xf32, #tpu.memory_space<vmem>>, vector<1x16xf32>,
        %parallel_loop3A_356 = vector.shape_cast %parallel_loop3A_355 : vector<1x16xf32> to vector<16xf32>
        %parallel_loop3A_357 = vector.shape_cast %parallel_loop3A_348 : vector<16xf32> to vector<1x16xf32>
        tpu.vector_store %parallel_loop3A_352[%parallel_loop3A_353, %parallel_loop3A_354], %parallel_loop3A_357 {strides = array<i32>} : memref<128x128xf32, #tpu.memory_space<vmem>>, vector<1x16xf32>,
        %parallel_loop3A_358 = arith.addf %parallel_loop3A_337, %parallel_loop3A_348 : vector<16xf32>
        %parallel_loop3A_359 = arith.cmpf oeq, %parallel_loop3A_272, %parallel_loop3A_335 : vector<16xf32>
        %parallel_loop3A_360 = arith.select %parallel_loop3A_359, %broadcast_in_dim3A_190, %broadcast_in_dim3A_192 : vector<16xi1>, vector<16xf32>
        %parallel_loop3A_361 = arith.constant 0 : i32
        %parallel_loop3A_362 = arith.constant 0 : i32
        %parallel_loop3A_363 = tpu.memref_slice %arg5[%parallel_loop3A_199, %parallel_loop3A_361, %parallel_loop3A_362] : memref<2x128x128xf32, #tpu.memory_space<vmem>> -> memref<1x128x128xf32, #tpu.memory_space<vmem>>
        %parallel_loop3A_364 = tpu.memref_squeeze %parallel_loop3A_363 : memref<1x128x128xf32, #tpu.memory_space<vmem>> -> memref<128x128xf32, #tpu.memory_space<vmem>>
        %parallel_loop3A_365 = arith.index_cast %parallel_loop3A_247 : i32 to index
        %parallel_loop3A_366 = arith.constant 32 : index
        %parallel_loop3A_367 = tpu.vector_load %parallel_loop3A_364[%parallel_loop3A_365, %parallel_loop3A_366] {strides = array<i32>} : memref<128x128xf32, #tpu.memory_space<vmem>>, vector<1x16xf32>,
        %parallel_loop3A_368 = vector.shape_cast %parallel_loop3A_367 : vector<1x16xf32> to vector<16xf32>
        %parallel_loop3A_369 = vector.shape_cast %parallel_loop3A_360 : vector<16xf32> to vector<1x16xf32>
        tpu.vector_store %parallel_loop3A_364[%parallel_loop3A_365, %parallel_loop3A_366], %parallel_loop3A_369 {strides = array<i32>} : memref<128x128xf32, #tpu.memory_space<vmem>>, vector<1x16xf32>,
        %parallel_loop3A_370 = arith.addf %parallel_loop3A_358, %parallel_loop3A_360 : vector<16xf32>
        %parallel_loop3A_371 = arith.cmpf oeq, %parallel_loop3A_280, %parallel_loop3A_335 : vector<16xf32>
        %parallel_loop3A_372 = arith.select %parallel_loop3A_371, %broadcast_in_dim3A_190, %broadcast_in_dim3A_192 : vector<16xi1>, vector<16xf32>
        %parallel_loop3A_373 = arith.constant 0 : i32
        %parallel_loop3A_374 = arith.constant 0 : i32
        %parallel_loop3A_375 = tpu.memref_slice %arg5[%parallel_loop3A_199, %parallel_loop3A_373, %parallel_loop3A_374] : memref<2x128x128xf32, #tpu.memory_space<vmem>> -> memref<1x128x128xf32, #tpu.memory_space<vmem>>
        %parallel_loop3A_376 = tpu.memref_squeeze %parallel_loop3A_375 : memref<1x128x128xf32, #tpu.memory_space<vmem>> -> memref<128x128xf32, #tpu.memory_space<vmem>>
        %parallel_loop3A_377 = arith.index_cast %parallel_loop3A_247 : i32 to index
        %parallel_loop3A_378 = arith.constant 48 : index
        %parallel_loop3A_379 = tpu.vector_load %parallel_loop3A_376[%parallel_loop3A_377, %parallel_loop3A_378] {strides = array<i32>} : memref<128x128xf32, #tpu.memory_space<vmem>>, vector<1x16xf32>,
        %parallel_loop3A_380 = vector.shape_cast %parallel_loop3A_379 : vector<1x16xf32> to vector<16xf32>
        %parallel_loop3A_381 = vector.shape_cast %parallel_loop3A_372 : vector<16xf32> to vector<1x16xf32>
        tpu.vector_store %parallel_loop3A_376[%parallel_loop3A_377, %parallel_loop3A_378], %parallel_loop3A_381 {strides = array<i32>} : memref<128x128xf32, #tpu.memory_space<vmem>>, vector<1x16xf32>,
        %parallel_loop3A_382 = arith.addf %parallel_loop3A_370, %parallel_loop3A_372 : vector<16xf32>
        %parallel_loop3A_383 = arith.cmpf oeq, %parallel_loop3A_288, %parallel_loop3A_335 : vector<16xf32>
        %parallel_loop3A_384 = arith.select %parallel_loop3A_383, %broadcast_in_dim3A_190, %broadcast_in_dim3A_192 : vector<16xi1>, vector<16xf32>
        %parallel_loop3A_385 = arith.constant 0 : i32
        %parallel_loop3A_386 = arith.constant 0 : i32
        %parallel_loop3A_387 = tpu.memref_slice %arg5[%parallel_loop3A_199, %parallel_loop3A_385, %parallel_loop3A_386] : memref<2x128x128xf32, #tpu.memory_space<vmem>> -> memref<1x128x128xf32, #tpu.memory_space<vmem>>
        %parallel_loop3A_388 = tpu.memref_squeeze %parallel_loop3A_387 : memref<1x128x128xf32, #tpu.memory_space<vmem>> -> memref<128x128xf32, #tpu.memory_space<vmem>>
        %parallel_loop3A_389 = arith.index_cast %parallel_loop3A_247 : i32 to index
        %parallel_loop3A_390 = arith.constant 64 : index
        %parallel_loop3A_391 = tpu.vector_load %parallel_loop3A_388[%parallel_loop3A_389, %parallel_loop3A_390] {strides = array<i32>} : memref<128x128xf32, #tpu.memory_space<vmem>>, vector<1x16xf32>,
        %parallel_loop3A_392 = vector.shape_cast %parallel_loop3A_391 : vector<1x16xf32> to vector<16xf32>
        %parallel_loop3A_393 = vector.shape_cast %parallel_loop3A_384 : vector<16xf32> to vector<1x16xf32>
        tpu.vector_store %parallel_loop3A_388[%parallel_loop3A_389, %parallel_loop3A_390], %parallel_loop3A_393 {strides = array<i32>} : memref<128x128xf32, #tpu.memory_space<vmem>>, vector<1x16xf32>,
        %parallel_loop3A_394 = arith.addf %parallel_loop3A_382, %parallel_loop3A_384 : vector<16xf32>
        %parallel_loop3A_395 = arith.cmpf oeq, %parallel_loop3A_296, %parallel_loop3A_335 : vector<16xf32>
        %parallel_loop3A_396 = arith.select %parallel_loop3A_395, %broadcast_in_dim3A_190, %broadcast_in_dim3A_192 : vector<16xi1>, vector<16xf32>
        %parallel_loop3A_397 = arith.constant 0 : i32
        %parallel_loop3A_398 = arith.constant 0 : i32
        %parallel_loop3A_399 = tpu.memref_slice %arg5[%parallel_loop3A_199, %parallel_loop3A_397, %parallel_loop3A_398] : memref<2x128x128xf32, #tpu.memory_space<vmem>> -> memref<1x128x128xf32, #tpu.memory_space<vmem>>
        %parallel_loop3A_400 = tpu.memref_squeeze %parallel_loop3A_399 : memref<1x128x128xf32, #tpu.memory_space<vmem>> -> memref<128x128xf32, #tpu.memory_space<vmem>>
        %parallel_loop3A_401 = arith.index_cast %parallel_loop3A_247 : i32 to index
        %parallel_loop3A_402 = arith.constant 80 : index
        %parallel_loop3A_403 = tpu.vector_load %parallel_loop3A_400[%parallel_loop3A_401, %parallel_loop3A_402] {strides = array<i32>} : memref<128x128xf32, #tpu.memory_space<vmem>>, vector<1x16xf32>,
        %parallel_loop3A_404 = vector.shape_cast %parallel_loop3A_403 : vector<1x16xf32> to vector<16xf32>
        %parallel_loop3A_405 = vector.shape_cast %parallel_loop3A_396 : vector<16xf32> to vector<1x16xf32>
        tpu.vector_store %parallel_loop3A_400[%parallel_loop3A_401, %parallel_loop3A_402], %parallel_loop3A_405 {strides = array<i32>} : memref<128x128xf32, #tpu.memory_space<vmem>>, vector<1x16xf32>,
        %parallel_loop3A_406 = arith.addf %parallel_loop3A_394, %parallel_loop3A_396 : vector<16xf32>
        %parallel_loop3A_407 = arith.cmpf oeq, %parallel_loop3A_304, %parallel_loop3A_335 : vector<16xf32>
        %parallel_loop3A_408 = arith.select %parallel_loop3A_407, %broadcast_in_dim3A_190, %broadcast_in_dim3A_192 : vector<16xi1>, vector<16xf32>
        %parallel_loop3A_409 = arith.constant 0 : i32
        %parallel_loop3A_410 = arith.constant 0 : i32
        %parallel_loop3A_411 = tpu.memref_slice %arg5[%parallel_loop3A_199, %parallel_loop3A_409, %parallel_loop3A_410] : memref<2x128x128xf32, #tpu.memory_space<vmem>> -> memref<1x128x128xf32, #tpu.memory_space<vmem>>
        %parallel_loop3A_412 = tpu.memref_squeeze %parallel_loop3A_411 : memref<1x128x128xf32, #tpu.memory_space<vmem>> -> memref<128x128xf32, #tpu.memory_space<vmem>>
        %parallel_loop3A_413 = arith.index_cast %parallel_loop3A_247 : i32 to index
        %parallel_loop3A_414 = arith.constant 96 : index
        %parallel_loop3A_415 = tpu.vector_load %parallel_loop3A_412[%parallel_loop3A_413, %parallel_loop3A_414] {strides = array<i32>} : memref<128x128xf32, #tpu.memory_space<vmem>>, vector<1x16xf32>,
        %parallel_loop3A_416 = vector.shape_cast %parallel_loop3A_415 : vector<1x16xf32> to vector<16xf32>
        %parallel_loop3A_417 = vector.shape_cast %parallel_loop3A_408 : vector<16xf32> to vector<1x16xf32>
        tpu.vector_store %parallel_loop3A_412[%parallel_loop3A_413, %parallel_loop3A_414], %parallel_loop3A_417 {strides = array<i32>} : memref<128x128xf32, #tpu.memory_space<vmem>>, vector<1x16xf32>,
        %parallel_loop3A_418 = arith.addf %parallel_loop3A_406, %parallel_loop3A_408 : vector<16xf32>
        %parallel_loop3A_419 = arith.cmpf oeq, %parallel_loop3A_312, %parallel_loop3A_335 : vector<16xf32>
        %parallel_loop3A_420 = arith.select %parallel_loop3A_419, %broadcast_in_dim3A_190, %broadcast_in_dim3A_192 : vector<16xi1>, vector<16xf32>
        %parallel_loop3A_421 = arith.constant 0 : i32
        %parallel_loop3A_422 = arith.constant 0 : i32
        %parallel_loop3A_423 = tpu.memref_slice %arg5[%parallel_loop3A_199, %parallel_loop3A_421, %parallel_loop3A_422] : memref<2x128x128xf32, #tpu.memory_space<vmem>> -> memref<1x128x128xf32, #tpu.memory_space<vmem>>
        %parallel_loop3A_424 = tpu.memref_squeeze %parallel_loop3A_423 : memref<1x128x128xf32, #tpu.memory_space<vmem>> -> memref<128x128xf32, #tpu.memory_space<vmem>>
        %parallel_loop3A_425 = arith.index_cast %parallel_loop3A_247 : i32 to index
        %parallel_loop3A_426 = arith.constant 112 : index
        %parallel_loop3A_427 = tpu.vector_load %parallel_loop3A_424[%parallel_loop3A_425, %parallel_loop3A_426] {strides = array<i32>} : memref<128x128xf32, #tpu.memory_space<vmem>>, vector<1x16xf32>,
        %parallel_loop3A_428 = vector.shape_cast %parallel_loop3A_427 : vector<1x16xf32> to vector<16xf32>
        %parallel_loop3A_429 = vector.shape_cast %parallel_loop3A_420 : vector<16xf32> to vector<1x16xf32>
        tpu.vector_store %parallel_loop3A_424[%parallel_loop3A_425, %parallel_loop3A_426], %parallel_loop3A_429 {strides = array<i32>} : memref<128x128xf32, #tpu.memory_space<vmem>>, vector<1x16xf32>,
        %parallel_loop3A_430 = arith.addf %parallel_loop3A_418, %parallel_loop3A_420 : vector<16xf32>
        %parallel_loop3A_431 = arith.addf %parallel_loop3A_248, %parallel_loop3A_430 : vector<16xf32>
        scf.yield %parallel_loop3A_431 : vector<16xf32>
      } {sc.loop_unroll_factor = 4 : i64, sc.parallel_access}
      %broadcast_in_dim3A_201 = vector.shape_cast %xor3A_179 : vector<16xi32> to vector<16x1xi32>
      %gather3A_202 = vector.shape_cast %broadcast_in_dim3A_201 : vector<16x1xi32> to vector<16xi32>
      %gather3A_203 = tpu.dynamic_gather %parallel_loop3A_200[%gather3A_202] in [0] : vector<16xf32>, vector<16xi32> -> vector<16xf32>
      %add3A_204 = arith.addf %parallel_loop3A_200, %gather3A_203 : vector<16xf32>
      %broadcast_in_dim3A_205 = vector.shape_cast %xor3A_182 : vector<16xi32> to vector<16x1xi32>
      %gather3A_206 = vector.shape_cast %broadcast_in_dim3A_205 : vector<16x1xi32> to vector<16xi32>
      %gather3A_207 = tpu.dynamic_gather %add3A_204[%gather3A_206] in [0] : vector<16xf32>, vector<16xi32> -> vector<16xf32>
      %add3A_208 = arith.addf %add3A_204, %gather3A_207 : vector<16xf32>
      %broadcast_in_dim3A_209 = vector.shape_cast %xor3A_185 : vector<16xi32> to vector<16x1xi32>
      %gather3A_210 = vector.shape_cast %broadcast_in_dim3A_209 : vector<16x1xi32> to vector<16xi32>
      %gather3A_211 = tpu.dynamic_gather %add3A_208[%gather3A_210] in [0] : vector<16xf32>, vector<16xi32> -> vector<16xf32>
      %add3A_212 = arith.addf %add3A_208, %gather3A_211 : vector<16xf32>
      %broadcast_in_dim3A_213 = vector.shape_cast %xor3A_188 : vector<16xi32> to vector<16x1xi32>
      %gather3A_214 = vector.shape_cast %broadcast_in_dim3A_213 : vector<16x1xi32> to vector<16xi32>
      %gather3A_215 = tpu.dynamic_gather %add3A_212[%gather3A_214] in [0] : vector<16xf32>, vector<16xi32> -> vector<16xf32>
      %add3A_216 = arith.addf %add3A_212, %gather3A_215 : vector<16xf32>
      %slice3A_217 = vector.extract_strided_slice %add3A_216 {offsets = [0], sizes = [1], strides = [1]} : vector<16xf32> to vector<1xf32>
      %squeeze3A_218 = vector.extract %slice3A_217[0] : f32 from vector<1xf32>
      %ne3A_219 = arith.constant 1.280000e+02 : f32
      %ne3A_220 = arith.cmpf one, %squeeze3A_218, %ne3A_219 : f32
      %convert_element_type3A_221 = arith.extui %ne3A_220 : i1 to i32
      %cond3A_222 = arith.constant 0 : i32
      %cond3A_223 = arith.cmpi ne, %convert_element_type3A_221, %cond3A_222 : i32
      scf.if %cond3A_223 {
        %iota3A_247 = tpu.iota {dimensions = array<i32: 0>} : vector<16xi32>
        %xor3A_248 = arith.constant 8 : i32
        %xor3A_249 = vector.broadcast %xor3A_248 : i32 to vector<16xi32>
        %xor3A_250 = arith.xori %iota3A_247, %xor3A_249 : vector<16xi32>
        %xor3A_251 = arith.constant 4 : i32
        %xor3A_252 = vector.broadcast %xor3A_251 : i32 to vector<16xi32>
        %xor3A_253 = arith.xori %iota3A_247, %xor3A_252 : vector<16xi32>
        %xor3A_254 = arith.constant 2 : i32
        %xor3A_255 = vector.broadcast %xor3A_254 : i32 to vector<16xi32>
        %xor3A_256 = arith.xori %iota3A_247, %xor3A_255 : vector<16xi32>
        %xor3A_257 = arith.constant 1 : i32
        %xor3A_258 = vector.broadcast %xor3A_257 : i32 to vector<16xi32>
        %xor3A_259 = arith.xori %iota3A_247, %xor3A_258 : vector<16xi32>
        %convert_element_type3A_260 = arith.sitofp %iota3A_247 : vector<16xi32> to vector<16xf32>
        %broadcast_in_dim3A_261 = arith.constant 1.000000e+00 : f32
        %broadcast_in_dim3A_262 = vector.broadcast %broadcast_in_dim3A_261 : f32 to vector<16xf32>
        %broadcast_in_dim3A_263 = arith.constant 0.000000e+00 : f32
        %broadcast_in_dim3A_264 = vector.broadcast %broadcast_in_dim3A_263 : f32 to vector<16xf32>
        %broadcast_in_dim3A_265 = arith.constant 1.280000e+02 : f32
        %broadcast_in_dim3A_266 = vector.broadcast %broadcast_in_dim3A_265 : f32 to vector<16xf32>
        %parallel_loop3A_267 = arith.constant 0 : i32
        %parallel_loop3A_268 = arith.constant 128 : i32
        %parallel_loop3A_269 = arith.constant 1 : i32
        %parallel_loop3A_270 = arith.constant 1 : i32
        %parallel_loop3A_271 = arith.constant 1 : i32
        scf.for %parallel_loop3A_272 = %parallel_loop3A_267 to %parallel_loop3A_268 step %parallel_loop3A_269  : i32 {
          %parallel_loop3A_273 = arith.constant 0 : i32
          %parallel_loop3A_274 = arith.constant 0 : i32
          %parallel_loop3A_275 = tpu.memref_slice %arg4[%parallel_loop3A_270, %parallel_loop3A_273, %parallel_loop3A_274] : memref<2x128x128xf32, #tpu.memory_space<vmem>> -> memref<1x128x128xf32, #tpu.memory_space<vmem>>
          %parallel_loop3A_276 = tpu.memref_squeeze %parallel_loop3A_275 : memref<1x128x128xf32, #tpu.memory_space<vmem>> -> memref<128x128xf32, #tpu.memory_space<vmem>>
          %parallel_loop3A_277 = arith.index_cast %parallel_loop3A_272 : i32 to index
          %parallel_loop3A_278 = arith.constant 0 : index
          %parallel_loop3A_279 = tpu.vector_load %parallel_loop3A_276[%parallel_loop3A_277, %parallel_loop3A_278] {strides = array<i32>} : memref<128x128xf32, #tpu.memory_space<vmem>>, vector<1x16xf32>,
          %parallel_loop3A_280 = vector.shape_cast %parallel_loop3A_279 : vector<1x16xf32> to vector<16xf32>
          %parallel_loop3A_281 = arith.constant 0 : i32
          %parallel_loop3A_282 = arith.constant 0 : i32
          %parallel_loop3A_283 = tpu.memref_slice %arg4[%parallel_loop3A_270, %parallel_loop3A_281, %parallel_loop3A_282] : memref<2x128x128xf32, #tpu.memory_space<vmem>> -> memref<1x128x128xf32, #tpu.memory_space<vmem>>
          %parallel_loop3A_284 = tpu.memref_squeeze %parallel_loop3A_283 : memref<1x128x128xf32, #tpu.memory_space<vmem>> -> memref<128x128xf32, #tpu.memory_space<vmem>>
          %parallel_loop3A_285 = arith.index_cast %parallel_loop3A_272 : i32 to index
          %parallel_loop3A_286 = arith.constant 16 : index
          %parallel_loop3A_287 = tpu.vector_load %parallel_loop3A_284[%parallel_loop3A_285, %parallel_loop3A_286] {strides = array<i32>} : memref<128x128xf32, #tpu.memory_space<vmem>>, vector<1x16xf32>,
          %parallel_loop3A_288 = vector.shape_cast %parallel_loop3A_287 : vector<1x16xf32> to vector<16xf32>
          %parallel_loop3A_289 = arith.constant 0 : i32
          %parallel_loop3A_290 = arith.constant 0 : i32
          %parallel_loop3A_291 = tpu.memref_slice %arg4[%parallel_loop3A_270, %parallel_loop3A_289, %parallel_loop3A_290] : memref<2x128x128xf32, #tpu.memory_space<vmem>> -> memref<1x128x128xf32, #tpu.memory_space<vmem>>
          %parallel_loop3A_292 = tpu.memref_squeeze %parallel_loop3A_291 : memref<1x128x128xf32, #tpu.memory_space<vmem>> -> memref<128x128xf32, #tpu.memory_space<vmem>>
          %parallel_loop3A_293 = arith.index_cast %parallel_loop3A_272 : i32 to index
          %parallel_loop3A_294 = arith.constant 32 : index
          %parallel_loop3A_295 = tpu.vector_load %parallel_loop3A_292[%parallel_loop3A_293, %parallel_loop3A_294] {strides = array<i32>} : memref<128x128xf32, #tpu.memory_space<vmem>>, vector<1x16xf32>,
          %parallel_loop3A_296 = vector.shape_cast %parallel_loop3A_295 : vector<1x16xf32> to vector<16xf32>
          %parallel_loop3A_297 = arith.constant 0 : i32
          %parallel_loop3A_298 = arith.constant 0 : i32
          %parallel_loop3A_299 = tpu.memref_slice %arg4[%parallel_loop3A_270, %parallel_loop3A_297, %parallel_loop3A_298] : memref<2x128x128xf32, #tpu.memory_space<vmem>> -> memref<1x128x128xf32, #tpu.memory_space<vmem>>
          %parallel_loop3A_300 = tpu.memref_squeeze %parallel_loop3A_299 : memref<1x128x128xf32, #tpu.memory_space<vmem>> -> memref<128x128xf32, #tpu.memory_space<vmem>>
          %parallel_loop3A_301 = arith.index_cast %parallel_loop3A_272 : i32 to index
          %parallel_loop3A_302 = arith.constant 48 : index
          %parallel_loop3A_303 = tpu.vector_load %parallel_loop3A_300[%parallel_loop3A_301, %parallel_loop3A_302] {strides = array<i32>} : memref<128x128xf32, #tpu.memory_space<vmem>>, vector<1x16xf32>,
          %parallel_loop3A_304 = vector.shape_cast %parallel_loop3A_303 : vector<1x16xf32> to vector<16xf32>
          %parallel_loop3A_305 = arith.constant 0 : i32
          %parallel_loop3A_306 = arith.constant 0 : i32
          %parallel_loop3A_307 = tpu.memref_slice %arg4[%parallel_loop3A_270, %parallel_loop3A_305, %parallel_loop3A_306] : memref<2x128x128xf32, #tpu.memory_space<vmem>> -> memref<1x128x128xf32, #tpu.memory_space<vmem>>
          %parallel_loop3A_308 = tpu.memref_squeeze %parallel_loop3A_307 : memref<1x128x128xf32, #tpu.memory_space<vmem>> -> memref<128x128xf32, #tpu.memory_space<vmem>>
          %parallel_loop3A_309 = arith.index_cast %parallel_loop3A_272 : i32 to index
          %parallel_loop3A_310 = arith.constant 64 : index
          %parallel_loop3A_311 = tpu.vector_load %parallel_loop3A_308[%parallel_loop3A_309, %parallel_loop3A_310] {strides = array<i32>} : memref<128x128xf32, #tpu.memory_space<vmem>>, vector<1x16xf32>,
          %parallel_loop3A_312 = vector.shape_cast %parallel_loop3A_311 : vector<1x16xf32> to vector<16xf32>
          %parallel_loop3A_313 = arith.constant 0 : i32
          %parallel_loop3A_314 = arith.constant 0 : i32
          %parallel_loop3A_315 = tpu.memref_slice %arg4[%parallel_loop3A_270, %parallel_loop3A_313, %parallel_loop3A_314] : memref<2x128x128xf32, #tpu.memory_space<vmem>> -> memref<1x128x128xf32, #tpu.memory_space<vmem>>
          %parallel_loop3A_316 = tpu.memref_squeeze %parallel_loop3A_315 : memref<1x128x128xf32, #tpu.memory_space<vmem>> -> memref<128x128xf32, #tpu.memory_space<vmem>>
          %parallel_loop3A_317 = arith.index_cast %parallel_loop3A_272 : i32 to index
          %parallel_loop3A_318 = arith.constant 80 : index
          %parallel_loop3A_319 = tpu.vector_load %parallel_loop3A_316[%parallel_loop3A_317, %parallel_loop3A_318] {strides = array<i32>} : memref<128x128xf32, #tpu.memory_space<vmem>>, vector<1x16xf32>,
          %parallel_loop3A_320 = vector.shape_cast %parallel_loop3A_319 : vector<1x16xf32> to vector<16xf32>
          %parallel_loop3A_321 = arith.constant 0 : i32
          %parallel_loop3A_322 = arith.constant 0 : i32
          %parallel_loop3A_323 = tpu.memref_slice %arg4[%parallel_loop3A_270, %parallel_loop3A_321, %parallel_loop3A_322] : memref<2x128x128xf32, #tpu.memory_space<vmem>> -> memref<1x128x128xf32, #tpu.memory_space<vmem>>
          %parallel_loop3A_324 = tpu.memref_squeeze %parallel_loop3A_323 : memref<1x128x128xf32, #tpu.memory_space<vmem>> -> memref<128x128xf32, #tpu.memory_space<vmem>>
          %parallel_loop3A_325 = arith.index_cast %parallel_loop3A_272 : i32 to index
          %parallel_loop3A_326 = arith.constant 96 : index
          %parallel_loop3A_327 = tpu.vector_load %parallel_loop3A_324[%parallel_loop3A_325, %parallel_loop3A_326] {strides = array<i32>} : memref<128x128xf32, #tpu.memory_space<vmem>>, vector<1x16xf32>,
          %parallel_loop3A_328 = vector.shape_cast %parallel_loop3A_327 : vector<1x16xf32> to vector<16xf32>
          %parallel_loop3A_329 = arith.constant 0 : i32
          %parallel_loop3A_330 = arith.constant 0 : i32
          %parallel_loop3A_331 = tpu.memref_slice %arg4[%parallel_loop3A_270, %parallel_loop3A_329, %parallel_loop3A_330] : memref<2x128x128xf32, #tpu.memory_space<vmem>> -> memref<1x128x128xf32, #tpu.memory_space<vmem>>
          %parallel_loop3A_332 = tpu.memref_squeeze %parallel_loop3A_331 : memref<1x128x128xf32, #tpu.memory_space<vmem>> -> memref<128x128xf32, #tpu.memory_space<vmem>>
          %parallel_loop3A_333 = arith.index_cast %parallel_loop3A_272 : i32 to index
          %parallel_loop3A_334 = arith.constant 112 : index
          %parallel_loop3A_335 = tpu.vector_load %parallel_loop3A_332[%parallel_loop3A_333, %parallel_loop3A_334] {strides = array<i32>} : memref<128x128xf32, #tpu.memory_space<vmem>>, vector<1x16xf32>,
          %parallel_loop3A_336 = vector.shape_cast %parallel_loop3A_335 : vector<1x16xf32> to vector<16xf32>
          %parallel_loop3A_337 = arith.maximumf %parallel_loop3A_280, %parallel_loop3A_288 : vector<16xf32>
          %parallel_loop3A_338 = arith.maximumf %parallel_loop3A_337, %parallel_loop3A_296 : vector<16xf32>
          %parallel_loop3A_339 = arith.maximumf %parallel_loop3A_338, %parallel_loop3A_304 : vector<16xf32>
          %parallel_loop3A_340 = arith.maximumf %parallel_loop3A_339, %parallel_loop3A_312 : vector<16xf32>
          %parallel_loop3A_341 = arith.maximumf %parallel_loop3A_340, %parallel_loop3A_320 : vector<16xf32>
          %parallel_loop3A_342 = arith.maximumf %parallel_loop3A_341, %parallel_loop3A_328 : vector<16xf32>
          %parallel_loop3A_343 = arith.maximumf %parallel_loop3A_342, %parallel_loop3A_336 : vector<16xf32>
          %parallel_loop3A_344 = vector.shape_cast %xor3A_250 : vector<16xi32> to vector<16x1xi32>
          %parallel_loop3A_345 = vector.shape_cast %parallel_loop3A_344 : vector<16x1xi32> to vector<16xi32>
          %parallel_loop3A_346 = tpu.dynamic_gather %parallel_loop3A_343[%parallel_loop3A_345] in [0] : vector<16xf32>, vector<16xi32> -> vector<16xf32>
          %parallel_loop3A_347 = arith.maximumf %parallel_loop3A_343, %parallel_loop3A_346 : vector<16xf32>
          %parallel_loop3A_348 = vector.shape_cast %xor3A_253 : vector<16xi32> to vector<16x1xi32>
          %parallel_loop3A_349 = vector.shape_cast %parallel_loop3A_348 : vector<16x1xi32> to vector<16xi32>
          %parallel_loop3A_350 = tpu.dynamic_gather %parallel_loop3A_347[%parallel_loop3A_349] in [0] : vector<16xf32>, vector<16xi32> -> vector<16xf32>
          %parallel_loop3A_351 = arith.maximumf %parallel_loop3A_347, %parallel_loop3A_350 : vector<16xf32>
          %parallel_loop3A_352 = vector.shape_cast %xor3A_256 : vector<16xi32> to vector<16x1xi32>
          %parallel_loop3A_353 = vector.shape_cast %parallel_loop3A_352 : vector<16x1xi32> to vector<16xi32>
          %parallel_loop3A_354 = tpu.dynamic_gather %parallel_loop3A_351[%parallel_loop3A_353] in [0] : vector<16xf32>, vector<16xi32> -> vector<16xf32>
          %parallel_loop3A_355 = arith.maximumf %parallel_loop3A_351, %parallel_loop3A_354 : vector<16xf32>
          %parallel_loop3A_356 = vector.shape_cast %xor3A_259 : vector<16xi32> to vector<16x1xi32>
          %parallel_loop3A_357 = vector.shape_cast %parallel_loop3A_356 : vector<16x1xi32> to vector<16xi32>
          %parallel_loop3A_358 = tpu.dynamic_gather %parallel_loop3A_355[%parallel_loop3A_357] in [0] : vector<16xf32>, vector<16xi32> -> vector<16xf32>
          %parallel_loop3A_359 = arith.maximumf %parallel_loop3A_355, %parallel_loop3A_358 : vector<16xf32>
          %parallel_loop3A_360 = arith.cmpf oeq, %parallel_loop3A_280, %parallel_loop3A_359 : vector<16xf32>
          %parallel_loop3A_361 = arith.select %parallel_loop3A_360, %convert_element_type3A_260, %broadcast_in_dim3A_266 : vector<16xi1>, vector<16xf32>
          %parallel_loop3A_362 = arith.cmpf oeq, %parallel_loop3A_288, %parallel_loop3A_359 : vector<16xf32>
          %parallel_loop3A_363 = arith.constant 1.600000e+01 : f32
          %parallel_loop3A_364 = vector.broadcast %parallel_loop3A_363 : f32 to vector<16xf32>
          %parallel_loop3A_365 = arith.addf %convert_element_type3A_260, %parallel_loop3A_364 : vector<16xf32>
          %parallel_loop3A_366 = arith.select %parallel_loop3A_362, %parallel_loop3A_365, %broadcast_in_dim3A_266 : vector<16xi1>, vector<16xf32>
          %parallel_loop3A_367 = arith.minimumf %parallel_loop3A_361, %parallel_loop3A_366 : vector<16xf32>
          %parallel_loop3A_368 = arith.cmpf oeq, %parallel_loop3A_296, %parallel_loop3A_359 : vector<16xf32>
          %parallel_loop3A_369 = arith.constant 3.200000e+01 : f32
          %parallel_loop3A_370 = vector.broadcast %parallel_loop3A_369 : f32 to vector<16xf32>
          %parallel_loop3A_371 = arith.addf %convert_element_type3A_260, %parallel_loop3A_370 : vector<16xf32>
          %parallel_loop3A_372 = arith.select %parallel_loop3A_368, %parallel_loop3A_371, %broadcast_in_dim3A_266 : vector<16xi1>, vector<16xf32>
          %parallel_loop3A_373 = arith.minimumf %parallel_loop3A_367, %parallel_loop3A_372 : vector<16xf32>
          %parallel_loop3A_374 = arith.cmpf oeq, %parallel_loop3A_304, %parallel_loop3A_359 : vector<16xf32>
          %parallel_loop3A_375 = arith.constant 4.800000e+01 : f32
          %parallel_loop3A_376 = vector.broadcast %parallel_loop3A_375 : f32 to vector<16xf32>
          %parallel_loop3A_377 = arith.addf %convert_element_type3A_260, %parallel_loop3A_376 : vector<16xf32>
          %parallel_loop3A_378 = arith.select %parallel_loop3A_374, %parallel_loop3A_377, %broadcast_in_dim3A_266 : vector<16xi1>, vector<16xf32>
          %parallel_loop3A_379 = arith.minimumf %parallel_loop3A_373, %parallel_loop3A_378 : vector<16xf32>
          %parallel_loop3A_380 = arith.cmpf oeq, %parallel_loop3A_312, %parallel_loop3A_359 : vector<16xf32>
          %parallel_loop3A_381 = arith.constant 6.400000e+01 : f32
          %parallel_loop3A_382 = vector.broadcast %parallel_loop3A_381 : f32 to vector<16xf32>
          %parallel_loop3A_383 = arith.addf %convert_element_type3A_260, %parallel_loop3A_382 : vector<16xf32>
          %parallel_loop3A_384 = arith.select %parallel_loop3A_380, %parallel_loop3A_383, %broadcast_in_dim3A_266 : vector<16xi1>, vector<16xf32>
          %parallel_loop3A_385 = arith.minimumf %parallel_loop3A_379, %parallel_loop3A_384 : vector<16xf32>
          %parallel_loop3A_386 = arith.cmpf oeq, %parallel_loop3A_320, %parallel_loop3A_359 : vector<16xf32>
          %parallel_loop3A_387 = arith.constant 8.000000e+01 : f32
          %parallel_loop3A_388 = vector.broadcast %parallel_loop3A_387 : f32 to vector<16xf32>
          %parallel_loop3A_389 = arith.addf %convert_element_type3A_260, %parallel_loop3A_388 : vector<16xf32>
          %parallel_loop3A_390 = arith.select %parallel_loop3A_386, %parallel_loop3A_389, %broadcast_in_dim3A_266 : vector<16xi1>, vector<16xf32>
          %parallel_loop3A_391 = arith.minimumf %parallel_loop3A_385, %parallel_loop3A_390 : vector<16xf32>
          %parallel_loop3A_392 = arith.cmpf oeq, %parallel_loop3A_328, %parallel_loop3A_359 : vector<16xf32>
          %parallel_loop3A_393 = arith.constant 9.600000e+01 : f32
          %parallel_loop3A_394 = vector.broadcast %parallel_loop3A_393 : f32 to vector<16xf32>
          %parallel_loop3A_395 = arith.addf %convert_element_type3A_260, %parallel_loop3A_394 : vector<16xf32>
          %parallel_loop3A_396 = arith.select %parallel_loop3A_392, %parallel_loop3A_395, %broadcast_in_dim3A_266 : vector<16xi1>, vector<16xf32>
          %parallel_loop3A_397 = arith.minimumf %parallel_loop3A_391, %parallel_loop3A_396 : vector<16xf32>
          %parallel_loop3A_398 = arith.cmpf oeq, %parallel_loop3A_336, %parallel_loop3A_359 : vector<16xf32>
          %parallel_loop3A_399 = arith.constant 1.120000e+02 : f32
          %parallel_loop3A_400 = vector.broadcast %parallel_loop3A_399 : f32 to vector<16xf32>
          %parallel_loop3A_401 = arith.addf %convert_element_type3A_260, %parallel_loop3A_400 : vector<16xf32>
          %parallel_loop3A_402 = arith.select %parallel_loop3A_398, %parallel_loop3A_401, %broadcast_in_dim3A_266 : vector<16xi1>, vector<16xf32>
          %parallel_loop3A_403 = arith.minimumf %parallel_loop3A_397, %parallel_loop3A_402 : vector<16xf32>
          %parallel_loop3A_404 = vector.shape_cast %xor3A_250 : vector<16xi32> to vector<16x1xi32>
          %parallel_loop3A_405 = vector.shape_cast %parallel_loop3A_404 : vector<16x1xi32> to vector<16xi32>
          %parallel_loop3A_406 = tpu.dynamic_gather %parallel_loop3A_403[%parallel_loop3A_405] in [0] : vector<16xf32>, vector<16xi32> -> vector<16xf32>
          %parallel_loop3A_407 = arith.minimumf %parallel_loop3A_403, %parallel_loop3A_406 : vector<16xf32>
          %parallel_loop3A_408 = vector.shape_cast %xor3A_253 : vector<16xi32> to vector<16x1xi32>
          %parallel_loop3A_409 = vector.shape_cast %parallel_loop3A_408 : vector<16x1xi32> to vector<16xi32>
          %parallel_loop3A_410 = tpu.dynamic_gather %parallel_loop3A_407[%parallel_loop3A_409] in [0] : vector<16xf32>, vector<16xi32> -> vector<16xf32>
          %parallel_loop3A_411 = arith.minimumf %parallel_loop3A_407, %parallel_loop3A_410 : vector<16xf32>
          %parallel_loop3A_412 = vector.shape_cast %xor3A_256 : vector<16xi32> to vector<16x1xi32>
          %parallel_loop3A_413 = vector.shape_cast %parallel_loop3A_412 : vector<16x1xi32> to vector<16xi32>
          %parallel_loop3A_414 = tpu.dynamic_gather %parallel_loop3A_411[%parallel_loop3A_413] in [0] : vector<16xf32>, vector<16xi32> -> vector<16xf32>
          %parallel_loop3A_415 = arith.minimumf %parallel_loop3A_411, %parallel_loop3A_414 : vector<16xf32>
          %parallel_loop3A_416 = vector.shape_cast %xor3A_259 : vector<16xi32> to vector<16x1xi32>
          %parallel_loop3A_417 = vector.shape_cast %parallel_loop3A_416 : vector<16x1xi32> to vector<16xi32>
          %parallel_loop3A_418 = tpu.dynamic_gather %parallel_loop3A_415[%parallel_loop3A_417] in [0] : vector<16xf32>, vector<16xi32> -> vector<16xf32>
          %parallel_loop3A_419 = arith.minimumf %parallel_loop3A_415, %parallel_loop3A_418 : vector<16xf32>
          %parallel_loop3A_420 = arith.constant 0.000000e+00 : f32
          %parallel_loop3A_421 = vector.broadcast %parallel_loop3A_420 : f32 to vector<16xf32>
          %parallel_loop3A_422 = arith.addf %convert_element_type3A_260, %parallel_loop3A_421 : vector<16xf32>
          %parallel_loop3A_423 = arith.cmpf oeq, %parallel_loop3A_422, %parallel_loop3A_419 : vector<16xf32>
          %parallel_loop3A_424 = arith.select %parallel_loop3A_423, %broadcast_in_dim3A_262, %broadcast_in_dim3A_264 : vector<16xi1>, vector<16xf32>
          %parallel_loop3A_425 = arith.constant 0 : i32
          %parallel_loop3A_426 = arith.constant 0 : i32
          %parallel_loop3A_427 = tpu.memref_slice %arg5[%parallel_loop3A_271, %parallel_loop3A_425, %parallel_loop3A_426] : memref<2x128x128xf32, #tpu.memory_space<vmem>> -> memref<1x128x128xf32, #tpu.memory_space<vmem>>
          %parallel_loop3A_428 = tpu.memref_squeeze %parallel_loop3A_427 : memref<1x128x128xf32, #tpu.memory_space<vmem>> -> memref<128x128xf32, #tpu.memory_space<vmem>>
          %parallel_loop3A_429 = arith.index_cast %parallel_loop3A_272 : i32 to index
          %parallel_loop3A_430 = arith.constant 0 : index
          %parallel_loop3A_431 = tpu.vector_load %parallel_loop3A_428[%parallel_loop3A_429, %parallel_loop3A_430] {strides = array<i32>} : memref<128x128xf32, #tpu.memory_space<vmem>>, vector<1x16xf32>,
          %parallel_loop3A_432 = vector.shape_cast %parallel_loop3A_431 : vector<1x16xf32> to vector<16xf32>
          %parallel_loop3A_433 = vector.shape_cast %parallel_loop3A_424 : vector<16xf32> to vector<1x16xf32>
          tpu.vector_store %parallel_loop3A_428[%parallel_loop3A_429, %parallel_loop3A_430], %parallel_loop3A_433 {strides = array<i32>} : memref<128x128xf32, #tpu.memory_space<vmem>>, vector<1x16xf32>,
          %parallel_loop3A_434 = arith.constant 1.600000e+01 : f32
          %parallel_loop3A_435 = vector.broadcast %parallel_loop3A_434 : f32 to vector<16xf32>
          %parallel_loop3A_436 = arith.addf %convert_element_type3A_260, %parallel_loop3A_435 : vector<16xf32>
          %parallel_loop3A_437 = arith.cmpf oeq, %parallel_loop3A_436, %parallel_loop3A_419 : vector<16xf32>
          %parallel_loop3A_438 = arith.select %parallel_loop3A_437, %broadcast_in_dim3A_262, %broadcast_in_dim3A_264 : vector<16xi1>, vector<16xf32>
          %parallel_loop3A_439 = arith.constant 0 : i32
          %parallel_loop3A_440 = arith.constant 0 : i32
          %parallel_loop3A_441 = tpu.memref_slice %arg5[%parallel_loop3A_271, %parallel_loop3A_439, %parallel_loop3A_440] : memref<2x128x128xf32, #tpu.memory_space<vmem>> -> memref<1x128x128xf32, #tpu.memory_space<vmem>>
          %parallel_loop3A_442 = tpu.memref_squeeze %parallel_loop3A_441 : memref<1x128x128xf32, #tpu.memory_space<vmem>> -> memref<128x128xf32, #tpu.memory_space<vmem>>
          %parallel_loop3A_443 = arith.index_cast %parallel_loop3A_272 : i32 to index
          %parallel_loop3A_444 = arith.constant 16 : index
          %parallel_loop3A_445 = tpu.vector_load %parallel_loop3A_442[%parallel_loop3A_443, %parallel_loop3A_444] {strides = array<i32>} : memref<128x128xf32, #tpu.memory_space<vmem>>, vector<1x16xf32>,
          %parallel_loop3A_446 = vector.shape_cast %parallel_loop3A_445 : vector<1x16xf32> to vector<16xf32>
          %parallel_loop3A_447 = vector.shape_cast %parallel_loop3A_438 : vector<16xf32> to vector<1x16xf32>
          tpu.vector_store %parallel_loop3A_442[%parallel_loop3A_443, %parallel_loop3A_444], %parallel_loop3A_447 {strides = array<i32>} : memref<128x128xf32, #tpu.memory_space<vmem>>, vector<1x16xf32>,
          %parallel_loop3A_448 = arith.constant 3.200000e+01 : f32
          %parallel_loop3A_449 = vector.broadcast %parallel_loop3A_448 : f32 to vector<16xf32>
          %parallel_loop3A_450 = arith.addf %convert_element_type3A_260, %parallel_loop3A_449 : vector<16xf32>
          %parallel_loop3A_451 = arith.cmpf oeq, %parallel_loop3A_450, %parallel_loop3A_419 : vector<16xf32>
          %parallel_loop3A_452 = arith.select %parallel_loop3A_451, %broadcast_in_dim3A_262, %broadcast_in_dim3A_264 : vector<16xi1>, vector<16xf32>
          %parallel_loop3A_453 = arith.constant 0 : i32
          %parallel_loop3A_454 = arith.constant 0 : i32
          %parallel_loop3A_455 = tpu.memref_slice %arg5[%parallel_loop3A_271, %parallel_loop3A_453, %parallel_loop3A_454] : memref<2x128x128xf32, #tpu.memory_space<vmem>> -> memref<1x128x128xf32, #tpu.memory_space<vmem>>
          %parallel_loop3A_456 = tpu.memref_squeeze %parallel_loop3A_455 : memref<1x128x128xf32, #tpu.memory_space<vmem>> -> memref<128x128xf32, #tpu.memory_space<vmem>>
          %parallel_loop3A_457 = arith.index_cast %parallel_loop3A_272 : i32 to index
          %parallel_loop3A_458 = arith.constant 32 : index
          %parallel_loop3A_459 = tpu.vector_load %parallel_loop3A_456[%parallel_loop3A_457, %parallel_loop3A_458] {strides = array<i32>} : memref<128x128xf32, #tpu.memory_space<vmem>>, vector<1x16xf32>,
          %parallel_loop3A_460 = vector.shape_cast %parallel_loop3A_459 : vector<1x16xf32> to vector<16xf32>
          %parallel_loop3A_461 = vector.shape_cast %parallel_loop3A_452 : vector<16xf32> to vector<1x16xf32>
          tpu.vector_store %parallel_loop3A_456[%parallel_loop3A_457, %parallel_loop3A_458], %parallel_loop3A_461 {strides = array<i32>} : memref<128x128xf32, #tpu.memory_space<vmem>>, vector<1x16xf32>,
          %parallel_loop3A_462 = arith.constant 4.800000e+01 : f32
          %parallel_loop3A_463 = vector.broadcast %parallel_loop3A_462 : f32 to vector<16xf32>
          %parallel_loop3A_464 = arith.addf %convert_element_type3A_260, %parallel_loop3A_463 : vector<16xf32>
          %parallel_loop3A_465 = arith.cmpf oeq, %parallel_loop3A_464, %parallel_loop3A_419 : vector<16xf32>
          %parallel_loop3A_466 = arith.select %parallel_loop3A_465, %broadcast_in_dim3A_262, %broadcast_in_dim3A_264 : vector<16xi1>, vector<16xf32>
          %parallel_loop3A_467 = arith.constant 0 : i32
          %parallel_loop3A_468 = arith.constant 0 : i32
          %parallel_loop3A_469 = tpu.memref_slice %arg5[%parallel_loop3A_271, %parallel_loop3A_467, %parallel_loop3A_468] : memref<2x128x128xf32, #tpu.memory_space<vmem>> -> memref<1x128x128xf32, #tpu.memory_space<vmem>>
          %parallel_loop3A_470 = tpu.memref_squeeze %parallel_loop3A_469 : memref<1x128x128xf32, #tpu.memory_space<vmem>> -> memref<128x128xf32, #tpu.memory_space<vmem>>
          %parallel_loop3A_471 = arith.index_cast %parallel_loop3A_272 : i32 to index
          %parallel_loop3A_472 = arith.constant 48 : index
          %parallel_loop3A_473 = tpu.vector_load %parallel_loop3A_470[%parallel_loop3A_471, %parallel_loop3A_472] {strides = array<i32>} : memref<128x128xf32, #tpu.memory_space<vmem>>, vector<1x16xf32>,
          %parallel_loop3A_474 = vector.shape_cast %parallel_loop3A_473 : vector<1x16xf32> to vector<16xf32>
          %parallel_loop3A_475 = vector.shape_cast %parallel_loop3A_466 : vector<16xf32> to vector<1x16xf32>
          tpu.vector_store %parallel_loop3A_470[%parallel_loop3A_471, %parallel_loop3A_472], %parallel_loop3A_475 {strides = array<i32>} : memref<128x128xf32, #tpu.memory_space<vmem>>, vector<1x16xf32>,
          %parallel_loop3A_476 = arith.constant 6.400000e+01 : f32
          %parallel_loop3A_477 = vector.broadcast %parallel_loop3A_476 : f32 to vector<16xf32>
          %parallel_loop3A_478 = arith.addf %convert_element_type3A_260, %parallel_loop3A_477 : vector<16xf32>
          %parallel_loop3A_479 = arith.cmpf oeq, %parallel_loop3A_478, %parallel_loop3A_419 : vector<16xf32>
          %parallel_loop3A_480 = arith.select %parallel_loop3A_479, %broadcast_in_dim3A_262, %broadcast_in_dim3A_264 : vector<16xi1>, vector<16xf32>
          %parallel_loop3A_481 = arith.constant 0 : i32
          %parallel_loop3A_482 = arith.constant 0 : i32
          %parallel_loop3A_483 = tpu.memref_slice %arg5[%parallel_loop3A_271, %parallel_loop3A_481, %parallel_loop3A_482] : memref<2x128x128xf32, #tpu.memory_space<vmem>> -> memref<1x128x128xf32, #tpu.memory_space<vmem>>
          %parallel_loop3A_484 = tpu.memref_squeeze %parallel_loop3A_483 : memref<1x128x128xf32, #tpu.memory_space<vmem>> -> memref<128x128xf32, #tpu.memory_space<vmem>>
          %parallel_loop3A_485 = arith.index_cast %parallel_loop3A_272 : i32 to index
          %parallel_loop3A_486 = arith.constant 64 : index
          %parallel_loop3A_487 = tpu.vector_load %parallel_loop3A_484[%parallel_loop3A_485, %parallel_loop3A_486] {strides = array<i32>} : memref<128x128xf32, #tpu.memory_space<vmem>>, vector<1x16xf32>,
          %parallel_loop3A_488 = vector.shape_cast %parallel_loop3A_487 : vector<1x16xf32> to vector<16xf32>
          %parallel_loop3A_489 = vector.shape_cast %parallel_loop3A_480 : vector<16xf32> to vector<1x16xf32>
          tpu.vector_store %parallel_loop3A_484[%parallel_loop3A_485, %parallel_loop3A_486], %parallel_loop3A_489 {strides = array<i32>} : memref<128x128xf32, #tpu.memory_space<vmem>>, vector<1x16xf32>,
          %parallel_loop3A_490 = arith.constant 8.000000e+01 : f32
          %parallel_loop3A_491 = vector.broadcast %parallel_loop3A_490 : f32 to vector<16xf32>
          %parallel_loop3A_492 = arith.addf %convert_element_type3A_260, %parallel_loop3A_491 : vector<16xf32>
          %parallel_loop3A_493 = arith.cmpf oeq, %parallel_loop3A_492, %parallel_loop3A_419 : vector<16xf32>
          %parallel_loop3A_494 = arith.select %parallel_loop3A_493, %broadcast_in_dim3A_262, %broadcast_in_dim3A_264 : vector<16xi1>, vector<16xf32>
          %parallel_loop3A_495 = arith.constant 0 : i32
          %parallel_loop3A_496 = arith.constant 0 : i32
          %parallel_loop3A_497 = tpu.memref_slice %arg5[%parallel_loop3A_271, %parallel_loop3A_495, %parallel_loop3A_496] : memref<2x128x128xf32, #tpu.memory_space<vmem>> -> memref<1x128x128xf32, #tpu.memory_space<vmem>>
          %parallel_loop3A_498 = tpu.memref_squeeze %parallel_loop3A_497 : memref<1x128x128xf32, #tpu.memory_space<vmem>> -> memref<128x128xf32, #tpu.memory_space<vmem>>
          %parallel_loop3A_499 = arith.index_cast %parallel_loop3A_272 : i32 to index
          %parallel_loop3A_500 = arith.constant 80 : index
          %parallel_loop3A_501 = tpu.vector_load %parallel_loop3A_498[%parallel_loop3A_499, %parallel_loop3A_500] {strides = array<i32>} : memref<128x128xf32, #tpu.memory_space<vmem>>, vector<1x16xf32>,
          %parallel_loop3A_502 = vector.shape_cast %parallel_loop3A_501 : vector<1x16xf32> to vector<16xf32>
          %parallel_loop3A_503 = vector.shape_cast %parallel_loop3A_494 : vector<16xf32> to vector<1x16xf32>
          tpu.vector_store %parallel_loop3A_498[%parallel_loop3A_499, %parallel_loop3A_500], %parallel_loop3A_503 {strides = array<i32>} : memref<128x128xf32, #tpu.memory_space<vmem>>, vector<1x16xf32>,
          %parallel_loop3A_504 = arith.constant 9.600000e+01 : f32
          %parallel_loop3A_505 = vector.broadcast %parallel_loop3A_504 : f32 to vector<16xf32>
          %parallel_loop3A_506 = arith.addf %convert_element_type3A_260, %parallel_loop3A_505 : vector<16xf32>
          %parallel_loop3A_507 = arith.cmpf oeq, %parallel_loop3A_506, %parallel_loop3A_419 : vector<16xf32>
          %parallel_loop3A_508 = arith.select %parallel_loop3A_507, %broadcast_in_dim3A_262, %broadcast_in_dim3A_264 : vector<16xi1>, vector<16xf32>
          %parallel_loop3A_509 = arith.constant 0 : i32
          %parallel_loop3A_510 = arith.constant 0 : i32
          %parallel_loop3A_511 = tpu.memref_slice %arg5[%parallel_loop3A_271, %parallel_loop3A_509, %parallel_loop3A_510] : memref<2x128x128xf32, #tpu.memory_space<vmem>> -> memref<1x128x128xf32, #tpu.memory_space<vmem>>
          %parallel_loop3A_512 = tpu.memref_squeeze %parallel_loop3A_511 : memref<1x128x128xf32, #tpu.memory_space<vmem>> -> memref<128x128xf32, #tpu.memory_space<vmem>>
          %parallel_loop3A_513 = arith.index_cast %parallel_loop3A_272 : i32 to index
          %parallel_loop3A_514 = arith.constant 96 : index
          %parallel_loop3A_515 = tpu.vector_load %parallel_loop3A_512[%parallel_loop3A_513, %parallel_loop3A_514] {strides = array<i32>} : memref<128x128xf32, #tpu.memory_space<vmem>>, vector<1x16xf32>,
          %parallel_loop3A_516 = vector.shape_cast %parallel_loop3A_515 : vector<1x16xf32> to vector<16xf32>
          %parallel_loop3A_517 = vector.shape_cast %parallel_loop3A_508 : vector<16xf32> to vector<1x16xf32>
          tpu.vector_store %parallel_loop3A_512[%parallel_loop3A_513, %parallel_loop3A_514], %parallel_loop3A_517 {strides = array<i32>} : memref<128x128xf32, #tpu.memory_space<vmem>>, vector<1x16xf32>,
          %parallel_loop3A_518 = arith.constant 1.120000e+02 : f32
          %parallel_loop3A_519 = vector.broadcast %parallel_loop3A_518 : f32 to vector<16xf32>
          %parallel_loop3A_520 = arith.addf %convert_element_type3A_260, %parallel_loop3A_519 : vector<16xf32>
          %parallel_loop3A_521 = arith.cmpf oeq, %parallel_loop3A_520, %parallel_loop3A_419 : vector<16xf32>
          %parallel_loop3A_522 = arith.select %parallel_loop3A_521, %broadcast_in_dim3A_262, %broadcast_in_dim3A_264 : vector<16xi1>, vector<16xf32>
          %parallel_loop3A_523 = arith.constant 0 : i32
          %parallel_loop3A_524 = arith.constant 0 : i32
          %parallel_loop3A_525 = tpu.memref_slice %arg5[%parallel_loop3A_271, %parallel_loop3A_523, %parallel_loop3A_524] : memref<2x128x128xf32, #tpu.memory_space<vmem>> -> memref<1x128x128xf32, #tpu.memory_space<vmem>>
          %parallel_loop3A_526 = tpu.memref_squeeze %parallel_loop3A_525 : memref<1x128x128xf32, #tpu.memory_space<vmem>> -> memref<128x128xf32, #tpu.memory_space<vmem>>
          %parallel_loop3A_527 = arith.index_cast %parallel_loop3A_272 : i32 to index
          %parallel_loop3A_528 = arith.constant 112 : index
          %parallel_loop3A_529 = tpu.vector_load %parallel_loop3A_526[%parallel_loop3A_527, %parallel_loop3A_528] {strides = array<i32>} : memref<128x128xf32, #tpu.memory_space<vmem>>, vector<1x16xf32>,
          %parallel_loop3A_530 = vector.shape_cast %parallel_loop3A_529 : vector<1x16xf32> to vector<16xf32>
          %parallel_loop3A_531 = vector.shape_cast %parallel_loop3A_522 : vector<16xf32> to vector<1x16xf32>
          tpu.vector_store %parallel_loop3A_526[%parallel_loop3A_527, %parallel_loop3A_528], %parallel_loop3A_531 {strides = array<i32>} : memref<128x128xf32, #tpu.memory_space<vmem>>, vector<1x16xf32>,
        } {sc.loop_unroll_factor = 1 : i64, sc.parallel_access}
      } else {
      }
      %mul3A_224 = arith.constant 128 : i32
      %mul3A_225 = arith.muli %add3A_154, %mul3A_224 : i32
      %add3A_226 = arith.addi %mul3A_2, %mul3A_225 : i32
      %dma_start3A_227 = arith.constant 1 : i32
      %dma_start3A_228 = arith.constant 0 : i32
      %dma_start3A_229 = arith.constant 0 : i32
      %dma_start3A_230 = tpu.memref_slice %arg5[%dma_start3A_227, %dma_start3A_228, %dma_start3A_229] : memref<2x128x128xf32, #tpu.memory_space<vmem>> -> memref<1x128x128xf32, #tpu.memory_space<vmem>>
      %dma_start3A_231 = tpu.memref_squeeze %dma_start3A_230 : memref<1x128x128xf32, #tpu.memory_space<vmem>> -> memref<128x128xf32, #tpu.memory_space<vmem>>
      %dma_start3A_232 = arith.constant 0 : i32
      %dma_start3A_233 = tpu.memref_slice %arg3[%add3A_226, %dma_start3A_232] : memref<16384x128xf32, #tpu.memory_space<hbm>> -> memref<128x128xf32, #tpu.memory_space<hbm>>
      %dma_start3A_234 = arith.constant 0 : i32
      %dma_start3A_235 = tpu.memref_slice %arg3[%add3A_226, %dma_start3A_234] : memref<16384x128xf32, #tpu.memory_space<hbm>> -> memref<128x128xf32, #tpu.memory_space<hbm>>
      %dma_start3A_236 = arith.constant 0 : i32
      %dma_start3A_237 = arith.constant 0 : i32
      %dma_start3A_238 = tpu.memref_slice %arg5[%dma_start3A_227, %dma_start3A_236, %dma_start3A_237] : memref<2x128x128xf32, #tpu.memory_space<vmem>> -> memref<1x128x128xf32, #tpu.memory_space<vmem>>
      %dma_start3A_239 = tpu.memref_squeeze %dma_start3A_238 : memref<1x128x128xf32, #tpu.memory_space<vmem>> -> memref<128x128xf32, #tpu.memory_space<vmem>>
      tpu.enqueue_dma source(%dma_start3A_239 : memref<128x128xf32, #tpu.memory_space<vmem>>) target(%dma_start3A_235 : memref<128x128xf32, #tpu.memory_space<hbm>>) target_semaphore(%arg9 : memref<!tpu.dma_semaphore, #tpu.memory_space<semaphore_mem>>)
      %add3A_240 = arith.constant 1 : i32
      %add3A_241 = arith.addi %scan3A_66, %add3A_240 : i32
      %lt3A_242 = arith.constant 2 : i32
      %lt3A_243 = arith.cmpi slt, %add3A_241, %lt3A_242 : i32
      %convert_element_type3A_244 = arith.extui %lt3A_243 : i1 to i32
      %cond3A_245 = arith.constant 0 : i32
      %cond3A_246 = arith.cmpi ne, %convert_element_type3A_244, %cond3A_245 : i32
      scf.if %cond3A_246 {
        %add3A_247 = arith.constant 2 : i32
        %add3A_248 = arith.addi %add3A_154, %add3A_247 : i32
        %mul3A_249 = arith.constant 128 : i32
        %mul3A_250 = arith.muli %add3A_248, %mul3A_249 : i32
        %add3A_251 = arith.addi %mul3A_2, %mul3A_250 : i32
        %dma_start3A_252 = arith.constant 1 : i32
        %dma_start3A_253 = arith.constant 0 : i32
        %dma_start3A_254 = arith.constant 0 : i32
        %dma_start3A_255 = tpu.memref_slice %arg4[%dma_start3A_252, %dma_start3A_253, %dma_start3A_254] : memref<2x128x128xf32, #tpu.memory_space<vmem>> -> memref<1x128x128xf32, #tpu.memory_space<vmem>>
        %dma_start3A_256 = tpu.memref_squeeze %dma_start3A_255 : memref<1x128x128xf32, #tpu.memory_space<vmem>> -> memref<128x128xf32, #tpu.memory_space<vmem>>
        %dma_start3A_257 = arith.constant 0 : i32
        %dma_start3A_258 = tpu.memref_slice %arg2[%add3A_251, %dma_start3A_257] : memref<16384x128xf32, #tpu.memory_space<hbm>> -> memref<128x128xf32, #tpu.memory_space<hbm>>
        %dma_start3A_259 = arith.constant 0 : i32
        %dma_start3A_260 = arith.constant 0 : i32
        %dma_start3A_261 = tpu.memref_slice %arg4[%dma_start3A_252, %dma_start3A_259, %dma_start3A_260] : memref<2x128x128xf32, #tpu.memory_space<vmem>> -> memref<1x128x128xf32, #tpu.memory_space<vmem>>
        %dma_start3A_262 = tpu.memref_squeeze %dma_start3A_261 : memref<1x128x128xf32, #tpu.memory_space<vmem>> -> memref<128x128xf32, #tpu.memory_space<vmem>>
        %dma_start3A_263 = arith.constant 0 : i32
        %dma_start3A_264 = tpu.memref_slice %arg2[%add3A_251, %dma_start3A_263] : memref<16384x128xf32, #tpu.memory_space<hbm>> -> memref<128x128xf32, #tpu.memory_space<hbm>>
        tpu.enqueue_dma source(%dma_start3A_264 : memref<128x128xf32, #tpu.memory_space<hbm>>) target(%dma_start3A_262 : memref<128x128xf32, #tpu.memory_space<vmem>>) target_semaphore(%arg7 : memref<!tpu.dma_semaphore, #tpu.memory_space<semaphore_mem>>)
      } else {
      }
    }
    %scan3A_36 = arith.constant 2 : i32
    %add3A_37 = arith.constant 0 : i32
    %add3A_38 = arith.addi %mul3A_2, %add3A_37 : i32
    %dma_wait3A = arith.constant 0 : i32
    %dma_wait3A_39 = arith.constant 0 : i32
    %dma_wait3A_40 = arith.constant 0 : i32
    %dma_wait3A_41 = tpu.memref_slice %arg5[%dma_wait3A, %dma_wait3A_39, %dma_wait3A_40] : memref<2x128x128xf32, #tpu.memory_space<vmem>> -> memref<1x128x128xf32, #tpu.memory_space<vmem>>
    %dma_wait3A_42 = tpu.memref_squeeze %dma_wait3A_41 : memref<1x128x128xf32, #tpu.memory_space<vmem>> -> memref<128x128xf32, #tpu.memory_space<vmem>>
    %dma_wait3A_43 = arith.constant 0 : i32
    %dma_wait3A_44 = tpu.memref_slice %arg3[%add3A_38, %dma_wait3A_43] : memref<16384x128xf32, #tpu.memory_space<hbm>> -> memref<128x128xf32, #tpu.memory_space<hbm>>
    %dma_wait3A_45 = arith.constant 0 : i32
    %dma_wait3A_46 = tpu.memref_slice %arg3[%add3A_38, %dma_wait3A_45] : memref<16384x128xf32, #tpu.memory_space<hbm>> -> memref<128x128xf32, #tpu.memory_space<hbm>>
    %dma_wait3A_47 = arith.constant 0 : i32
    %dma_wait3A_48 = arith.constant 0 : i32
    %dma_wait3A_49 = tpu.memref_slice %arg5[%dma_wait3A, %dma_wait3A_47, %dma_wait3A_48] : memref<2x128x128xf32, #tpu.memory_space<vmem>> -> memref<1x128x128xf32, #tpu.memory_space<vmem>>
    %dma_wait3A_50 = tpu.memref_squeeze %dma_wait3A_49 : memref<1x128x128xf32, #tpu.memory_space<vmem>> -> memref<128x128xf32, #tpu.memory_space<vmem>>
    tpu.wait_dma2 semaphore(%arg8 : memref<!tpu.dma_semaphore, #tpu.memory_space<semaphore_mem>>) src(%dma_wait3A_50 : memref<128x128xf32, #tpu.memory_space<vmem>>) dst(%dma_wait3A_46 : memref<128x128xf32, #tpu.memory_space<hbm>>)
    %add3A_51 = arith.constant 128 : i32
    %add3A_52 = arith.addi %mul3A_2, %add3A_51 : i32
    %dma_wait3A_53 = arith.constant 1 : i32
    %dma_wait3A_54 = arith.constant 0 : i32
    %dma_wait3A_55 = arith.constant 0 : i32
    %dma_wait3A_56 = tpu.memref_slice %arg5[%dma_wait3A_53, %dma_wait3A_54, %dma_wait3A_55] : memref<2x128x128xf32, #tpu.memory_space<vmem>> -> memref<1x128x128xf32, #tpu.memory_space<vmem>>
    %dma_wait3A_57 = tpu.memref_squeeze %dma_wait3A_56 : memref<1x128x128xf32, #tpu.memory_space<vmem>> -> memref<128x128xf32, #tpu.memory_space<vmem>>
    %dma_wait3A_58 = arith.constant 0 : i32
    %dma_wait3A_59 = tpu.memref_slice %arg3[%add3A_52, %dma_wait3A_58] : memref<16384x128xf32, #tpu.memory_space<hbm>> -> memref<128x128xf32, #tpu.memory_space<hbm>>
    %dma_wait3A_60 = arith.constant 0 : i32
    %dma_wait3A_61 = tpu.memref_slice %arg3[%add3A_52, %dma_wait3A_60] : memref<16384x128xf32, #tpu.memory_space<hbm>> -> memref<128x128xf32, #tpu.memory_space<hbm>>
    %dma_wait3A_62 = arith.constant 0 : i32
    %dma_wait3A_63 = arith.constant 0 : i32
    %dma_wait3A_64 = tpu.memref_slice %arg5[%dma_wait3A_53, %dma_wait3A_62, %dma_wait3A_63] : memref<2x128x128xf32, #tpu.memory_space<vmem>> -> memref<1x128x128xf32, #tpu.memory_space<vmem>>
    %dma_wait3A_65 = tpu.memref_squeeze %dma_wait3A_64 : memref<1x128x128xf32, #tpu.memory_space<vmem>> -> memref<128x128xf32, #tpu.memory_space<vmem>>
    tpu.wait_dma2 semaphore(%arg9 : memref<!tpu.dma_semaphore, #tpu.memory_space<semaphore_mem>>) src(%dma_wait3A_65 : memref<128x128xf32, #tpu.memory_space<vmem>>) dst(%dma_wait3A_61 : memref<128x128xf32, #tpu.memory_space<hbm>>)
    return
  }
}

</mosaic_0001>

<sc_bundles>
// kernel: kernel.3.cloned.1.call-start
scs
__scs_entry_jumppad:
0x0: {  	(pc) =	sbr.rel $0x88, $3  }
0x1: {  	(tag) =	ssettag $0x0;
	lr =	simm.s32 $0x1  }
0x2: {  	[smem:$0x3FA0] =	sst lr;
	_ =	strace $0xD0000000  }
0x3: {  	_ = 	snop  }
0x4: {  	_ = 	snop  }
0x5: {  	_ = 	snop  }
0x6: {  	_ = 	snop  }
0x7: {  	_ = 	snop  }
__scs_overlays_trampoline_lowered:
0x8: {  	[smem:$0x3FAF] =	sst s0  }
0x9: {  	[smem:$0x3FB0] =	sst s1  }
0xa: {  	[smem:$0x3FB1] =	sst s2  }
0xb: {  	[smem:$0x3FB2] =	sst s3  }
0xc: {  	[smem:$0x3FB3] =	sst s4  }
0xd: {  	[smem:$0x3FB4] =	sst s5  }
0xe: {  	[smem:$0x3FB5] =	sst s6  }
0xf: {  	[smem:$0x3FB6] =	sst s7  }
0x10: {  	[smem:$0x3FB7] =	sst s8  }
0x11: {  	[smem:$0x3FB8] =	sst s9;
	s0 =	simm.s32 @!p0 $0x0  }
0x12: {  	s1 =	sld [smem:$0x3F9E];
	s0 =	simm.s32 @p0 $0x1  }
0x13: {  	[smem:$0x3FB9] =	sst s0;
	s0 =	simm.s32 @!p1 $0x0  }
0x14: {  	s2 =	sld [smem:$0x3F9D];
	s0 =	simm.s32 @p1 $0x1  }
0x15: {  	[smem:$0x3FBA] =	sst s0;
	s0 =	simm.s32 @!p2 $0x0  }
0x16: {  	s3 =	sld [smem:$0x3FDB];
	s0 =	simm.s32 @p2 $0x1  }
0x17: {  	s4 =	simm.s32 $0x1BF5;
	[smem:$0x3FBC] =	sst s0  }
0x18: {  	s0 =	sld [smem:$0x3F9F];
	_ =	swait.ge [sflag:s4], $0x0  }
0x19: {  	s7 =	sld [smem:$0x3FA0]  }
0x1a: {  	s8 =	sadd.s32 $0xFFFFE003, lr  }
0x1b: {  	s9 =	sadd.s32 $0xFFFFFEF7, lr;
	s5 =	simm.s32 $0xFFFFFFFF;
	p2 =	slt.u32 s8, $0xFFFFF086  }
0x1c: {  	p1 =	slt.u32 s9, $0xF7A;
	s5 =	simm.s32 @!p2 $0x0  }
0x1d: {  	s5 =	simm.s32 @p1 $0x1;
	p0 =	seq.s32 s7, s2  }
0x1e: {  	s7 =	smul.u32 @!p0 $0xF7A, s2;
	p2 =	seq.s32 @!p0 s5, $0x0  }
0x1f: {  	s9 =	smul.u32 $0xF7A, s1;
	s8 =	simm.s32 @!p0 $0x1BF5;
	p2 =	por !p2, p0  }
0x20: {  	[sflag:s8] =	ssyncset.s32 @!p0 $0xFFFFF086;
	s6 =	sadd.s32 @!p0 s3, s7;
	s7 =	simm.s32 @!p0 $0x108  }
0x21: {  	s3 =	sadd.s32 s3, s9;
	s6 =	sadd.s32 @!p0 $0x88, s6;
	s7 =	simm.s32 @p2 $0x1082  }
0x22: {  	[simem:s7], [sflag:s8] =	dma.local @!p0 [hbm:s6], $0xF7A  }
0x23: {  	s9 =	sor.u32 $0xD0000000, s2;
	s6 =	simm.s32 $0x108;
	_ =	swait.ge @!p0 [sflag:s8], $0x0  }
0x24: {  	s3 =	sadd.s32 $0x88, s3;
	s6 =	simm.s32 @!p1 $0x1082;
	[sflag:s4] =	ssyncset.s32 $0xFFFFF086  }
0x25: {  	[simem:s6], [sflag:s4] =	dma.local [hbm:s3], $0xF7A  }
0x26: {  	[smem:$0x3FA0] =	sst s1;
	(tag) =	ssettag s2;
	_ =	strace s9  }
0x27: {  	s1 =	sld [smem:$0x3FB0]  }
0x28: {  	s2 =	sld [smem:$0x3FB1]  }
0x29: {  	s4 =	sld [smem:$0x3FB3]  }
0x2a: {  	p0 =	seq.s32 s5, $0x0;
	s5 =	sld [smem:$0x3FB4]  }
0x2b: {  	s6 =	sld [smem:$0x3FB5]  }
0x2c: {  	s7 =	sld [smem:$0x3FB6]  }
0x2d: {  	s3 =	simm.s32 $0x108;
	s8 =	sld [smem:$0x3FB7]  }
0x2e: {  	s3 =	simm.s32 @!p0 $0x1082;
	s9 =	sld [smem:$0x3FB8]  }
0x2f: {  	lr =	sadd.s32 s0, s3;
	s0 =	sld [smem:$0x3FAF]  }
0x30: {  	s3 =	sld [smem:$0x3FB2]  }
0x31: {  	[smem:$0x3FBB] =	sst s10  }
0x32: {  	s10 =	sld [smem:$0x3FB9];
	_ =	sdelay $0x3  }
0x33: {  	p0 =	seq.s32 s10, $0x1;
	s10 =	sld [smem:$0x3FBB];
	_ =	sdelay $0x3  }
0x34: {  	[smem:$0x3FBB] =	sst s10  }
0x35: {  	s10 =	sld [smem:$0x3FBA];
	_ =	sdelay $0x3  }
0x36: {  	p1 =	seq.s32 s10, $0x1;
	s10 =	sld [smem:$0x3FBB];
	_ =	sdelay $0x3  }
0x37: {  	[smem:$0x3FBB] =	sst s10  }
0x38: {  	s10 =	sld [smem:$0x3FBC]  }
0x39: {  	_ = 	snop;
	(pc) =	sbr.ind lr, $3  }
0x3a: {  	_ = 	snop  }
0x3b: {  	_ = 	snop  }
0x3c: {  	p2 =	seq.s32 s10, $0x1;
	s10 =	sld [smem:$0x3FBB]  }
0x3d: {  	_ =	shalt  }
0x3e: {  	_ =	shalt  }
0x3f: {  	_ =	shalt  }
0x40: {  	_ =	shalt  }
0x41: {  	_ =	shalt  }
0x42: {  	_ =	shalt  }
0x43: {  	_ =	shalt  }
0x44: {  	_ =	shalt  }
0x45: {  	_ =	shalt  }
0x46: {  	_ =	shalt  }
0x47: {  	_ =	shalt  }
0x48: {  	_ =	shalt  }
0x49: {  	_ =	shalt  }
0x4a: {  	_ =	shalt  }
0x4b: {  	_ =	shalt  }
0x4c: {  	_ =	shalt  }
0x4d: {  	_ =	shalt  }
0x4e: {  	_ =	shalt  }
0x4f: {  	_ =	shalt  }
0x50: {  	_ =	shalt  }
0x51: {  	_ =	shalt  }
0x52: {  	_ =	shalt  }
0x53: {  	_ =	shalt  }
0x54: {  	_ =	shalt  }
0x55: {  	_ =	shalt  }
0x56: {  	_ =	shalt  }
0x57: {  	_ =	shalt  }
0x58: {  	_ =	shalt  }
0x59: {  	_ =	shalt  }
0x5a: {  	_ =	shalt  }
0x5b: {  	_ =	shalt  }
0x5c: {  	_ =	shalt  }
0x5d: {  	_ =	shalt  }
0x5e: {  	_ =	shalt  }
0x5f: {  	_ =	shalt  }
0x60: {  	_ =	shalt  }
0x61: {  	_ =	shalt  }
0x62: {  	_ =	shalt  }
0x63: {  	_ =	shalt  }
0x64: {  	_ =	shalt  }
0x65: {  	_ =	shalt  }
0x66: {  	_ =	shalt  }
0x67: {  	_ =	shalt  }
0x68: {  	_ =	shalt  }
0x69: {  	_ =	shalt  }
0x6a: {  	_ =	shalt  }
0x6b: {  	_ =	shalt  }
0x6c: {  	_ =	shalt  }
0x6d: {  	_ =	shalt  }
0x6e: {  	_ =	shalt  }
0x6f: {  	_ =	shalt  }
0x70: {  	_ =	shalt  }
0x71: {  	_ =	shalt  }
0x72: {  	_ =	shalt  }
0x73: {  	_ =	shalt  }
0x74: {  	_ =	shalt  }
0x75: {  	_ =	shalt  }
0x76: {  	_ =	shalt  }
0x77: {  	_ =	shalt  }
0x78: {  	_ =	shalt  }
0x79: {  	_ =	shalt  }
0x7a: {  	_ =	shalt  }
0x7b: {  	_ =	shalt  }
0x7c: {  	_ =	shalt  }
0x7d: {  	_ =	shalt  }
0x7e: {  	_ =	shalt  }
0x7f: {  	_ =	shalt  }
0x80: {  	_ =	shalt  }
0x81: {  	_ =	shalt  }
0x82: {  	_ =	shalt  }
0x83: {  	_ =	shalt  }
0x84: {  	_ =	shalt  }
0x85: {  	_ =	shalt  }
0x86: {  	_ =	shalt  }
0x87: {  	_ =	shalt  }
.Lfunc_end0:
.L_simem_size_0:
called_computation_lowered:
.L_overlay_start_0:
0x88: {  	s2 =	sld [smem:$0x3FD9]  }
0x89: {  	s3 =	sld [smem:$0x3FFE];
	_ =	sdelay $0x1  }
0x8a: {  	s1 =	srdreg.scid  }
0x8b: {  	s0 =	sand.u32 $0x1, s1  }
0x8c: {  	s18 =	sshll.u32 s0, $0xA;
	s2 =	sadd.s32 s3, s2  }
0x8d: {  	s2 =	sadd.s32 s2, s18  }
0x8e: {  	[smem:$0x3FC7] =	sst s2  }
0x8f: {  	_ = 	snop  }
0x90: {  	s2 =	sld [smem:$0x3FC9]  }
0x91: {  	s19 =	sld [smem:$0x3FD0];
	(tm) =	ssettm $0x1  }
0x92: {  	s4 =	sld [smem:$0x3FFB];
	_ =	sdelay $0x3  }
0x93: {  	_ =	strace s4  }
0x94: {  	s4 =	sld [smem:$0x3FFC];
	_ =	sdelay $0x3  }
0x95: {  	_ =	strace s4  }
0x96: {  	s4 =	sld [smem:$0x3FFD];
	_ =	sdelay $0x3  }
0x97: {  	_ =	strace s4  }
0x98: {  	_ =	strace $0x8FFFFFFF  }
0x99: {  	s20 =	sld [smem:$0x3FDB];
	_ =	sdelay $0x1  }
0x9a: {  	s5 =	simm.s32 $_scs_section_size  }
0x9b: {  	s6 =	simm.s32 $_size__tile_overlayer_lowered;
	s7 =	simm.s32 $_tile_overlayer_lowered  }
0x9c: {  	s23 =	simm.s32 $0x1BFF;
	s22 =	sshll.u32 s7, $0x1;
	s4 =	sadd.s32 s5, s20  }
0x9d: {  	s8 =	simm.s32 $0x0;
	s21 =	sshll.u32 s6, $0x1;
	s6 =	sadd.s32 s22, s4  }
0x9e: {  	[timem:s8], [sflag:s23] =	dma.local [hbm:s6], s21  }
0x9f: {  	_ =	swait.ge [sflag:s23], s21  }
0xa0: {  	s5 =	ssub.s32 $0x0, s21;
	[sflag:s23] =	ssyncset.done $0x0  }
0xa1: {  	[sflag:s23] =	ssyncadd.s32 s5;
	_ =	sdelay $0x1  }
0xa2: {  	s24 =	simm.s32 $0x1B8B  }
0xa3: {  	_ =	swait.ge [sflag:s24], $0x1  }
0xa4: {  	[sflag:s24] =	ssyncset.done $0x0  }
0xa5: {  	s25 =	simm.s32 $0x1B8E;
	[sflag:s24] =	ssyncadd.s32 $0xFFFFFFFF  }
0xa6: {  	s26 =	simm.s32 $execute0_lowered;
	[smem:$0x3FD2] =	sst s25  }
0xa7: {  	s5 =	sshll.u32 s26, $0x1;
	_ =	strace $0x80000046;
	[dreg:$0x1] =	wrdreg $0xFFFFFFFF  }
0xa8: {  	s28 =	simm.s32 $_size_execute0_lowered;
	s4 =	sadd.s32 s4, s5;
	[dreg:$0x0] =	wrdreg $0x0  }
0xa9: {  	s5 =	sshll.u32 s28, $0x1;
	[dreg:$0x2] =	wrdreg s4  }
0xaa: {  	[dreg:$0x3] =	wrdreg s5  }
0xab: {  	[dreg:$0x4] =	wrdreg $0xC0  }
0xac: {  	_ =	task [dreg:s8], $0x5FFFF  }
0xad: {  	[dreg:$0x1] =	wrdreg $0xFFFFFFFF  }
0xae: {  	[dreg:$0x0] =	wrdreg $0x60  }
0xaf: {  	[dreg:$0x2] =	wrdreg s2  }
0xb0: {  	[dreg:$0x3] =	wrdreg s19  }
0xb1: {  	[dreg:$0x4] =	wrdreg $0x9  }
0xb2: {  	_ =	task.clear_ibuf [dreg:s8], $0x5FFFF;
	_ =	strace $0x90000046  }
0xb3: {  	s29 =	simm.s32 $0x9;
	_ =	strace $0x80000048  }
0xb4: {  	_ =	swait.ge [sflag:s29], $0x1  }
0xb5: {  	[sflag:s29] =	ssyncadd.s32 $0xFFFFFFFF  }
0xb6: {  	_ =	strace $0x90000048  }
0xb7: {  	_ =	sfence  }
0xb8: {  	s30 =	sld [smem:$0x0];
	_ =	sdelay $0x2  }
0xb9: {  	s31 =	sshll.u32 s1, $0xD;
	s1 =	sshrl.u32 s1, $0x2  }
0xba: {  	s3 =	sand.u32 $0x4000, s31;
	s1 =	sadd.s32 s1, s30  }
0xbb: {  	s0 =	sor.u32 s3, s0;
	s1 =	sshll.u32 s1, $0x11  }
0xbc: {  	s0 =	sor.u32 s1, s0  }
0xbd: {  	s0 =	sadd.s32 $0x8F2B, s0  }
0xbe: {  	[sflag:s0] =	ssyncadd.remote.s32 $0x1  }
0xbf: {  	_ =	sfence.sel $0xFFFF  }
0xc0: {  	[dreg:$0x0] =	wrdreg $0xFFFFFFFF;
	(pc) =	sbr.abs _section_cstart, $3  }
0xc1: {  	[dreg:$0x1] =	wrdreg $0xFFFFFFFF  }
0xc2: {  	_ =	task.clear_ibuf [dreg:s8], $0x2FFFF;
	_ =	strace $0x9FFFFFFF  }
0xc3: {  	(tm) =	ssettm $0x7FFFFFFF  }
tec
execute0_lowered:
.L_overlay_start_1:
0x0: {  	(tag) =	ssettag $0x1  }
0x1: {  	v0 =	vimm.s32 $0xFEDCBA98;
	v1 =	vimm.s32 $0x76543210  }
0x2: {  	v2 =	vimm.s32 $0xBA98FEDC;
	v3 =	vimm.s32 $0x32107654;
	v4 =	vimm.s32 $0xDCFE98BA  }
0x3: {  	v5 =	vimm.s32 $0x54761032;
	v6 =	vimm.s32 $0xEFCDAB89;
	v7 =	vimm.s32 $0x67452301  }
0x4: {  	vm10 =	vcmask $0x300;
	vm11 =	vcmask $0x704;
	vm12 =	vcmask $0xB08  }
0x5: {  	vm13 =	vcmask $0xF0C;
	vm14 =	vcmask $0x1310;
	vm9 =	vcmask $0x1714  }
0x6: {  	vm8 =	vcmask $0x1B18;
	vm7 =	vcmask $0x1F1C;
	vm6 =	vcmask $0x2320  }
0x7: {  	vm5 =	vcmask $0x2724;
	vm4 =	vcmask $0x2B28;
	vm3 =	vcmask $0x2F2C  }
0x8: {  	vm2 =	vcmask $0x3330;
	vm1 =	vcmask $0x3734;
	vm0 =	vcmask $0x3B38  }
0x9: {  	v11 =	vimm.f32 $6.300000000e+01;
	v12 =	vimm.f32 $7.900000000e+01;
	v13 =	vimm.f32 $9.500000000e+01  }
0xa: {  	v14 =	vimm.f32 $1.110000000e+02;
	v15 =	vimm.f32 $1.270000000e+02;
	v0 =	vunpack.c.l.s4.s8 v0  }
0xb: {  	v1 =	vunpack.c.l.s4.s8 v1;
	v2 =	vunpack.c.l.s4.s8 v2;
	v3 =	vunpack.c.l.s4.s8 v3  }
0xc: {  	v4 =	vunpack.c.l.s4.s8 v4;
	v5 =	vunpack.c.l.s4.s8 v5;
	v6 =	vunpack.c.l.s4.s8 v6  }
0xd: {  	v7 =	vunpack.c.l.s4.s8 v7;
	v11 =	vsel vm10, $0x42400000, v11;
	v12 =	vsel vm10, $0x42800000, v12  }
0xe: {  	v13 =	vsel vm10, $0x42A00000, v13;
	v14 =	vsel vm10, $0x42C00000, v14;
	v15 =	vsel vm10, $0x42E00000, v15  }
0xf: {  	v11 =	vsel vm11, $0x42440000, v11;
	v12 =	vsel vm11, $0x42820000, v12;
	v13 =	vsel vm11, $0x42A20000, v13  }
0x10: {  	v14 =	vsel vm11, $0x42C20000, v14;
	v15 =	vsel vm11, $0x42E20000, v15;
	v0 =	vunpack.c.0.s8.s32 v0  }
0x11: {  	v2 =	vunpack.c.0.s8.s32 v2;
	v3 =	vunpack.c.0.s8.s32 v3;
	v4 =	vunpack.c.0.s8.s32 v4  }
0x12: {  	v5 =	vunpack.c.0.s8.s32 v5;
	v8 =	vunpack.c.0.s8.s32 v1;
	v6 =	vunpack.c.0.s8.s32 v6  }
0x13: {  	v7 =	vunpack.c.0.s8.s32 v7;
	v11 =	vsel vm12, $0x42480000, v11;
	v12 =	vsel vm12, $0x42840000, v12  }
0x14: {  	v13 =	vsel vm12, $0x42A40000, v13;
	v14 =	vsel vm12, $0x42C40000, v14;
	v15 =	vsel vm12, $0x42E40000, v15  }
0x15: {  	v11 =	vsel vm13, $0x424C0000, v11;
	v12 =	vsel vm13, $0x42860000, v12;
	v13 =	vsel vm13, $0x42A60000, v13  }
0x16: {  	v14 =	vsel vm13, $0x42C60000, v14;
	v9 =	vand.u32 $0xF, v0;
	v0 =	vcombine.low v3, v2  }
0x17: {  	v15 =	vsel vm13, $0x42E60000, v15;
	v1 =	vcombine.low v5, v4;
	v3 =	vcombine.low v7, v6  }
0x18: {  	v4 =	vimm.f32 $0.0e+00;
	v7 =	vimm.f32 $1.500000000e+01;
	v11 =	vsel vm14, $0x42500000, v11  }
0x19: {  	v12 =	vsel vm14, $0x42880000, v12;
	v13 =	vsel vm14, $0x42A80000, v13;
	v14 =	vsel vm14, $0x42C80000, v14  }
0x1a: {  	v15 =	vsel vm14, $0x42E80000, v15;
	v2 =	vcombine.low v9, v8;
	v8 =	vimm.f32 $3.100000000e+01  }
0x1b: {  	v7 =	vsel vm10, $0x0, v7;
	v11 =	vsel vm9, $0x42540000, v11;
	v12 =	vsel vm9, $0x428A0000, v12  }
0x1c: {  	v13 =	vsel vm9, $0x42AA0000, v13;
	v14 =	vsel vm9, $0x42CA0000, v14;
	v15 =	vsel vm9, $0x42EA0000, v15  }
0x1d: {  	v5 =	vand.u32 $0xF, v0;
	v6 =	vand.u32 $0xF, v1;
	v8 =	vsel vm10, $0x41800000, v8  }
0x1e: {  	v7 =	vsel vm11, $0x3F800000, v7;
	v11 =	vsel vm8, $0x42580000, v11;
	v12 =	vsel vm8, $0x428C0000, v12  }
0x1f: {  	v13 =	vsel vm8, $0x42AC0000, v13;
	v14 =	vsel vm8, $0x42CC0000, v14;
	v8 =	vsel vm11, $0x41880000, v8  }
0x20: {  	v15 =	vsel vm8, $0x42EC0000, v15;
	v7 =	vsel vm12, $0x40000000, v7;
	v8 =	vsel vm12, $0x41900000, v8  }
0x21: {  	v11 =	vsel vm7, $0x425C0000, v11;
	v7 =	vsel vm13, $0x40400000, v7;
	v8 =	vsel vm13, $0x41980000, v8  }
0x22: {  	v12 =	vsel vm7, $0x428E0000, v12;
	v7 =	vsel vm14, $0x40800000, v7;
	v8 =	vsel vm14, $0x41A00000, v8  }
0x23: {  	v13 =	vsel vm7, $0x42AE0000, v13;
	v7 =	vsel vm9, $0x40A00000, v7;
	v8 =	vsel vm9, $0x41A80000, v8  }
0x24: {  	v14 =	vsel vm7, $0x42CE0000, v14;
	v7 =	vsel vm8, $0x40C00000, v7;
	v8 =	vsel vm8, $0x41B00000, v8  }
0x25: {  	v15 =	vsel vm7, $0x42EE0000, v15;
	v7 =	vsel vm7, $0x40E00000, v7;
	v8 =	vsel vm7, $0x41B80000, v8  }
0x26: {  	v11 =	vsel vm6, $0x42600000, v11;
	v7 =	vsel vm6, $0x41000000, v7;
	v8 =	vsel vm6, $0x41C00000, v8  }
0x27: {  	v12 =	vsel vm6, $0x42900000, v12;
	v7 =	vsel vm5, $0x41100000, v7;
	v8 =	vsel vm5, $0x41C80000, v8  }
0x28: {  	v13 =	vsel vm6, $0x42B00000, v13;
	v7 =	vsel vm4, $0x41200000, v7;
	v8 =	vsel vm4, $0x41D00000, v8  }
0x29: {  	v14 =	vsel vm6, $0x42D00000, v14;
	v7 =	vsel vm3, $0x41300000, v7;
	v8 =	vsel vm3, $0x41D80000, v8  }
0x2a: {  	v15 =	vsel vm6, $0x42F00000, v15;
	v7 =	vsel vm2, $0x41400000, v7;
	v8 =	vsel vm2, $0x41E00000, v8  }
0x2b: {  	v11 =	vsel vm5, $0x42640000, v11;
	v9 =	vsel vm1, $0x41500000, v7;
	v10 =	vsel vm1, $0x41E80000, v8  }
0x2c: {  	v8 =	vsel vm0, $0x41600000, v9;
	v9 =	vsel vm0, $0x41F00000, v10;
	v10 =	vimm.f32 $4.700000000e+01  }
0x2d: {  	v12 =	vsel vm5, $0x42920000, v12;
	v13 =	vsel vm5, $0x42B20000, v13;
	v10 =	vsel vm10, $0x42000000, v10  }
0x2e: {  	v14 =	vsel vm5, $0x42D20000, v14;
	v15 =	vsel vm5, $0x42F20000, v15;
	v10 =	vsel vm11, $0x42040000, v10  }
0x2f: {  	v11 =	vsel vm4, $0x42680000, v11;
	v12 =	vsel vm4, $0x42940000, v12;
	v10 =	vsel vm12, $0x42080000, v10  }
0x30: {  	v13 =	vsel vm4, $0x42B40000, v13;
	v14 =	vsel vm4, $0x42D40000, v14;
	v10 =	vsel vm13, $0x420C0000, v10  }
0x31: {  	s3 =	rddreg [dreg:$0x0];
	v15 =	vsel vm4, $0x42F40000, v15;
	v11 =	vsel vm3, $0x426C0000, v11;
	v10 =	vsel vm14, $0x42100000, v10  }
0x32: {  	s1 =	srdreg.scid;
	s5 =	rddreg [dreg:$0x1];
	v12 =	vsel vm3, $0x42960000, v12;
	v13 =	vsel vm3, $0x42B60000, v13;
	v10 =	vsel vm9, $0x42140000, v10  }
0x33: {  	s0 =	stileid.u32;
	s2 =	simm.s32 $0x0;
	s10 =	simm.s32 $0x4000;
	v14 =	vsel vm3, $0x42D60000, v14;
	v15 =	vsel vm3, $0x42F60000, v15;
	v10 =	vsel vm8, $0x42180000, v10  }
0x34: {  	s11 =	simm.s32 $0x1;
	s12 =	simm.s32 $0x8000;
	s13 =	simm.s32 $0xC000;
	v11 =	vsel vm2, $0x42700000, v11;
	v12 =	vsel vm2, $0x42980000, v12;
	v10 =	vsel vm7, $0x421C0000, v10  }
0x35: {  	s14 =	simm.s32 $0x3;
	s15 =	simm.s32 $0x4;
	s16 =	simm.s32 $0x0;
	v13 =	vsel vm2, $0x42B80000, v13;
	v14 =	vsel vm2, $0x42D80000, v14;
	v10 =	vsel vm6, $0x42200000, v10  }
0x36: {  	s4 =	sand.u32 $0x1, s1;
	s1 =	rddreg [dreg:$0x2];
	s6 =	sshll.u32 s0, $0xE;
	v15 =	vsel vm2, $0x42F80000, v15;
	v11 =	vsel vm1, $0x42740000, v11;
	v10 =	vsel vm5, $0x42240000, v10  }
.Ltmp0:
0x37: {  	s7 =	sshll.u32 s4, $0xD;
	s4 =	ssub.s32 $0x2, s4;
	v12 =	vsel vm1, $0x429A0000, v12;
	v13 =	vsel vm1, $0x42BA0000, v13;
	v10 =	vsel vm4, $0x42280000, v10;
	(pc) =	sbr.rel .LBB2_1-.Ltmp0, $4  }
0x38: {  	[smem:$0x7FF] =	sst s2;
	s6 =	sor.u32 s7, s6;
	s31 =	sshrl.u32 s4, $0x1;
	v14 =	vsel vm1, $0x42DA0000, v14;
	v15 =	vsel vm1, $0x42FA0000, v15;
	v10 =	vsel vm3, $0x422C0000, v10  }
0x39: {  	_ =	strace $0x80000047;
	s3 =	sadd.s32 s3, s6;
	s8 =	ssub.s32 s4, s31;
	v11 =	vsel vm0, $0x42780000, v11;
	v12 =	vsel vm0, $0x429C0000, v12;
	v10 =	vsel vm2, $0x42300000, v10  }
0x3a: {  	s5 =	sadd.s32 s5, s6;
	s4 =	sadd.s32 $0x800, s3;
	s6 =	sadd.s32 $0x1000, s3;
	v13 =	vsel vm0, $0x42BC0000, v13;
	v14 =	vsel vm0, $0x42DC0000, v14;
	v10 =	vsel vm1, $0x42340000, v10  }
0x3b: {  	s7 =	sadd.s32 $0x1800, s3;
	s8 =	smax.u32 s8, $0x1;
	s9 =	sadd.s32 $0x800, s5;
	v15 =	vsel vm0, $0x42FC0000, v15;
	v7 =	vand.u32 $0xF, v3;
	v10 =	vsel vm0, $0x42380000, v10  }
.LBB2_16:
0x3c: {  	s16 =	sadd.s32 $0x1, s16  }
0x3d: {  	_ =	swait.ge [sflag:s14], $0x4000;
	p0 =	sne.s32 s16, s8  }
.Ltmp1:
0x3e: {  	[sflag:s14] =	ssyncset.done $0x0;
	(pc) =	sbr.rel @!p0 .LBB2_17-.Ltmp1, $4  }
0x3f: {  	[sflag:s14] =	ssyncadd.s32 $0xFFFFC000  }
0x40: {  	_ =	swait.ge [sflag:s15], $0x4000  }
0x41: {  	[sflag:s15] =	ssyncset.done $0x0  }
0x42: {  	[sflag:s15] =	ssyncadd.s32 $0xFFFFC000  }
.LBB2_1:
0x43: {  	[tilespmem:s2], [sflag:$0x1] =	stream.linear.gather [hbm4b:s3+s2], $0x4000, $0x38;
	[tilespmem:$0x10000] =	vst v63  }
0x44: {  	p0 =	por $0x1, $0x1  }
0x45: {  	p1 =	por $0x0, $0x0;
	s18 =	smov.u32 s4;
	s17 =	simm.s32 $0x0  }
.LBB2_2:
0x46: {  	[tilespmem:s10], [sflag:$0x2] =	stream.linear.gather [hbm4b:s18+s2], $0x4000, $0x38;
	[tilespmem:$0x10000] =	vst v63  }
0x47: {  	_ =	swait.ge [sflag:s11], $0x4000  }
0x48: {  	[sflag:s11] =	ssyncset.done $0x0  }
0x49: {  	s18 =	simm.s32 @p1 $0x3;
	[sflag:s11] =	ssyncadd.s32 $0xFFFFC000  }
0x4a: {  	_ =	swait.ge @p1 [sflag:s18], $0x4000  }
0x4b: {  	[sflag:s18] =	ssyncset.done @p1 $0x0  }
0x4c: {  	[sflag:s18] =	ssyncadd.s32 @p1 $0xFFFFC000;
	s18 =	simm.s32 $0x0  }
0x4d: {  	v19 =	vld [tilespmem:s18+$0x0]  }
0x4e: {  	v22 =	vld [tilespmem:s18+$0x10]  }
0x4f: {  	v26 =	vld [tilespmem:s18+$0x20]  }
0x50: {  	v27 =	vld [tilespmem:s18+$0x30]  }
0x51: {  	v28 =	vld [tilespmem:s18+$0x40]  }
0x52: {  	v30 =	vld [tilespmem:s18+$0x50]  }
0x53: {  	v32 =	vld [tilespmem:s18+$0x60];
	v16 =	vmax.f32 v19, v22  }
0x54: {  	v33 =	vld [tilespmem:s18+$0x70];
	v16 =	vmax.f32 v16, v26  }
0x55: {  	v16 =	vmax.f32 v16, v27  }
0x56: {  	v16 =	vmax.f32 v16, v28  }
0x57: {  	v16 =	vmax.f32 v16, v30  }
0x58: {  	v16 =	vmax.f32 v16, v32  }
0x59: {  	s19 =	simm.s32 $0x80;
	v16 =	vmax.f32 v16, v33  }
0x5a: {  	v35 =	vld [tilespmem:s19+$0x0];
	v17 =	vperm.xlane v16, v2  }
0x5b: {  	v37 =	vld [tilespmem:s19+$0x10]  }
0x5c: {  	v23 =	vld [tilespmem:s19+$0x20];
	v16 =	vmax.f32 v16, v17  }
0x5d: {  	v20 =	vld [tilespmem:s19+$0x30];
	v17 =	vperm.xlane v16, v0  }
0x5e: {  	v21 =	vld [tilespmem:s19+$0x40]  }
0x5f: {  	v24 =	vmax.f32 v16, v17;
	v17 =	vld [tilespmem:s19+$0x50]  }
0x60: {  	v18 =	vld [tilespmem:s19+$0x60];
	v29 =	vmax.f32 v35, v37;
	v25 =	vperm.xlane v24, v1  }
0x61: {  	v29 =	vmax.f32 v29, v23;
	v16 =	vld [tilespmem:s19+$0x70]  }
0x62: {  	v24 =	vmax.f32 v24, v25;
	v25 =	vmax.f32 v29, v20  }
0x63: {  	v29 =	vperm.xlane v24, v3;
	v25 =	vmax.f32 v25, v21  }
0x64: {  	v25 =	vmax.f32 v25, v17  }
0x65: {  	v34 =	vmax.f32 v24, v29;
	v24 =	vmax.f32 v25, v18  }
0x66: {  	vm0 =	veq.f32 v22, v34;
	v31 =	vmax.f32 v24, v16  }
0x67: {  	s20 =	simm.s32 $0x100;
	v36 =	vsel vm0, $0x3F800000, v4;
	vm0 =	veq.f32 v19, v34;
	v19 =	vperm.xlane v31, v2  }
0x68: {  	v25 =	vld [tilespmem:s20+$0x0];
	v22 =	vsel vm0, $0x3F800000, v4  }
0x69: {  	v24 =	vld [tilespmem:s20+$0x10];
	[tilespmem:s18+$0x8010] =	vst v36;
	vm0 =	veq.f32 v26, v34;
	v26 =	vmax.f32 v31, v19;
	v36 =	vadd.f32 v36, v22  }
0x6a: {  	vm1 =	veq.f32 v28, v34;
	v29 =	vld [tilespmem:s20+$0x20];
	v38 =	vsel vm0, $0x3F800000, v4;
	v39 =	vperm.xlane v26, v0  }
0x6b: {  	vm2 =	veq.f32 v30, v34;
	v31 =	vld [tilespmem:s20+$0x30];
	vm0 =	veq.f32 v27, v34;
	[tilespmem:s18+$0x8020] =	vst v38;
	v27 =	vadd.f32 v36, v38  }
0x6c: {  	vm3 =	veq.f32 v33, v34;
	v28 =	vld [tilespmem:s20+$0x40];
	v54 =	vmax.f32 v26, v39;
	v26 =	vsel vm0, $0x3F800000, v4  }
0x6d: {  	v57 =	vsel vm1, $0x3F800000, v4;
	v30 =	vld [tilespmem:s20+$0x50];
	v55 =	vperm.xlane v54, v1;
	[tilespmem:s18+$0x8030] =	vst v26;
	v38 =	vadd.f32 v27, v26  }
0x6e: {  	v60 =	vsel vm2, $0x3F800000, v4;
	v56 =	vmax.f32 v25, v24;
	vm0 =	veq.f32 v32, v34;
	v26 =	vld [tilespmem:s20+$0x60]  }
0x6f: {  	v27 =	vld [tilespmem:s20+$0x70];
	v33 =	vmax.f32 v56, v29;
	v32 =	vmax.f32 v54, v55;
	v58 =	vadd.f32 v38, v57  }
0x70: {  	v19 =	vimm.f32 $0.0e+00;
	v33 =	vmax.f32 v33, v31;
	v59 =	vperm.xlane v32, v3  }
0x71: {  	v34 =	vsel vm3, $0x3F800000, v4;
	[tilespmem:s18+$0x8040] =	vst v57;
	v33 =	vmax.f32 v33, v28;
	v36 =	vadd.f32 v58, v60  }
0x72: {  	v62 =	vsel vm0, $0x3F800000, v4;
	[tilespmem:s18+$0x8050] =	vst v60;
	v61 =	vmax.f32 v33, v30;
	v33 =	vmax.f32 v32, v59  }
0x73: {  	[tilespmem:s18+$0x8070] =	vst v34;
	v63 =	vmax.f32 v61, v26;
	vm0 =	veq.f32 v35, v33;
	v36 =	vadd.f32 v36, v62  }
0x74: {  	s21 =	simm.s32 $0x600;
	[tilespmem:s18+$0x8060] =	vst v62;
	v35 =	vmax.f32 v63, v27;
	v32 =	vsel vm0, $0x3F800000, v4;
	vm0 =	veq.f32 v37, v33  }
.LBB2_3:
0x75: {  	s22 =	sshra.s32 s21, $0x2;
	p1 =	sne.s32 s21, $0xFE00;
	s21 =	sadd.s32 $0x200, s21;
	v37 =	vperm.xlane v35, v2;
	vm1 =	veq.f32 v23, v33;
	[tilespmem:s18+$0x8000] =	vst v22;
	v22 =	vadd.f32 v36, v34  }
0x76: {  	v34 =	vsel vm0, $0x3F800000, v4;
	vm3 =	veq.f32 v20, v33;
	vm0 =	veq.f32 v21, v33;
	v23 =	vmovc v29;
	v20 =	vmovc v31;
	s18 =	smov.u32 s19;
	s19 =	smov.u32 s20;
	v38 =	vld [tilespmem:s22+$0x0];
	s20 =	smov.u32 s22  }
0x77: {  	v39 =	vld [tilespmem:s20+$0x10];
	v35 =	vmax.f32 v35, v37;
	[tilespmem:s18+$0x8010] =	vst v34;
	v34 =	vadd.f32 v34, v32;
	v19 =	vadd.f32 v22, v19  }
0x78: {  	vm2 =	veq.f32 v17, v33;
	v21 =	vmovc v28;
	v17 =	vmovc v30;
	v36 =	vsel vm1, $0x3F800000, v4;
	v29 =	vld [tilespmem:s20+$0x20];
	v37 =	vperm.xlane v35, v0  }
0x79: {  	vm4 =	veq.f32 v16, v33;
	vm1 =	veq.f32 v18, v33;
	v31 =	vld [tilespmem:s20+$0x30];
	[tilespmem:s18+$0x8020] =	vst v36;
	v34 =	vadd.f32 v34, v36  }
0x7a: {  	v16 =	vmovc v27;
	v18 =	vmovc v26;
	v22 =	vmov v32;
	v28 =	vld [tilespmem:s20+$0x40];
	v33 =	vmax.f32 v35, v37;
	v35 =	vsel vm3, $0x3F800000, v4  }
0x7b: {  	v30 =	vld [tilespmem:s20+$0x50];
	v32 =	vperm.xlane v33, v1;
	[tilespmem:s18+$0x8030] =	vst v35;
	v34 =	vadd.f32 v34, v35  }
0x7c: {  	v36 =	vsel vm0, $0x3F800000, v4;
	v26 =	vld [tilespmem:s20+$0x60];
	v35 =	vmax.f32 v38, v39  }
0x7d: {  	v27 =	vld [tilespmem:s20+$0x70];
	v35 =	vmax.f32 v35, v29;
	v32 =	vmax.f32 v33, v32;
	[tilespmem:s18+$0x8040] =	vst v36;
	v33 =	vadd.f32 v34, v36  }
.Ltmp2:
0x7e: {  	v36 =	vsel vm2, $0x3F800000, v4;
	v34 =	vmax.f32 v35, v31;
	v35 =	vperm.xlane v32, v3;
	(pc) =	sbr.rel @p1 .LBB2_3-.Ltmp2, $4  }
0x7f: {  	v37 =	vmax.f32 v34, v28;
	[tilespmem:s18+$0x8050] =	vst v36;
	v36 =	vadd.f32 v33, v36;
	v34 =	vsel vm4, $0x3F800000, v4  }
0x80: {  	v37 =	vmax.f32 v37, v30;
	v33 =	vmax.f32 v32, v35;
	v32 =	vsel vm1, $0x3F800000, v4;
	[tilespmem:s18+$0x8070] =	vst v34  }
0x81: {  	v35 =	vmax.f32 v37, v26;
	vm0 =	veq.f32 v25, v33;
	[tilespmem:s18+$0x8060] =	vst v32;
	v36 =	vadd.f32 v36, v32  }
0x82: {  	v25 =	vmovc v38;
	v35 =	vmax.f32 v35, v27;
	v32 =	vsel vm0, $0x3F800000, v4;
	vm0 =	veq.f32 v24, v33;
	v24 =	vmovc v39  }
0x83: {  	v37 =	vperm.xlane v35, v2;
	_ =	sdelay $0x1  }
0x84: {  	v35 =	vmax.f32 v35, v37  }
0x85: {  	v37 =	vperm.xlane v35, v0;
	_ =	sdelay $0x1  }
0x86: {  	v35 =	vmax.f32 v35, v37  }
0x87: {  	v37 =	vperm.xlane v35, v1;
	_ =	sdelay $0x1  }
0x88: {  	v35 =	vmax.f32 v35, v37  }
0x89: {  	v37 =	vperm.xlane v35, v3  }
0x8a: {  	vm1 =	veq.f32 v23, v33;
	v46 =	vadd.f32 v36, v34  }
0x8b: {  	v47 =	vsel vm0, $0x3F800000, v4;
	vm15 =	veq.f32 v20, v33;
	v48 =	vmax.f32 v35, v37  }
0x8c: {  	v49 =	vadd.f32 v47, v32;
	vm2 =	veq.f32 v25, v48;
	vm3 =	veq.f32 v24, v48  }
0x8d: {  	v50 =	vsel vm1, $0x3F800000, v4;
	v25 =	vsel vm2, $0x3F800000, v4;
	v51 =	vsel vm3, $0x3F800000, v4  }
0x8e: {  	v35 =	vadd.f32 v49, v50;
	vm6 =	veq.f32 v29, v48;
	v52 =	vadd.f32 v51, v25  }
0x8f: {  	vm7 =	veq.f32 v21, v33;
	v53 =	vsel vm15, $0x3F800000, v4;
	v54 =	vsel vm6, $0x3F800000, v4  }
0x90: {  	vm8 =	veq.f32 v31, v48;
	v35 =	vadd.f32 v35, v53;
	v29 =	vadd.f32 v52, v54  }
0x91: {  	vm9 =	veq.f32 v17, v33;
	v17 =	vsel vm7, $0x3F800000, v4;
	v31 =	vsel vm8, $0x3F800000, v4  }
0x92: {  	vm10 =	veq.f32 v28, v48;
	v35 =	vadd.f32 v35, v17;
	v55 =	vadd.f32 v29, v31  }
0x93: {  	vm11 =	veq.f32 v18, v33;
	v56 =	vsel vm9, $0x3F800000, v4;
	v57 =	vsel vm10, $0x3F800000, v4  }
0x94: {  	vm12 =	veq.f32 v30, v48;
	v35 =	vadd.f32 v35, v56;
	v28 =	vadd.f32 v55, v57  }
0x95: {  	vm13 =	veq.f32 v16, v33;
	v16 =	vsel vm11, $0x3F800000, v4;
	v30 =	vsel vm12, $0x3F800000, v4  }
0x96: {  	vm14 =	veq.f32 v26, v48;
	v58 =	vadd.f32 v35, v16;
	v59 =	vadd.f32 v28, v30  }
0x97: {  	v60 =	vsel vm13, $0x3F800000, v4;
	v19 =	vadd.f32 v46, v19;
	v61 =	vsel vm14, $0x3F800000, v4  }
0x98: {  	vm15 =	veq.f32 v27, v48;
	v33 =	vadd.f32 v58, v60;
	v62 =	vadd.f32 v59, v61  }
0x99: {  	v63 =	vsel vm15, $0x3F800000, v4  }
0x9a: {  	v19 =	vadd.f32 v33, v19;
	v20 =	vadd.f32 v62, v63;
	_ =	sdelay $0x1  }
0x9b: {  	v19 =	vadd.f32 v20, v19;
	_ =	sdelay $0x1  }
0x9c: {  	v20 =	vperm.xlane v19, v2;
	_ =	sdelay $0x1  }
0x9d: {  	v19 =	vadd.f32 v20, v19;
	_ =	sdelay $0x1  }
0x9e: {  	v20 =	vperm.xlane v19, v0;
	_ =	sdelay $0x1  }
0x9f: {  	v19 =	vadd.f32 v20, v19;
	_ =	sdelay $0x1  }
0xa0: {  	v20 =	vperm.xlane v19, v1;
	_ =	sdelay $0x1  }
0xa1: {  	v19 =	vadd.f32 v20, v19;
	_ =	sdelay $0x1  }
0xa2: {  	v20 =	vperm.xlane v19, v3;
	_ =	sdelay $0x1  }
0xa3: {  	v19 =	vadd.f32 v20, v19;
	_ =	sdelay $0x1  }
0xa4: {  	(v2sf) =	vpush v19, $0x0;
	_ =	sdelay $0x7  }
0xa5: {  	[tilespmem:s18+$0x8000] =	vst v22  }
0xa6: {  	[tilespmem:s19+$0x8010] =	vst v47  }
0xa7: {  	[tilespmem:s19+$0x8000] =	vst v32  }
0xa8: {  	[tilespmem:s19+$0x8020] =	vst v50  }
0xa9: {  	[tilespmem:s19+$0x8030] =	vst v53  }
0xaa: {  	[tilespmem:s19+$0x8040] =	vst v17  }
0xab: {  	[tilespmem:s19+$0x8050] =	vst v56  }
0xac: {  	[tilespmem:s19+$0x8070] =	vst v60;
	s31 =	spop (v2sf)  }
0xad: {  	[tilespmem:s19+$0x8060] =	vst v16;
	p1 =	slt.f32 s31, $1.280000000e+02;
	p2 =	sgt.f32 s31, $1.280000000e+02  }
0xae: {  	[tilespmem:s20+$0x8010] =	vst v51  }
0xaf: {  	[tilespmem:s20+$0x8020] =	vst v54;
	p1 =	por p2, p1  }
0xb0: {  	[tilespmem:s20+$0x8030] =	vst v31;
	p1 =	por !p1, !p1  }
.Ltmp3:
0xb1: {  	[tilespmem:s20+$0x8040] =	vst v57;
	(pc) =	sbr.rel @p1 .LBB2_8-.Ltmp3, $4  }
0xb2: {  	[tilespmem:s20+$0x8050] =	vst v30  }
0xb3: {  	[tilespmem:s20+$0x8070] =	vst v63  }
0xb4: {  	[tilespmem:s20+$0x8060] =	vst v61  }
0xb5: {  	[tilespmem:s20+$0x8000] =	vst v25  }
0xb6: {  	s19 =	simm.s32 $0x0  }
0xb7: {  	v16 =	vld [tilespmem:s19+$0x0]  }
0xb8: {  	v17 =	vld [tilespmem:s19+$0x10]  }
0xb9: {  	v18 =	vld [tilespmem:s19+$0x20]  }
0xba: {  	v19 =	vld [tilespmem:s19+$0x30]  }
0xbb: {  	v20 =	vld [tilespmem:s19+$0x40]  }
0xbc: {  	v21 =	vld [tilespmem:s19+$0x50]  }
0xbd: {  	v22 =	vld [tilespmem:s19+$0x60];
	v23 =	vmax.f32 v16, v17  }
0xbe: {  	v24 =	vld [tilespmem:s19+$0x70];
	v23 =	vmax.f32 v23, v18  }
0xbf: {  	v23 =	vmax.f32 v23, v19  }
0xc0: {  	v23 =	vmax.f32 v23, v20  }
0xc1: {  	v23 =	vmax.f32 v23, v21  }
0xc2: {  	v23 =	vmax.f32 v23, v22  }
0xc3: {  	v23 =	vmax.f32 v23, v24  }
0xc4: {  	s18 =	simm.s32 $0x80;
	v25 =	vperm.xlane v23, v2  }
0xc5: {  	v26 =	vld [tilespmem:s18+$0x0]  }
0xc6: {  	v27 =	vld [tilespmem:s18+$0x10];
	v23 =	vmax.f32 v23, v25  }
0xc7: {  	v25 =	vld [tilespmem:s18+$0x20];
	v28 =	vperm.xlane v23, v5  }
0xc8: {  	v29 =	vld [tilespmem:s18+$0x30]  }
0xc9: {  	v30 =	vld [tilespmem:s18+$0x40];
	v23 =	vmax.f32 v23, v28  }
0xca: {  	v28 =	vld [tilespmem:s18+$0x50];
	v31 =	vperm.xlane v23, v6  }
0xcb: {  	v32 =	vld [tilespmem:s18+$0x60];
	v33 =	vmax.f32 v26, v27  }
0xcc: {  	v56 =	vld [tilespmem:s18+$0x70];
	v33 =	vmax.f32 v33, v25;
	v23 =	vmax.f32 v23, v31  }
0xcd: {  	v31 =	vmax.f32 v33, v29;
	v55 =	vperm.xlane v23, v7  }
0xce: {  	v31 =	vmax.f32 v31, v30  }
0xcf: {  	v31 =	vmax.f32 v31, v28;
	v23 =	vmax.f32 v23, v55  }
0xd0: {  	v31 =	vmax.f32 v31, v32;
	vm0 =	veq.f32 v16, v23  }
0xd1: {  	vm1 =	veq.f32 v17, v23;
	vm2 =	veq.f32 v18, v23;
	v18 =	vmax.f32 v31, v56  }
0xd2: {  	v16 =	vnsel vm0, $0x43000000, v8;
	v17 =	vnsel vm1, $0x43000000, v9;
	vm0 =	veq.f32 v19, v23  }
0xd3: {  	v19 =	vperm.xlane v18, v2;
	v16 =	vmin.f32 v16, v17;
	v17 =	vnsel vm2, $0x43000000, v10  }
0xd4: {  	v16 =	vmin.f32 v16, v17;
	v17 =	vnsel vm0, $0x43000000, v11;
	vm0 =	veq.f32 v20, v23  }
0xd5: {  	v16 =	vmin.f32 v16, v17;
	v17 =	vnsel vm0, $0x43000000, v12;
	vm0 =	veq.f32 v21, v23  }
0xd6: {  	s20 =	simm.s32 $0x100;
	v16 =	vmin.f32 v16, v17;
	v17 =	vnsel vm0, $0x43000000, v13;
	vm0 =	veq.f32 v22, v23  }
0xd7: {  	v20 =	vld [tilespmem:s20+$0x0];
	v16 =	vmin.f32 v16, v17;
	v17 =	vnsel vm0, $0x43000000, v14;
	vm0 =	veq.f32 v24, v23  }
0xd8: {  	v22 =	vld [tilespmem:s20+$0x10];
	v23 =	vmax.f32 v18, v19;
	v16 =	vmin.f32 v16, v17;
	v17 =	vnsel vm0, $0x43000000, v15  }
0xd9: {  	v21 =	vld [tilespmem:s20+$0x20];
	v24 =	vperm.xlane v23, v5;
	v16 =	vmin.f32 v16, v17  }
0xda: {  	v19 =	vld [tilespmem:s20+$0x30];
	v17 =	vperm.xlane v16, v2  }
0xdb: {  	v18 =	vld [tilespmem:s20+$0x40];
	v23 =	vmax.f32 v23, v24  }
0xdc: {  	v24 =	vperm.xlane v23, v6;
	v16 =	vmin.f32 v16, v17;
	v17 =	vld [tilespmem:s20+$0x50]  }
0xdd: {  	v34 =	vmax.f32 v20, v22  }
0xde: {  	v34 =	vmax.f32 v34, v21;
	v31 =	vperm.xlane v16, v5;
	v23 =	vmax.f32 v23, v24  }
0xdf: {  	v24 =	vmax.f32 v34, v19;
	v57 =	vperm.xlane v23, v7  }
0xe0: {  	v24 =	vmax.f32 v24, v18;
	v31 =	vmin.f32 v16, v31;
	v16 =	vld [tilespmem:s20+$0x60]  }
0xe1: {  	v35 =	vperm.xlane v31, v6;
	v34 =	vmax.f32 v23, v57;
	v24 =	vmax.f32 v24, v17  }
0xe2: {  	vm0 =	veq.f32 v25, v34;
	vm1 =	veq.f32 v26, v34;
	vm2 =	veq.f32 v27, v34  }
0xe3: {  	v31 =	vmin.f32 v31, v35;
	v25 =	vnsel vm1, $0x43000000, v8;
	v26 =	vnsel vm2, $0x43000000, v9  }
0xe4: {  	v35 =	vperm.xlane v31, v7;
	v25 =	vmin.f32 v25, v26;
	v26 =	vnsel vm0, $0x43000000, v10  }
0xe5: {  	v23 =	vld [tilespmem:s20+$0x70];
	vm0 =	veq.f32 v29, v34;
	v24 =	vmax.f32 v24, v16;
	v25 =	vmin.f32 v25, v26  }
0xe6: {  	v26 =	vnsel vm0, $0x43000000, v11;
	vm0 =	veq.f32 v30, v34;
	v31 =	vmin.f32 v31, v35  }
0xe7: {  	v25 =	vmin.f32 v25, v26;
	v26 =	vnsel vm0, $0x43000000, v12;
	vm0 =	veq.f32 v28, v34  }
0xe8: {  	v25 =	vmin.f32 v25, v26;
	v26 =	vnsel vm0, $0x43000000, v13;
	vm0 =	veq.f32 v32, v34  }
0xe9: {  	v25 =	vmin.f32 v25, v26;
	v26 =	vnsel vm0, $0x43000000, v14;
	vm0 =	veq.f32 v56, v34  }
0xea: {  	v28 =	vmax.f32 v24, v23;
	v24 =	vmin.f32 v25, v26;
	v25 =	vnsel vm0, $0x43000000, v15  }
0xeb: {  	vm3 =	veq.f32 v31, v15;
	vm1 =	veq.f32 v31, v9;
	v30 =	vmin.f32 v24, v25  }
0xec: {  	s21 =	simm.s32 $0x180;
	vm2 =	veq.f32 v31, v10;
	v26 =	vperm.xlane v28, v2;
	v58 =	vperm.xlane v30, v2  }
0xed: {  	vm4 =	veq.f32 v31, v12;
	vm5 =	veq.f32 v31, v13;
	v27 =	vsel vm3, $0x3F800000, v4;
	v24 =	vld [tilespmem:s21+$0x0]  }
0xee: {  	vm3 =	veq.f32 v31, v11;
	v25 =	vld [tilespmem:s21+$0x10];
	v28 =	vmax.f32 v28, v26;
	v30 =	vmin.f32 v30, v58  }
0xef: {  	v29 =	vld [tilespmem:s21+$0x20];
	vm0 =	veq.f32 v31, v8;
	[tilespmem:s19+$0x8070] =	vst v27;
	v59 =	vperm.xlane v28, v5;
	v27 =	vperm.xlane v30, v5  }
0xf0: {  	v61 =	vsel vm2, $0x3F800000, v4;
	v60 =	vsel vm0, $0x3F800000, v4;
	vm0 =	veq.f32 v31, v14;
	v26 =	vld [tilespmem:s21+$0x30]  }
0xf1: {  	[tilespmem:s19+$0x8020] =	vst v61;
	v31 =	vmax.f32 v28, v59;
	v28 =	vsel vm1, $0x3F800000, v4;
	v36 =	vmin.f32 v30, v27;
	v27 =	vld [tilespmem:s21+$0x40]  }
0xf2: {  	v33 =	vperm.xlane v31, v6;
	[tilespmem:s19+$0x8010] =	vst v28;
	v28 =	vld [tilespmem:s21+$0x50];
	v30 =	vsel vm3, $0x3F800000, v4  }
0xf3: {  	v38 =	vsel vm4, $0x3F800000, v4;
	v62 =	vmax.f32 v24, v25;
	v37 =	vperm.xlane v36, v6;
	[tilespmem:s19+$0x8030] =	vst v30;
	v30 =	vld [tilespmem:s21+$0x60]  }
0xf4: {  	[tilespmem:s19+$0x8040] =	vst v38;
	v63 =	vmax.f32 v62, v29;
	v33 =	vmax.f32 v31, v33;
	v31 =	vsel vm5, $0x3F800000, v4  }
0xf5: {  	s22 =	simm.s32 $0x800;
	[tilespmem:s19+$0x8000] =	vst v60;
	v35 =	vmax.f32 v63, v26;
	v34 =	vperm.xlane v33, v7;
	v32 =	vmin.f32 v36, v37  }
.LBB2_6:
0xf6: {  	p1 =	sne.s32 s22, $0xFE00;
	v35 =	vmax.f32 v35, v27;
	v36 =	vperm.xlane v32, v7;
	[tilespmem:s19+$0x8050] =	vst v31;
	v31 =	vsel vm0, $0x3F800000, v4  }
0xf7: {  	v35 =	vmax.f32 v35, v28;
	v33 =	vmax.f32 v33, v34;
	[tilespmem:s19+$0x8060] =	vst v31;
	s19 =	smov.u32 s18;
	s18 =	smov.u32 s20;
	s20 =	smov.u32 s21  }
0xf8: {  	v31 =	vmax.f32 v35, v30;
	vm0 =	veq.f32 v21, v33;
	v32 =	vmin.f32 v32, v36;
	v21 =	vmovc v29  }
0xf9: {  	vm1 =	veq.f32 v20, v33;
	vm2 =	veq.f32 v22, v33;
	v20 =	vmovc v24;
	vm3 =	veq.f32 v32, v15  }
0xfa: {  	v22 =	vmovc v25;
	v24 =	vnsel vm1, $0x43000000, v8;
	v29 =	vnsel vm2, $0x43000000, v9;
	v34 =	vsel vm3, $0x3F800000, v4  }
0xfb: {  	v24 =	vmin.f32 v24, v29;
	v29 =	vnsel vm0, $0x43000000, v10;
	vm0 =	veq.f32 v19, v33;
	v19 =	vmovc v26;
	v25 =	vld [tilespmem:s20+$0x70];
	[tilespmem:s19+$0x8070] =	vst v34  }
0xfc: {  	v24 =	vmin.f32 v24, v29;
	v26 =	vnsel vm0, $0x43000000, v11;
	vm0 =	veq.f32 v18, v33;
	v18 =	vmovc v27  }
0xfd: {  	v24 =	vmin.f32 v24, v26;
	v26 =	vnsel vm0, $0x43000000, v12;
	vm0 =	veq.f32 v17, v33;
	v17 =	vmovc v28  }
0xfe: {  	v24 =	vmin.f32 v24, v26;
	v26 =	vnsel vm0, $0x43000000, v13;
	vm0 =	veq.f32 v16, v33;
	v16 =	vmovc v30  }
0xff: {  	v24 =	vmin.f32 v24, v26;
	v26 =	vnsel vm0, $0x43000000, v14;
	vm0 =	veq.f32 v23, v33  }
0x100: {  	v24 =	vmin.f32 v24, v26;
	v26 =	vnsel vm0, $0x43000000, v15;
	v27 =	vmax.f32 v31, v25;
	v23 =	vmovc v25  }
0x101: {  	s21 =	sshra.s32 s22, $0x2;
	vm0 =	veq.f32 v32, v8;
	v26 =	vmin.f32 v24, v26;
	v28 =	vperm.xlane v27, v2  }
0x102: {  	vm1 =	veq.f32 v32, v9;
	vm2 =	veq.f32 v32, v10;
	v30 =	vperm.xlane v26, v2;
	v24 =	vld [tilespmem:s21+$0x0]  }
0x103: {  	vm4 =	veq.f32 v32, v12;
	vm3 =	veq.f32 v32, v11;
	v25 =	vld [tilespmem:s21+$0x10];
	v28 =	vmax.f32 v27, v28  }
0x104: {  	vm5 =	veq.f32 v32, v13;
	v30 =	vmin.f32 v26, v30;
	v29 =	vld [tilespmem:s21+$0x20];
	v31 =	vperm.xlane v28, v5  }
0x105: {  	v34 =	vsel vm0, $0x3F800000, v4;
	vm0 =	veq.f32 v32, v14;
	v33 =	vperm.xlane v30, v5;
	v26 =	vld [tilespmem:s21+$0x30]  }
.Ltmp4:
0x106: {  	v32 =	vsel vm1, $0x3F800000, v4;
	v27 =	vld [tilespmem:s21+$0x40];
	v31 =	vmax.f32 v28, v31;
	[tilespmem:s19+$0x8000] =	vst v34;
	v34 =	vsel vm2, $0x3F800000, v4;
	(pc) =	sbr.rel @p1 .LBB2_6-.Ltmp4, $4  }
0x107: {  	v36 =	vmin.f32 v30, v33;
	v28 =	vld [tilespmem:s21+$0x50];
	v35 =	vperm.xlane v31, v6;
	[tilespmem:s19+$0x8010] =	vst v32;
	v32 =	vsel vm3, $0x3F800000, v4  }
0x108: {  	v38 =	vsel vm4, $0x3F800000, v4;
	v37 =	vperm.xlane v36, v6;
	v30 =	vld [tilespmem:s21+$0x60];
	v33 =	vmax.f32 v24, v25;
	[tilespmem:s19+$0x8020] =	vst v34  }
0x109: {  	v34 =	vmax.f32 v33, v29;
	v33 =	vmax.f32 v31, v35;
	[tilespmem:s19+$0x8030] =	vst v32;
	v31 =	vsel vm5, $0x3F800000, v4  }
0x10a: {  	s22 =	sadd.s32 $0x200, s22;
	v32 =	vmin.f32 v36, v37;
	v35 =	vmax.f32 v34, v26;
	v34 =	vperm.xlane v33, v7;
	[tilespmem:s19+$0x8040] =	vst v38  }
0x10b: {  	v36 =	vld [tilespmem:s21+$0x70]  }
0x10c: {  	v35 =	vmax.f32 v35, v27;
	v33 =	vmax.f32 v33, v34  }
0x10d: {  	v61 =	vperm.xlane v32, v7;
	v53 =	vmax.f32 v35, v28;
	vm1 =	veq.f32 v20, v33  }
0x10e: {  	vm2 =	veq.f32 v22, v33;
	vm3 =	veq.f32 v21, v33;
	v55 =	vmax.f32 v53, v30  }
0x10f: {  	vm15 =	veq.f32 v19, v33;
	vm4 =	veq.f32 v18, v33;
	vm5 =	veq.f32 v17, v33  }
0x110: {  	v20 =	vnsel vm1, $0x43000000, v8;
	v54 =	vnsel vm2, $0x43000000, v9;
	v58 =	vmax.f32 v55, v36  }
0x111: {  	v56 =	vnsel vm3, $0x43000000, v10;
	v20 =	vmin.f32 v20, v54;
	v60 =	vperm.xlane v58, v2  }
0x112: {  	vm6 =	veq.f32 v16, v33;
	v59 =	vnsel vm15, $0x43000000, v11;
	v57 =	vmin.f32 v20, v56  }
0x113: {  	v62 =	vnsel vm4, $0x43000000, v12;
	v19 =	vmin.f32 v57, v59;
	v18 =	vmax.f32 v58, v60  }
0x114: {  	v63 =	vnsel vm5, $0x43000000, v13;
	v17 =	vmin.f32 v19, v62;
	v16 =	vperm.xlane v18, v5  }
0x115: {  	vm7 =	veq.f32 v23, v33;
	v21 =	vnsel vm6, $0x43000000, v14;
	v17 =	vmin.f32 v17, v63  }
0x116: {  	v23 =	vnsel vm7, $0x43000000, v15;
	v17 =	vmin.f32 v17, v21;
	v16 =	vmax.f32 v18, v16  }
0x117: {  	v17 =	vmin.f32 v17, v23;
	v33 =	vperm.xlane v16, v6  }
0x118: {  	v35 =	vsel vm0, $0x3F800000, v4;
	v32 =	vmin.f32 v32, v61;
	v34 =	vperm.xlane v17, v2  }
0x119: {  	vm8 =	veq.f32 v32, v15;
	vm9 =	veq.f32 v32, v8;
	v16 =	vmax.f32 v16, v33  }
0x11a: {  	vm10 =	veq.f32 v32, v9;
	v17 =	vmin.f32 v17, v34;
	v19 =	vperm.xlane v16, v7  }
0x11b: {  	vm11 =	veq.f32 v32, v10;
	vm12 =	veq.f32 v32, v11;
	v20 =	vperm.xlane v17, v5  }
0x11c: {  	v37 =	vsel vm8, $0x3F800000, v4;
	v38 =	vsel vm9, $0x3F800000, v4;
	v16 =	vmax.f32 v16, v19  }
0x11d: {  	v17 =	vmin.f32 v17, v20;
	vm13 =	veq.f32 v24, v16;
	vm4 =	veq.f32 v25, v16  }
0x11e: {  	vm5 =	veq.f32 v29, v16;
	v39 =	vnsel vm13, $0x43000000, v8;
	v40 =	vnsel vm4, $0x43000000, v9  }
0x11f: {  	vm14 =	veq.f32 v26, v16;
	v41 =	vnsel vm5, $0x43000000, v10;
	v19 =	vmin.f32 v39, v40  }
0x120: {  	vm15 =	veq.f32 v27, v16;
	v42 =	vnsel vm14, $0x43000000, v11;
	v19 =	vmin.f32 v19, v41  }
0x121: {  	vm6 =	veq.f32 v28, v16;
	v43 =	vnsel vm15, $0x43000000, v12;
	v19 =	vmin.f32 v19, v42  }
0x122: {  	[tilespmem:s19+$0x8050] =	vst v31;
	vm7 =	veq.f32 v30, v16;
	v44 =	vnsel vm6, $0x43000000, v13;
	v19 =	vmin.f32 v19, v43  }
0x123: {  	[tilespmem:s19+$0x8060] =	vst v35;
	vm8 =	veq.f32 v36, v16;
	v45 =	vnsel vm7, $0x43000000, v14;
	v19 =	vmin.f32 v19, v44  }
0x124: {  	[tilespmem:s18+$0x8070] =	vst v37;
	v16 =	vperm.xlane v17, v6;
	v46 =	vnsel vm8, $0x43000000, v15;
	v19 =	vmin.f32 v19, v45  }
0x125: {  	vm9 =	veq.f32 v32, v12;
	v47 =	vsel vm10, $0x3F800000, v4;
	[tilespmem:s18+$0x8000] =	vst v38;
	v19 =	vmin.f32 v19, v46  }
0x126: {  	v48 =	vsel vm11, $0x3F800000, v4;
	[tilespmem:s18+$0x8010] =	vst v47;
	v16 =	vmin.f32 v17, v16;
	v17 =	vperm.xlane v19, v2  }
0x127: {  	vm10 =	veq.f32 v32, v13;
	v49 =	vsel vm12, $0x3F800000, v4;
	[tilespmem:s18+$0x8020] =	vst v48;
	v50 =	vperm.xlane v16, v7  }
0x128: {  	vm11 =	veq.f32 v32, v14;
	v51 =	vsel vm9, $0x3F800000, v4;
	[tilespmem:s18+$0x8030] =	vst v49;
	v17 =	vmin.f32 v19, v17  }
0x129: {  	v52 =	vsel vm10, $0x3F800000, v4;
	[tilespmem:s18+$0x8040] =	vst v51;
	v16 =	vmin.f32 v16, v50;
	v53 =	vperm.xlane v17, v5  }
0x12a: {  	v54 =	vsel vm11, $0x3F800000, v4;
	[tilespmem:s18+$0x8050] =	vst v52;
	vm12 =	veq.f32 v16, v15  }
0x12b: {  	[tilespmem:s18+$0x8060] =	vst v54;
	vm13 =	veq.f32 v16, v8;
	v55 =	vsel vm12, $0x3F800000, v4;
	v17 =	vmin.f32 v17, v53  }
0x12c: {  	vm14 =	veq.f32 v16, v9;
	v56 =	vsel vm13, $0x3F800000, v4;
	[tilespmem:s20+$0x8070] =	vst v55;
	v57 =	vperm.xlane v17, v6  }
0x12d: {  	vm15 =	veq.f32 v16, v10;
	v58 =	vsel vm14, $0x3F800000, v4;
	[tilespmem:s20+$0x8000] =	vst v56  }
0x12e: {  	vm4 =	veq.f32 v16, v11;
	v59 =	vsel vm15, $0x3F800000, v4;
	[tilespmem:s20+$0x8010] =	vst v58;
	v17 =	vmin.f32 v17, v57  }
0x12f: {  	vm5 =	veq.f32 v16, v12;
	v60 =	vsel vm4, $0x3F800000, v4;
	[tilespmem:s20+$0x8020] =	vst v59;
	v19 =	vperm.xlane v17, v7  }
0x130: {  	vm6 =	veq.f32 v16, v13;
	v61 =	vsel vm5, $0x3F800000, v4;
	[tilespmem:s20+$0x8030] =	vst v60  }
0x131: {  	vm7 =	veq.f32 v16, v14;
	v16 =	vsel vm6, $0x3F800000, v4;
	[tilespmem:s20+$0x8040] =	vst v61;
	v17 =	vmin.f32 v17, v19  }
0x132: {  	[tilespmem:s20+$0x8050] =	vst v16;
	v16 =	vsel vm7, $0x3F800000, v4;
	vm8 =	veq.f32 v17, v15  }
0x133: {  	[tilespmem:s20+$0x8060] =	vst v16;
	vm11 =	veq.f32 v17, v10;
	v16 =	vsel vm8, $0x3F800000, v4  }
0x134: {  	vm13 =	veq.f32 v17, v12;
	v62 =	vsel vm11, $0x3F800000, v4;
	[tilespmem:s21+$0x8070] =	vst v16  }
0x135: {  	vm9 =	veq.f32 v17, v8;
	v63 =	vsel vm13, $0x3F800000, v4;
	[tilespmem:s21+$0x8020] =	vst v62  }
0x136: {  	vm10 =	veq.f32 v17, v9;
	v16 =	vsel vm9, $0x3F800000, v4;
	[tilespmem:s21+$0x8040] =	vst v63  }
0x137: {  	vm12 =	veq.f32 v17, v11;
	[tilespmem:s21+$0x8000] =	vst v16;
	v16 =	vsel vm10, $0x3F800000, v4  }
0x138: {  	vm14 =	veq.f32 v17, v13;
	[tilespmem:s21+$0x8010] =	vst v16;
	v16 =	vsel vm12, $0x3F800000, v4  }
0x139: {  	vm15 =	veq.f32 v17, v14;
	[tilespmem:s21+$0x8030] =	vst v16;
	v16 =	vsel vm14, $0x3F800000, v4  }
0x13a: {  	[tilespmem:s21+$0x8050] =	vst v16;
	v16 =	vsel vm15, $0x3F800000, v4  }
0x13b: {  	[tilespmem:s21+$0x8060] =	vst v16  }
.LBB2_8:
0x13c: {  	s18 =	sadd.s32 s17, s5  }
0x13d: {  	[hbm4b:s18+s2] =	stream.linear.scatter [tilespmem:s12], [sflag:$0x3], $0x4000, $0x38;
	[tilespmem:$0x10000] =	vst v63  }
0x13e: {  	s18 =	simm.s32 @!p0 $0x2  }
0x13f: {  	_ =	swait.ge @!p0 [sflag:s18], $0x4000  }
0x140: {  	[sflag:s18] =	ssyncset.done @!p0 $0x0  }
0x141: {  	s19 =	simm.s32 @p0 $0x0;
	[sflag:s18] =	ssyncadd.s32 @!p0 $0xFFFFC000;
	s18 =	simm.s32 @!p0 $0x4  }
0x142: {  	[tilespmem:s19], [sflag:$0x1] =	stream.linear.gather @p0 [hbm4b:s6+s19], $0x4000, $0x38;
	[tilespmem:$0x10000] =	vst v63  }
0x143: {  	s18 =	simm.s32 @p0 $0x2  }
0x144: {  	_ =	swait.ge [sflag:s18], $0x4000  }
0x145: {  	[sflag:s18] =	ssyncset.done $0x0  }
0x146: {  	[sflag:s18] =	ssyncadd.s32 $0xFFFFC000;
	s18 =	simm.s32 $0x0  }
0x147: {  	v19 =	vld [tilespmem:s18+$0x4000]  }
0x148: {  	v22 =	vld [tilespmem:s18+$0x4010]  }
0x149: {  	v26 =	vld [tilespmem:s18+$0x4020]  }
0x14a: {  	v27 =	vld [tilespmem:s18+$0x4030]  }
0x14b: {  	v28 =	vld [tilespmem:s18+$0x4040]  }
0x14c: {  	v30 =	vld [tilespmem:s18+$0x4050]  }
0x14d: {  	v32 =	vld [tilespmem:s18+$0x4060];
	v16 =	vmax.f32 v19, v22  }
0x14e: {  	v33 =	vld [tilespmem:s18+$0x4070];
	v16 =	vmax.f32 v16, v26  }
0x14f: {  	v16 =	vmax.f32 v16, v27  }
0x150: {  	v16 =	vmax.f32 v16, v28  }
0x151: {  	v16 =	vmax.f32 v16, v30  }
0x152: {  	v16 =	vmax.f32 v16, v32  }
0x153: {  	s19 =	simm.s32 $0x80;
	v16 =	vmax.f32 v16, v33  }
0x154: {  	v35 =	vld [tilespmem:s19+$0x4000];
	v17 =	vperm.xlane v16, v2  }
0x155: {  	v37 =	vld [tilespmem:s19+$0x4010]  }
0x156: {  	v23 =	vld [tilespmem:s19+$0x4020];
	v16 =	vmax.f32 v16, v17  }
0x157: {  	v20 =	vld [tilespmem:s19+$0x4030];
	v17 =	vperm.xlane v16, v0  }
0x158: {  	v21 =	vld [tilespmem:s19+$0x4040]  }
0x159: {  	v24 =	vmax.f32 v16, v17;
	v17 =	vld [tilespmem:s19+$0x4050]  }
0x15a: {  	v18 =	vld [tilespmem:s19+$0x4060];
	v29 =	vmax.f32 v35, v37;
	v25 =	vperm.xlane v24, v1  }
0x15b: {  	v29 =	vmax.f32 v29, v23;
	v16 =	vld [tilespmem:s19+$0x4070]  }
0x15c: {  	v24 =	vmax.f32 v24, v25;
	v25 =	vmax.f32 v29, v20  }
0x15d: {  	v29 =	vperm.xlane v24, v3;
	v25 =	vmax.f32 v25, v21  }
0x15e: {  	v25 =	vmax.f32 v25, v17  }
0x15f: {  	v34 =	vmax.f32 v24, v29;
	v24 =	vmax.f32 v25, v18  }
0x160: {  	vm0 =	veq.f32 v22, v34;
	v31 =	vmax.f32 v24, v16  }
0x161: {  	s20 =	simm.s32 $0x100;
	v36 =	vsel vm0, $0x3F800000, v4;
	vm0 =	veq.f32 v19, v34;
	v19 =	vperm.xlane v31, v2  }
0x162: {  	v25 =	vld [tilespmem:s20+$0x4000];
	v22 =	vsel vm0, $0x3F800000, v4  }
0x163: {  	v24 =	vld [tilespmem:s20+$0x4010];
	[tilespmem:s18+$0xC010] =	vst v36;
	vm0 =	veq.f32 v26, v34;
	v26 =	vmax.f32 v31, v19;
	v36 =	vadd.f32 v36, v22  }
0x164: {  	vm1 =	veq.f32 v28, v34;
	v29 =	vld [tilespmem:s20+$0x4020];
	v38 =	vsel vm0, $0x3F800000, v4;
	v39 =	vperm.xlane v26, v0  }
0x165: {  	vm2 =	veq.f32 v30, v34;
	v31 =	vld [tilespmem:s20+$0x4030];
	vm0 =	veq.f32 v27, v34;
	[tilespmem:s18+$0xC020] =	vst v38;
	v27 =	vadd.f32 v36, v38  }
0x166: {  	vm3 =	veq.f32 v33, v34;
	v28 =	vld [tilespmem:s20+$0x4040];
	v54 =	vmax.f32 v26, v39;
	v26 =	vsel vm0, $0x3F800000, v4  }
0x167: {  	v57 =	vsel vm1, $0x3F800000, v4;
	v30 =	vld [tilespmem:s20+$0x4050];
	v55 =	vperm.xlane v54, v1;
	[tilespmem:s18+$0xC030] =	vst v26;
	v38 =	vadd.f32 v27, v26  }
0x168: {  	v60 =	vsel vm2, $0x3F800000, v4;
	v56 =	vmax.f32 v25, v24;
	vm0 =	veq.f32 v32, v34;
	v26 =	vld [tilespmem:s20+$0x4060]  }
0x169: {  	v27 =	vld [tilespmem:s20+$0x4070];
	v33 =	vmax.f32 v56, v29;
	v32 =	vmax.f32 v54, v55;
	v58 =	vadd.f32 v38, v57  }
0x16a: {  	v19 =	vimm.f32 $0.0e+00;
	v33 =	vmax.f32 v33, v31;
	v59 =	vperm.xlane v32, v3  }
0x16b: {  	v34 =	vsel vm3, $0x3F800000, v4;
	[tilespmem:s18+$0xC040] =	vst v57;
	v33 =	vmax.f32 v33, v28;
	v36 =	vadd.f32 v58, v60  }
0x16c: {  	v62 =	vsel vm0, $0x3F800000, v4;
	[tilespmem:s18+$0xC050] =	vst v60;
	v61 =	vmax.f32 v33, v30;
	v33 =	vmax.f32 v32, v59  }
0x16d: {  	[tilespmem:s18+$0xC070] =	vst v34;
	v63 =	vmax.f32 v61, v26;
	vm0 =	veq.f32 v35, v33;
	v36 =	vadd.f32 v36, v62  }
0x16e: {  	s21 =	simm.s32 $0x600;
	[tilespmem:s18+$0xC060] =	vst v62;
	v35 =	vmax.f32 v63, v27;
	v32 =	vsel vm0, $0x3F800000, v4;
	vm0 =	veq.f32 v37, v33  }
.LBB2_9:
0x16f: {  	s22 =	sshra.s32 s21, $0x2;
	p1 =	sne.s32 s21, $0xFE00;
	s21 =	sadd.s32 $0x200, s21;
	v37 =	vperm.xlane v35, v2;
	vm1 =	veq.f32 v23, v33;
	[tilespmem:s18+$0xC000] =	vst v22;
	v22 =	vadd.f32 v36, v34  }
0x170: {  	v34 =	vsel vm0, $0x3F800000, v4;
	vm3 =	veq.f32 v20, v33;
	vm0 =	veq.f32 v21, v33;
	v23 =	vmovc v29;
	v20 =	vmovc v31;
	s18 =	smov.u32 s19;
	s19 =	smov.u32 s20;
	v38 =	vld [tilespmem:s22+$0x4000];
	s20 =	smov.u32 s22  }
0x171: {  	v39 =	vld [tilespmem:s20+$0x4010];
	v35 =	vmax.f32 v35, v37;
	[tilespmem:s18+$0xC010] =	vst v34;
	v34 =	vadd.f32 v34, v32;
	v19 =	vadd.f32 v22, v19  }
0x172: {  	vm2 =	veq.f32 v17, v33;
	v21 =	vmovc v28;
	v17 =	vmovc v30;
	v36 =	vsel vm1, $0x3F800000, v4;
	v29 =	vld [tilespmem:s20+$0x4020];
	v37 =	vperm.xlane v35, v0  }
0x173: {  	vm4 =	veq.f32 v16, v33;
	vm1 =	veq.f32 v18, v33;
	v31 =	vld [tilespmem:s20+$0x4030];
	[tilespmem:s18+$0xC020] =	vst v36;
	v34 =	vadd.f32 v34, v36  }
0x174: {  	v16 =	vmovc v27;
	v18 =	vmovc v26;
	v22 =	vmov v32;
	v28 =	vld [tilespmem:s20+$0x4040];
	v33 =	vmax.f32 v35, v37;
	v35 =	vsel vm3, $0x3F800000, v4  }
0x175: {  	v30 =	vld [tilespmem:s20+$0x4050];
	v32 =	vperm.xlane v33, v1;
	[tilespmem:s18+$0xC030] =	vst v35;
	v34 =	vadd.f32 v34, v35  }
0x176: {  	v36 =	vsel vm0, $0x3F800000, v4;
	v26 =	vld [tilespmem:s20+$0x4060];
	v35 =	vmax.f32 v38, v39  }
0x177: {  	v27 =	vld [tilespmem:s20+$0x4070];
	v35 =	vmax.f32 v35, v29;
	v32 =	vmax.f32 v33, v32;
	[tilespmem:s18+$0xC040] =	vst v36;
	v33 =	vadd.f32 v34, v36  }
.Ltmp5:
0x178: {  	v36 =	vsel vm2, $0x3F800000, v4;
	v34 =	vmax.f32 v35, v31;
	v35 =	vperm.xlane v32, v3;
	(pc) =	sbr.rel @p1 .LBB2_9-.Ltmp5, $4  }
0x179: {  	v37 =	vmax.f32 v34, v28;
	[tilespmem:s18+$0xC050] =	vst v36;
	v36 =	vadd.f32 v33, v36;
	v34 =	vsel vm4, $0x3F800000, v4  }
0x17a: {  	v37 =	vmax.f32 v37, v30;
	v33 =	vmax.f32 v32, v35;
	v32 =	vsel vm1, $0x3F800000, v4;
	[tilespmem:s18+$0xC070] =	vst v34  }
0x17b: {  	v35 =	vmax.f32 v37, v26;
	vm0 =	veq.f32 v25, v33;
	[tilespmem:s18+$0xC060] =	vst v32;
	v36 =	vadd.f32 v36, v32  }
0x17c: {  	v25 =	vmovc v38;
	v35 =	vmax.f32 v35, v27;
	v32 =	vsel vm0, $0x3F800000, v4;
	vm0 =	veq.f32 v24, v33;
	v24 =	vmovc v39  }
0x17d: {  	v37 =	vperm.xlane v35, v2;
	_ =	sdelay $0x1  }
0x17e: {  	v35 =	vmax.f32 v35, v37  }
0x17f: {  	v37 =	vperm.xlane v35, v0;
	_ =	sdelay $0x1  }
0x180: {  	v35 =	vmax.f32 v35, v37  }
0x181: {  	v37 =	vperm.xlane v35, v1;
	_ =	sdelay $0x1  }
0x182: {  	v35 =	vmax.f32 v35, v37  }
0x183: {  	v37 =	vperm.xlane v35, v3  }
0x184: {  	vm1 =	veq.f32 v23, v33;
	v46 =	vadd.f32 v36, v34  }
0x185: {  	v47 =	vsel vm0, $0x3F800000, v4;
	vm15 =	veq.f32 v20, v33;
	v48 =	vmax.f32 v35, v37  }
0x186: {  	v49 =	vadd.f32 v47, v32;
	vm2 =	veq.f32 v25, v48;
	vm3 =	veq.f32 v24, v48  }
0x187: {  	v50 =	vsel vm1, $0x3F800000, v4;
	v25 =	vsel vm2, $0x3F800000, v4;
	v51 =	vsel vm3, $0x3F800000, v4  }
0x188: {  	v35 =	vadd.f32 v49, v50;
	vm6 =	veq.f32 v29, v48;
	v52 =	vadd.f32 v51, v25  }
0x189: {  	vm7 =	veq.f32 v21, v33;
	v53 =	vsel vm15, $0x3F800000, v4;
	v54 =	vsel vm6, $0x3F800000, v4  }
0x18a: {  	vm8 =	veq.f32 v31, v48;
	v35 =	vadd.f32 v35, v53;
	v29 =	vadd.f32 v52, v54  }
0x18b: {  	vm9 =	veq.f32 v17, v33;
	v17 =	vsel vm7, $0x3F800000, v4;
	v31 =	vsel vm8, $0x3F800000, v4  }
0x18c: {  	vm10 =	veq.f32 v28, v48;
	v35 =	vadd.f32 v35, v17;
	v55 =	vadd.f32 v29, v31  }
0x18d: {  	vm11 =	veq.f32 v18, v33;
	v56 =	vsel vm9, $0x3F800000, v4;
	v57 =	vsel vm10, $0x3F800000, v4  }
0x18e: {  	vm12 =	veq.f32 v30, v48;
	v35 =	vadd.f32 v35, v56;
	v28 =	vadd.f32 v55, v57  }
0x18f: {  	vm13 =	veq.f32 v16, v33;
	v16 =	vsel vm11, $0x3F800000, v4;
	v30 =	vsel vm12, $0x3F800000, v4  }
0x190: {  	vm14 =	veq.f32 v26, v48;
	v58 =	vadd.f32 v35, v16;
	v59 =	vadd.f32 v28, v30  }
0x191: {  	v60 =	vsel vm13, $0x3F800000, v4;
	v19 =	vadd.f32 v46, v19;
	v61 =	vsel vm14, $0x3F800000, v4  }
0x192: {  	vm15 =	veq.f32 v27, v48;
	v33 =	vadd.f32 v58, v60;
	v62 =	vadd.f32 v59, v61  }
0x193: {  	v63 =	vsel vm15, $0x3F800000, v4  }
0x194: {  	v19 =	vadd.f32 v33, v19;
	v20 =	vadd.f32 v62, v63;
	_ =	sdelay $0x1  }
0x195: {  	v19 =	vadd.f32 v20, v19;
	_ =	sdelay $0x1  }
0x196: {  	v20 =	vperm.xlane v19, v2;
	_ =	sdelay $0x1  }
0x197: {  	v19 =	vadd.f32 v20, v19;
	_ =	sdelay $0x1  }
0x198: {  	v20 =	vperm.xlane v19, v0;
	_ =	sdelay $0x1  }
0x199: {  	v19 =	vadd.f32 v20, v19;
	_ =	sdelay $0x1  }
0x19a: {  	v20 =	vperm.xlane v19, v1;
	_ =	sdelay $0x1  }
0x19b: {  	v19 =	vadd.f32 v20, v19;
	_ =	sdelay $0x1  }
0x19c: {  	v20 =	vperm.xlane v19, v3;
	_ =	sdelay $0x1  }
0x19d: {  	v19 =	vadd.f32 v20, v19;
	_ =	sdelay $0x1  }
0x19e: {  	(v2sf) =	vpush v19, $0x0;
	_ =	sdelay $0x7  }
0x19f: {  	[tilespmem:s18+$0xC000] =	vst v22  }
0x1a0: {  	[tilespmem:s19+$0xC010] =	vst v47  }
0x1a1: {  	[tilespmem:s19+$0xC000] =	vst v32  }
0x1a2: {  	[tilespmem:s19+$0xC020] =	vst v50  }
0x1a3: {  	[tilespmem:s19+$0xC030] =	vst v53  }
0x1a4: {  	[tilespmem:s19+$0xC040] =	vst v17  }
0x1a5: {  	[tilespmem:s19+$0xC050] =	vst v56  }
0x1a6: {  	[tilespmem:s19+$0xC070] =	vst v60;
	s31 =	spop (v2sf)  }
0x1a7: {  	[tilespmem:s19+$0xC060] =	vst v16;
	p1 =	slt.f32 s31, $1.280000000e+02;
	p2 =	sgt.f32 s31, $1.280000000e+02  }
0x1a8: {  	[tilespmem:s20+$0xC010] =	vst v51  }
0x1a9: {  	[tilespmem:s20+$0xC020] =	vst v54;
	p1 =	por p2, p1  }
0x1aa: {  	[tilespmem:s20+$0xC030] =	vst v31;
	p1 =	por !p1, !p1  }
.Ltmp6:
0x1ab: {  	[tilespmem:s20+$0xC040] =	vst v57;
	(pc) =	sbr.rel @p1 .LBB2_14-.Ltmp6, $4  }
0x1ac: {  	[tilespmem:s20+$0xC050] =	vst v30  }
0x1ad: {  	[tilespmem:s20+$0xC070] =	vst v63  }
0x1ae: {  	[tilespmem:s20+$0xC060] =	vst v61  }
0x1af: {  	[tilespmem:s20+$0xC000] =	vst v25  }
0x1b0: {  	s19 =	simm.s32 $0x0  }
0x1b1: {  	v16 =	vld [tilespmem:s19+$0x4000]  }
0x1b2: {  	v17 =	vld [tilespmem:s19+$0x4010]  }
0x1b3: {  	v18 =	vld [tilespmem:s19+$0x4020]  }
0x1b4: {  	v19 =	vld [tilespmem:s19+$0x4030]  }
0x1b5: {  	v20 =	vld [tilespmem:s19+$0x4040]  }
0x1b6: {  	v21 =	vld [tilespmem:s19+$0x4050]  }
0x1b7: {  	v22 =	vld [tilespmem:s19+$0x4060];
	v23 =	vmax.f32 v16, v17  }
0x1b8: {  	v24 =	vld [tilespmem:s19+$0x4070];
	v23 =	vmax.f32 v23, v18  }
0x1b9: {  	v23 =	vmax.f32 v23, v19  }
0x1ba: {  	v23 =	vmax.f32 v23, v20  }
0x1bb: {  	v23 =	vmax.f32 v23, v21  }
0x1bc: {  	v23 =	vmax.f32 v23, v22  }
0x1bd: {  	v23 =	vmax.f32 v23, v24  }
0x1be: {  	s18 =	simm.s32 $0x80;
	v25 =	vperm.xlane v23, v2  }
0x1bf: {  	v26 =	vld [tilespmem:s18+$0x4000]  }
0x1c0: {  	v27 =	vld [tilespmem:s18+$0x4010];
	v23 =	vmax.f32 v23, v25  }
0x1c1: {  	v25 =	vld [tilespmem:s18+$0x4020];
	v28 =	vperm.xlane v23, v5  }
0x1c2: {  	v29 =	vld [tilespmem:s18+$0x4030]  }
0x1c3: {  	v30 =	vld [tilespmem:s18+$0x4040];
	v23 =	vmax.f32 v23, v28  }
0x1c4: {  	v28 =	vld [tilespmem:s18+$0x4050];
	v31 =	vperm.xlane v23, v6  }
0x1c5: {  	v32 =	vld [tilespmem:s18+$0x4060];
	v33 =	vmax.f32 v26, v27  }
0x1c6: {  	v56 =	vld [tilespmem:s18+$0x4070];
	v33 =	vmax.f32 v33, v25;
	v23 =	vmax.f32 v23, v31  }
0x1c7: {  	v31 =	vmax.f32 v33, v29;
	v55 =	vperm.xlane v23, v7  }
0x1c8: {  	v31 =	vmax.f32 v31, v30  }
0x1c9: {  	v31 =	vmax.f32 v31, v28;
	v23 =	vmax.f32 v23, v55  }
0x1ca: {  	v31 =	vmax.f32 v31, v32;
	vm0 =	veq.f32 v16, v23  }
0x1cb: {  	vm1 =	veq.f32 v17, v23;
	vm2 =	veq.f32 v18, v23;
	v18 =	vmax.f32 v31, v56  }
0x1cc: {  	v16 =	vnsel vm0, $0x43000000, v8;
	v17 =	vnsel vm1, $0x43000000, v9;
	vm0 =	veq.f32 v19, v23  }
0x1cd: {  	v19 =	vperm.xlane v18, v2;
	v16 =	vmin.f32 v16, v17;
	v17 =	vnsel vm2, $0x43000000, v10  }
0x1ce: {  	v16 =	vmin.f32 v16, v17;
	v17 =	vnsel vm0, $0x43000000, v11;
	vm0 =	veq.f32 v20, v23  }
0x1cf: {  	v16 =	vmin.f32 v16, v17;
	v17 =	vnsel vm0, $0x43000000, v12;
	vm0 =	veq.f32 v21, v23  }
0x1d0: {  	s20 =	simm.s32 $0x100;
	v16 =	vmin.f32 v16, v17;
	v17 =	vnsel vm0, $0x43000000, v13;
	vm0 =	veq.f32 v22, v23  }
0x1d1: {  	v20 =	vld [tilespmem:s20+$0x4000];
	v16 =	vmin.f32 v16, v17;
	v17 =	vnsel vm0, $0x43000000, v14;
	vm0 =	veq.f32 v24, v23  }
0x1d2: {  	v22 =	vld [tilespmem:s20+$0x4010];
	v23 =	vmax.f32 v18, v19;
	v16 =	vmin.f32 v16, v17;
	v17 =	vnsel vm0, $0x43000000, v15  }
0x1d3: {  	v21 =	vld [tilespmem:s20+$0x4020];
	v24 =	vperm.xlane v23, v5;
	v16 =	vmin.f32 v16, v17  }
0x1d4: {  	v19 =	vld [tilespmem:s20+$0x4030];
	v17 =	vperm.xlane v16, v2  }
0x1d5: {  	v18 =	vld [tilespmem:s20+$0x4040];
	v23 =	vmax.f32 v23, v24  }
0x1d6: {  	v24 =	vperm.xlane v23, v6;
	v16 =	vmin.f32 v16, v17;
	v17 =	vld [tilespmem:s20+$0x4050]  }
0x1d7: {  	v34 =	vmax.f32 v20, v22  }
0x1d8: {  	v34 =	vmax.f32 v34, v21;
	v31 =	vperm.xlane v16, v5;
	v23 =	vmax.f32 v23, v24  }
0x1d9: {  	v24 =	vmax.f32 v34, v19;
	v57 =	vperm.xlane v23, v7  }
0x1da: {  	v24 =	vmax.f32 v24, v18;
	v31 =	vmin.f32 v16, v31;
	v16 =	vld [tilespmem:s20+$0x4060]  }
0x1db: {  	v35 =	vperm.xlane v31, v6;
	v34 =	vmax.f32 v23, v57;
	v24 =	vmax.f32 v24, v17  }
0x1dc: {  	vm0 =	veq.f32 v25, v34;
	vm1 =	veq.f32 v26, v34;
	vm2 =	veq.f32 v27, v34  }
0x1dd: {  	v31 =	vmin.f32 v31, v35;
	v25 =	vnsel vm1, $0x43000000, v8;
	v26 =	vnsel vm2, $0x43000000, v9  }
0x1de: {  	v35 =	vperm.xlane v31, v7;
	v25 =	vmin.f32 v25, v26;
	v26 =	vnsel vm0, $0x43000000, v10  }
0x1df: {  	v23 =	vld [tilespmem:s20+$0x4070];
	vm0 =	veq.f32 v29, v34;
	v24 =	vmax.f32 v24, v16;
	v25 =	vmin.f32 v25, v26  }
0x1e0: {  	v26 =	vnsel vm0, $0x43000000, v11;
	vm0 =	veq.f32 v30, v34;
	v31 =	vmin.f32 v31, v35  }
0x1e1: {  	v25 =	vmin.f32 v25, v26;
	v26 =	vnsel vm0, $0x43000000, v12;
	vm0 =	veq.f32 v28, v34  }
0x1e2: {  	v25 =	vmin.f32 v25, v26;
	v26 =	vnsel vm0, $0x43000000, v13;
	vm0 =	veq.f32 v32, v34  }
0x1e3: {  	v25 =	vmin.f32 v25, v26;
	v26 =	vnsel vm0, $0x43000000, v14;
	vm0 =	veq.f32 v56, v34  }
0x1e4: {  	v28 =	vmax.f32 v24, v23;
	v24 =	vmin.f32 v25, v26;
	v25 =	vnsel vm0, $0x43000000, v15  }
0x1e5: {  	vm3 =	veq.f32 v31, v15;
	vm1 =	veq.f32 v31, v9;
	v30 =	vmin.f32 v24, v25  }
0x1e6: {  	s21 =	simm.s32 $0x180;
	vm2 =	veq.f32 v31, v10;
	v26 =	vperm.xlane v28, v2;
	v58 =	vperm.xlane v30, v2  }
0x1e7: {  	vm4 =	veq.f32 v31, v12;
	vm5 =	veq.f32 v31, v13;
	v27 =	vsel vm3, $0x3F800000, v4;
	v24 =	vld [tilespmem:s21+$0x4000]  }
0x1e8: {  	vm3 =	veq.f32 v31, v11;
	v25 =	vld [tilespmem:s21+$0x4010];
	v28 =	vmax.f32 v28, v26;
	v30 =	vmin.f32 v30, v58  }
0x1e9: {  	v29 =	vld [tilespmem:s21+$0x4020];
	vm0 =	veq.f32 v31, v8;
	[tilespmem:s19+$0xC070] =	vst v27;
	v59 =	vperm.xlane v28, v5;
	v27 =	vperm.xlane v30, v5  }
0x1ea: {  	v61 =	vsel vm2, $0x3F800000, v4;
	v60 =	vsel vm0, $0x3F800000, v4;
	vm0 =	veq.f32 v31, v14;
	v26 =	vld [tilespmem:s21+$0x4030]  }
0x1eb: {  	[tilespmem:s19+$0xC020] =	vst v61;
	v31 =	vmax.f32 v28, v59;
	v28 =	vsel vm1, $0x3F800000, v4;
	v36 =	vmin.f32 v30, v27;
	v27 =	vld [tilespmem:s21+$0x4040]  }
0x1ec: {  	v33 =	vperm.xlane v31, v6;
	[tilespmem:s19+$0xC010] =	vst v28;
	v28 =	vld [tilespmem:s21+$0x4050];
	v30 =	vsel vm3, $0x3F800000, v4  }
0x1ed: {  	v38 =	vsel vm4, $0x3F800000, v4;
	v62 =	vmax.f32 v24, v25;
	v37 =	vperm.xlane v36, v6;
	[tilespmem:s19+$0xC030] =	vst v30;
	v30 =	vld [tilespmem:s21+$0x4060]  }
0x1ee: {  	[tilespmem:s19+$0xC040] =	vst v38;
	v63 =	vmax.f32 v62, v29;
	v33 =	vmax.f32 v31, v33;
	v31 =	vsel vm5, $0x3F800000, v4  }
0x1ef: {  	s22 =	simm.s32 $0x800;
	[tilespmem:s19+$0xC000] =	vst v60;
	v35 =	vmax.f32 v63, v26;
	v34 =	vperm.xlane v33, v7;
	v32 =	vmin.f32 v36, v37  }
.LBB2_12:
0x1f0: {  	p1 =	sne.s32 s22, $0xFE00;
	v35 =	vmax.f32 v35, v27;
	v36 =	vperm.xlane v32, v7;
	[tilespmem:s19+$0xC050] =	vst v31;
	v31 =	vsel vm0, $0x3F800000, v4  }
0x1f1: {  	v35 =	vmax.f32 v35, v28;
	v33 =	vmax.f32 v33, v34;
	[tilespmem:s19+$0xC060] =	vst v31;
	s19 =	smov.u32 s18;
	s18 =	smov.u32 s20;
	s20 =	smov.u32 s21  }
0x1f2: {  	v31 =	vmax.f32 v35, v30;
	vm0 =	veq.f32 v21, v33;
	v32 =	vmin.f32 v32, v36;
	v21 =	vmovc v29  }
0x1f3: {  	vm1 =	veq.f32 v20, v33;
	vm2 =	veq.f32 v22, v33;
	v20 =	vmovc v24;
	vm3 =	veq.f32 v32, v15  }
0x1f4: {  	v22 =	vmovc v25;
	v24 =	vnsel vm1, $0x43000000, v8;
	v29 =	vnsel vm2, $0x43000000, v9;
	v34 =	vsel vm3, $0x3F800000, v4  }
0x1f5: {  	v24 =	vmin.f32 v24, v29;
	v29 =	vnsel vm0, $0x43000000, v10;
	vm0 =	veq.f32 v19, v33;
	v19 =	vmovc v26;
	v25 =	vld [tilespmem:s20+$0x4070];
	[tilespmem:s19+$0xC070] =	vst v34  }
0x1f6: {  	v24 =	vmin.f32 v24, v29;
	v26 =	vnsel vm0, $0x43000000, v11;
	vm0 =	veq.f32 v18, v33;
	v18 =	vmovc v27  }
0x1f7: {  	v24 =	vmin.f32 v24, v26;
	v26 =	vnsel vm0, $0x43000000, v12;
	vm0 =	veq.f32 v17, v33;
	v17 =	vmovc v28  }
0x1f8: {  	v24 =	vmin.f32 v24, v26;
	v26 =	vnsel vm0, $0x43000000, v13;
	vm0 =	veq.f32 v16, v33;
	v16 =	vmovc v30  }
0x1f9: {  	v24 =	vmin.f32 v24, v26;
	v26 =	vnsel vm0, $0x43000000, v14;
	vm0 =	veq.f32 v23, v33  }
0x1fa: {  	v24 =	vmin.f32 v24, v26;
	v26 =	vnsel vm0, $0x43000000, v15;
	v27 =	vmax.f32 v31, v25;
	v23 =	vmovc v25  }
0x1fb: {  	s21 =	sshra.s32 s22, $0x2;
	vm0 =	veq.f32 v32, v8;
	v26 =	vmin.f32 v24, v26;
	v28 =	vperm.xlane v27, v2  }
0x1fc: {  	vm1 =	veq.f32 v32, v9;
	vm2 =	veq.f32 v32, v10;
	v30 =	vperm.xlane v26, v2;
	v24 =	vld [tilespmem:s21+$0x4000]  }
0x1fd: {  	vm4 =	veq.f32 v32, v12;
	vm3 =	veq.f32 v32, v11;
	v25 =	vld [tilespmem:s21+$0x4010];
	v28 =	vmax.f32 v27, v28  }
0x1fe: {  	vm5 =	veq.f32 v32, v13;
	v30 =	vmin.f32 v26, v30;
	v29 =	vld [tilespmem:s21+$0x4020];
	v31 =	vperm.xlane v28, v5  }
0x1ff: {  	v34 =	vsel vm0, $0x3F800000, v4;
	vm0 =	veq.f32 v32, v14;
	v33 =	vperm.xlane v30, v5;
	v26 =	vld [tilespmem:s21+$0x4030]  }
.Ltmp7:
0x200: {  	v32 =	vsel vm1, $0x3F800000, v4;
	v27 =	vld [tilespmem:s21+$0x4040];
	v31 =	vmax.f32 v28, v31;
	[tilespmem:s19+$0xC000] =	vst v34;
	v34 =	vsel vm2, $0x3F800000, v4;
	(pc) =	sbr.rel @p1 .LBB2_12-.Ltmp7, $4  }
0x201: {  	v36 =	vmin.f32 v30, v33;
	v28 =	vld [tilespmem:s21+$0x4050];
	v35 =	vperm.xlane v31, v6;
	[tilespmem:s19+$0xC010] =	vst v32;
	v32 =	vsel vm3, $0x3F800000, v4  }
0x202: {  	v38 =	vsel vm4, $0x3F800000, v4;
	v37 =	vperm.xlane v36, v6;
	v30 =	vld [tilespmem:s21+$0x4060];
	v33 =	vmax.f32 v24, v25;
	[tilespmem:s19+$0xC020] =	vst v34  }
0x203: {  	v34 =	vmax.f32 v33, v29;
	v33 =	vmax.f32 v31, v35;
	[tilespmem:s19+$0xC030] =	vst v32;
	v31 =	vsel vm5, $0x3F800000, v4  }
0x204: {  	s22 =	sadd.s32 $0x200, s22;
	v32 =	vmin.f32 v36, v37;
	v35 =	vmax.f32 v34, v26;
	v34 =	vperm.xlane v33, v7;
	[tilespmem:s19+$0xC040] =	vst v38  }
0x205: {  	v36 =	vld [tilespmem:s21+$0x4070]  }
0x206: {  	v35 =	vmax.f32 v35, v27;
	v33 =	vmax.f32 v33, v34  }
0x207: {  	v61 =	vperm.xlane v32, v7;
	v53 =	vmax.f32 v35, v28;
	vm1 =	veq.f32 v20, v33  }
0x208: {  	vm2 =	veq.f32 v22, v33;
	vm3 =	veq.f32 v21, v33;
	v55 =	vmax.f32 v53, v30  }
0x209: {  	vm15 =	veq.f32 v19, v33;
	vm4 =	veq.f32 v18, v33;
	vm5 =	veq.f32 v17, v33  }
0x20a: {  	v20 =	vnsel vm1, $0x43000000, v8;
	v54 =	vnsel vm2, $0x43000000, v9;
	v58 =	vmax.f32 v55, v36  }
0x20b: {  	v56 =	vnsel vm3, $0x43000000, v10;
	v20 =	vmin.f32 v20, v54;
	v60 =	vperm.xlane v58, v2  }
0x20c: {  	vm6 =	veq.f32 v16, v33;
	v59 =	vnsel vm15, $0x43000000, v11;
	v57 =	vmin.f32 v20, v56  }
0x20d: {  	v62 =	vnsel vm4, $0x43000000, v12;
	v19 =	vmin.f32 v57, v59;
	v18 =	vmax.f32 v58, v60  }
0x20e: {  	v63 =	vnsel vm5, $0x43000000, v13;
	v17 =	vmin.f32 v19, v62;
	v16 =	vperm.xlane v18, v5  }
0x20f: {  	vm7 =	veq.f32 v23, v33;
	v21 =	vnsel vm6, $0x43000000, v14;
	v17 =	vmin.f32 v17, v63  }
0x210: {  	v23 =	vnsel vm7, $0x43000000, v15;
	v17 =	vmin.f32 v17, v21;
	v16 =	vmax.f32 v18, v16  }
0x211: {  	v17 =	vmin.f32 v17, v23;
	v33 =	vperm.xlane v16, v6  }
0x212: {  	v35 =	vsel vm0, $0x3F800000, v4;
	v32 =	vmin.f32 v32, v61;
	v34 =	vperm.xlane v17, v2  }
0x213: {  	vm8 =	veq.f32 v32, v15;
	vm9 =	veq.f32 v32, v8;
	v16 =	vmax.f32 v16, v33  }
0x214: {  	vm10 =	veq.f32 v32, v9;
	v17 =	vmin.f32 v17, v34;
	v19 =	vperm.xlane v16, v7  }
0x215: {  	vm11 =	veq.f32 v32, v10;
	vm12 =	veq.f32 v32, v11;
	v20 =	vperm.xlane v17, v5  }
0x216: {  	v37 =	vsel vm8, $0x3F800000, v4;
	v38 =	vsel vm9, $0x3F800000, v4;
	v16 =	vmax.f32 v16, v19  }
0x217: {  	v17 =	vmin.f32 v17, v20;
	vm13 =	veq.f32 v24, v16;
	vm4 =	veq.f32 v25, v16  }
0x218: {  	vm5 =	veq.f32 v29, v16;
	v39 =	vnsel vm13, $0x43000000, v8;
	v40 =	vnsel vm4, $0x43000000, v9  }
0x219: {  	vm14 =	veq.f32 v26, v16;
	v41 =	vnsel vm5, $0x43000000, v10;
	v19 =	vmin.f32 v39, v40  }
0x21a: {  	vm15 =	veq.f32 v27, v16;
	v42 =	vnsel vm14, $0x43000000, v11;
	v19 =	vmin.f32 v19, v41  }
0x21b: {  	vm6 =	veq.f32 v28, v16;
	v43 =	vnsel vm15, $0x43000000, v12;
	v19 =	vmin.f32 v19, v42  }
0x21c: {  	[tilespmem:s19+$0xC050] =	vst v31;
	vm7 =	veq.f32 v30, v16;
	v44 =	vnsel vm6, $0x43000000, v13;
	v19 =	vmin.f32 v19, v43  }
0x21d: {  	[tilespmem:s19+$0xC060] =	vst v35;
	vm8 =	veq.f32 v36, v16;
	v45 =	vnsel vm7, $0x43000000, v14;
	v19 =	vmin.f32 v19, v44  }
0x21e: {  	[tilespmem:s18+$0xC070] =	vst v37;
	v16 =	vperm.xlane v17, v6;
	v46 =	vnsel vm8, $0x43000000, v15;
	v19 =	vmin.f32 v19, v45  }
0x21f: {  	vm9 =	veq.f32 v32, v12;
	v47 =	vsel vm10, $0x3F800000, v4;
	[tilespmem:s18+$0xC000] =	vst v38;
	v19 =	vmin.f32 v19, v46  }
0x220: {  	v48 =	vsel vm11, $0x3F800000, v4;
	[tilespmem:s18+$0xC010] =	vst v47;
	v16 =	vmin.f32 v17, v16;
	v17 =	vperm.xlane v19, v2  }
0x221: {  	vm10 =	veq.f32 v32, v13;
	v49 =	vsel vm12, $0x3F800000, v4;
	[tilespmem:s18+$0xC020] =	vst v48;
	v50 =	vperm.xlane v16, v7  }
0x222: {  	vm11 =	veq.f32 v32, v14;
	v51 =	vsel vm9, $0x3F800000, v4;
	[tilespmem:s18+$0xC030] =	vst v49;
	v17 =	vmin.f32 v19, v17  }
0x223: {  	v52 =	vsel vm10, $0x3F800000, v4;
	[tilespmem:s18+$0xC040] =	vst v51;
	v16 =	vmin.f32 v16, v50;
	v53 =	vperm.xlane v17, v5  }
0x224: {  	v54 =	vsel vm11, $0x3F800000, v4;
	[tilespmem:s18+$0xC050] =	vst v52;
	vm12 =	veq.f32 v16, v15  }
0x225: {  	[tilespmem:s18+$0xC060] =	vst v54;
	vm13 =	veq.f32 v16, v8;
	v55 =	vsel vm12, $0x3F800000, v4;
	v17 =	vmin.f32 v17, v53  }
0x226: {  	vm14 =	veq.f32 v16, v9;
	v56 =	vsel vm13, $0x3F800000, v4;
	[tilespmem:s20+$0xC070] =	vst v55;
	v57 =	vperm.xlane v17, v6  }
0x227: {  	vm15 =	veq.f32 v16, v10;
	v58 =	vsel vm14, $0x3F800000, v4;
	[tilespmem:s20+$0xC000] =	vst v56  }
0x228: {  	vm4 =	veq.f32 v16, v11;
	v59 =	vsel vm15, $0x3F800000, v4;
	[tilespmem:s20+$0xC010] =	vst v58;
	v17 =	vmin.f32 v17, v57  }
0x229: {  	vm5 =	veq.f32 v16, v12;
	v60 =	vsel vm4, $0x3F800000, v4;
	[tilespmem:s20+$0xC020] =	vst v59;
	v19 =	vperm.xlane v17, v7  }
0x22a: {  	vm6 =	veq.f32 v16, v13;
	v61 =	vsel vm5, $0x3F800000, v4;
	[tilespmem:s20+$0xC030] =	vst v60  }
0x22b: {  	vm7 =	veq.f32 v16, v14;
	v16 =	vsel vm6, $0x3F800000, v4;
	[tilespmem:s20+$0xC040] =	vst v61;
	v17 =	vmin.f32 v17, v19  }
0x22c: {  	[tilespmem:s20+$0xC050] =	vst v16;
	v16 =	vsel vm7, $0x3F800000, v4;
	vm8 =	veq.f32 v17, v15  }
0x22d: {  	[tilespmem:s20+$0xC060] =	vst v16;
	vm11 =	veq.f32 v17, v10;
	v16 =	vsel vm8, $0x3F800000, v4  }
0x22e: {  	vm13 =	veq.f32 v17, v12;
	v62 =	vsel vm11, $0x3F800000, v4;
	[tilespmem:s21+$0xC070] =	vst v16  }
0x22f: {  	vm9 =	veq.f32 v17, v8;
	v63 =	vsel vm13, $0x3F800000, v4;
	[tilespmem:s21+$0xC020] =	vst v62  }
0x230: {  	vm10 =	veq.f32 v17, v9;
	v16 =	vsel vm9, $0x3F800000, v4;
	[tilespmem:s21+$0xC040] =	vst v63  }
0x231: {  	vm12 =	veq.f32 v17, v11;
	[tilespmem:s21+$0xC000] =	vst v16;
	v16 =	vsel vm10, $0x3F800000, v4  }
0x232: {  	vm14 =	veq.f32 v17, v13;
	[tilespmem:s21+$0xC010] =	vst v16;
	v16 =	vsel vm12, $0x3F800000, v4  }
0x233: {  	vm15 =	veq.f32 v17, v14;
	[tilespmem:s21+$0xC030] =	vst v16;
	v16 =	vsel vm14, $0x3F800000, v4  }
0x234: {  	[tilespmem:s21+$0xC050] =	vst v16;
	v16 =	vsel vm15, $0x3F800000, v4  }
0x235: {  	[tilespmem:s21+$0xC060] =	vst v16  }
.LBB2_14:
.Ltmp8:
0x236: {  	(pc) =	sbr.rel @!p0 .LBB2_16-.Ltmp8, $3  }
0x237: {  	_ =	sdelay $0x1  }
0x238: {  	s17 =	sadd.s32 s9, s17  }
0x239: {  	[hbm4b:s17+s2] =	stream.linear.scatter [tilespmem:s13], [sflag:$0x4], $0x4000, $0x38;
	[tilespmem:$0x10000] =	vst v63  }
.Ltmp9:
0x23a: {  	(pc) =	sbr.rel .LBB2_2-.Ltmp9, $3  }
0x23b: {  	_ =	sdelay $0x1  }
0x23c: {  	s17 =	simm.s32 $0x1000  }
0x23d: {  	p0 =	por $0x0, $0x0;
	p1 =	por $0x1, $0x1;
	s18 =	smov.u32 s7  }
.LBB2_17:
0x23e: {  	_ =	sfence.sel $0x180000  }
0x23f: {  	[bflag:$0x0] =	sbarrier.arrive $0xFFFF  }
0x240: {  	p0 =	sne.s32 s0, $0x0;
	_ =	strace $0x90000047  }
0x241: {  	s0 =	sadd.s32 @!p0 $0x100000, s1;
	[bflag:$0x2] =	sbarrier.arrive $0xFFFF  }
0x242: {  	[sflag:s0] =	ssyncadd.tile.s32 @!p0 $0x1;
	_ =	shalt  }
.Lfunc_end2:
_tile_overlayer_lowered:
.L_overlay_start_2:
0x243: {  	(tag) =	ssettag $0x2  }
0x244: {  	s0 =	rddreg [dreg:$0x0];
	s2 =	stileid.u32  }
0x245: {  	s1 =	rddreg [dreg:$0x1];
	p0 =	sne.s32 s2, $0x0  }
0x246: {  	s3 =	rddreg [dreg:$0x2];
	[bflag:$0x3] =	sbarrier.arrive $0xFFFF;
	s2 =	simm.s32 @!p0 $0x1C05  }
0x247: {  	[timem:s3], [sflag:s2] =	dma.local @!p0 [hbm:s0], s1  }
0x248: {  	s0 =	simm.s32 @!p0 $0x5  }
0x249: {  	_ =	swait.ge @!p0 [sflag:s0], s1  }
0x24a: {  	s1 =	ssub.s32 @!p0 $0x0, s1;
	[sflag:s0] =	ssyncset.done @!p0 $0x0  }
0x24b: {  	[sflag:s0] =	ssyncadd.s32 @!p0 s1  }
0x24c: {  	[bflag:$0x3] =	sbarrier.arrive $0xFFFF  }
0x24d: {  	_ =	shalt  }

</sc_bundles>
